<compile_context>
chip_gen: v7x
topology: tpu7x:2x2x1
jax: 0.10.2.dev20260603
libtpu: 0.0.44.dev20260713+nightly
codegen_flags: <defaults>
</compile_context>

<pallas_src>
import functools

import jax
import jax.numpy as jnp
from jax import lax
from jax.experimental import pallas as pl
from jax.experimental.pallas import tpu as pltpu
from jax.experimental.pallas import tpu_sc as plsc

DICT_SIZE = 1000000
EMBD_SIZE = 32
N_SEQ = 16384
N_TOK = 50

_INFO = plsc.get_sparse_core_info()
NC, NS = _INFO.num_cores, _INFO.num_subcores
NW = NC * NS
S_PER_W = N_SEQ // NW
NBUF = 16
NGRP = S_PER_W // NBUF

assert N_SEQ % NW == 0 and S_PER_W % NBUF == 0

_mesh = plsc.VectorSubcoreMesh(core_axis_name="c", subcore_axis_name="s")


@functools.partial(
    pl.kernel,
    mesh=_mesh,
    out_type=jax.ShapeDtypeStruct((N_SEQ, N_TOK, EMBD_SIZE), jnp.float32),
    scratch_types=[
        pltpu.VMEM((S_PER_W, N_TOK), jnp.int32),
        [pltpu.VMEM((N_TOK, EMBD_SIZE), jnp.float32)] * NBUF,
        [pltpu.SemaphoreType.DMA] * NBUF,
    ],
    compiler_params=pltpu.CompilerParams(use_tc_tiling_on_sc=False),
)
def _gather_kernel(idx_hbm, table_hbm, out_hbm, idx_v, rows, sems):
    wid = lax.axis_index("s") * NC + lax.axis_index("c")
    base = wid * S_PER_W

    pltpu.sync_copy(idx_hbm.at[pl.ds(base, S_PER_W)], idx_v)

    for b in range(NBUF):
        pltpu.async_copy(table_hbm.at[idx_v.at[b]], rows[b], sems[b])

    def group(g, carry):
        for b in range(NBUF):
            j = g * NBUF + b
            pltpu.make_async_copy(
                table_hbm.at[idx_v.at[j]], rows[b], sems[b]).wait()
            pltpu.sync_copy(rows[b], out_hbm.at[base + j])
            pltpu.async_copy(
                table_hbm.at[idx_v.at[j + NBUF]], rows[b], sems[b])
        return carry

    lax.fori_loop(0, NGRP - 1, group, 0)

    for b in range(NBUF):
        j = (NGRP - 1) * NBUF + b
        pltpu.make_async_copy(
            table_hbm.at[idx_v.at[j]], rows[b], sems[b]).wait()
        pltpu.sync_copy(rows[b], out_hbm.at[base + j])


def kernel(indices, weight):
    return _gather_kernel(indices.astype(jnp.int32), weight)

# --- scband reference (transcript-rebuilt; emitter-appended) ---
"""Pipeline reference for scband-super-embedding-25125558681728 (READ-ONLY COPY).

The authoritative reference and input builder live on the scoring server;
editing this copy changes nothing except your own understanding.
"""

import jax, jax.numpy as jnp
import numpy as np

DICT_SIZE = 1000000
EMBD_SIZE = 32

def setup_inputs(seed: int = 0) -> dict:
    key = jax.random.key(seed)
    k_idx, k_w = jax.random.split(key)
    indices = jax.random.randint(k_idx, (16384, 50), 0, DICT_SIZE, dtype=jnp.int64 if jax.config.read('jax_enable_x64') else jnp.int32)
    # embedding table, default nn.Embedding init is N(0,1)
    weight = jax.random.normal(k_w, (DICT_SIZE, EMBD_SIZE), dtype=jnp.float32)
    return {"indices": indices, "weight": weight}

def reference(indices, weight):
    # SuperEmbedding.forward == nn.Embedding lookup (padding_idx=None)
    return jnp.take(weight, indices, axis=0)

if __name__ == "__main__":
    import jax
    _d = setup_inputs()
    print(jax.jit(kernel)(*tuple(_d.values())))

</pallas_src>

<mosaic_0001>
#map = affine_map<(d0, d1) -> (0, 0)>
#map1 = affine_map<(d0, d1) -> (0, 0, 0)>
module attributes {stable_mosaic.version = 14 : i64} {
  func.func @_gather_kernel(%arg0: i32, %arg1: i32, %arg2: memref<16384x50xi32, #tpu.memory_space<hbm>>, %arg3: memref<1000000x32xf32, #tpu.memory_space<hbm>>, %arg4: memref<16384x50x32xf32, #tpu.memory_space<hbm>>, %arg5: memref<512x50xi32, #tpu.memory_space<vmem>>, %arg6: memref<50x32xf32, #tpu.memory_space<vmem>>, %arg7: memref<50x32xf32, #tpu.memory_space<vmem>>, %arg8: memref<50x32xf32, #tpu.memory_space<vmem>>, %arg9: memref<50x32xf32, #tpu.memory_space<vmem>>, %arg10: memref<50x32xf32, #tpu.memory_space<vmem>>, %arg11: memref<50x32xf32, #tpu.memory_space<vmem>>, %arg12: memref<50x32xf32, #tpu.memory_space<vmem>>, %arg13: memref<50x32xf32, #tpu.memory_space<vmem>>, %arg14: memref<50x32xf32, #tpu.memory_space<vmem>>, %arg15: memref<50x32xf32, #tpu.memory_space<vmem>>, %arg16: memref<50x32xf32, #tpu.memory_space<vmem>>, %arg17: memref<50x32xf32, #tpu.memory_space<vmem>>, %arg18: memref<50x32xf32, #tpu.memory_space<vmem>>, %arg19: memref<50x32xf32, #tpu.memory_space<vmem>>, %arg20: memref<50x32xf32, #tpu.memory_space<vmem>>, %arg21: memref<50x32xf32, #tpu.memory_space<vmem>>, %arg22: memref<!tpu.dma_semaphore, #tpu.memory_space<semaphore_mem>>, %arg23: memref<!tpu.dma_semaphore, #tpu.memory_space<semaphore_mem>>, %arg24: memref<!tpu.dma_semaphore, #tpu.memory_space<semaphore_mem>>, %arg25: memref<!tpu.dma_semaphore, #tpu.memory_space<semaphore_mem>>, %arg26: memref<!tpu.dma_semaphore, #tpu.memory_space<semaphore_mem>>, %arg27: memref<!tpu.dma_semaphore, #tpu.memory_space<semaphore_mem>>, %arg28: memref<!tpu.dma_semaphore, #tpu.memory_space<semaphore_mem>>, %arg29: memref<!tpu.dma_semaphore, #tpu.memory_space<semaphore_mem>>, %arg30: memref<!tpu.dma_semaphore, #tpu.memory_space<semaphore_mem>>, %arg31: memref<!tpu.dma_semaphore, #tpu.memory_space<semaphore_mem>>, %arg32: memref<!tpu.dma_semaphore, #tpu.memory_space<semaphore_mem>>, %arg33: memref<!tpu.dma_semaphore, #tpu.memory_space<semaphore_mem>>, %arg34: memref<!tpu.dma_semaphore, #tpu.memory_space<semaphore_mem>>, %arg35: memref<!tpu.dma_semaphore, #tpu.memory_space<semaphore_mem>>, %arg36: memref<!tpu.dma_semaphore, #tpu.memory_space<semaphore_mem>>, %arg37: memref<!tpu.dma_semaphore, #tpu.memory_space<semaphore_mem>>) attributes {dimension_semantics = [#tpu.dimension_semantics<core_parallel>, #tpu.dimension_semantics<subcore_parallel>], iteration_bounds = array<i64: 2, 16>, scalar_prefetch = 0 : i64, scratch_operands = 33 : i64, tpu.core_type = #tpu.core_type<sc_vector_subcore>, window_params = [{transform_indices = #map}, {transform_indices = #map}, {transform_indices = #map1}]} {
    %mul3A = arith.constant 2 : i32
    %mul3A_0 = arith.muli %arg1, %mul3A : i32
    %add3A = arith.addi %mul3A_0, %arg0 : i32
    %mul3A_1 = arith.constant 512 : i32
    %mul3A_2 = arith.muli %add3A, %mul3A_1 : i32
    "tpu.region"() ({
      %run_scoped3A = tpu.sem_alloc : memref<!tpu.dma_semaphore, #tpu.memory_space<semaphore_mem>>
      %dma_start3A_262 = arith.constant 0 : i32
      %dma_start3A_263 = tpu.memref_slice %arg2[%mul3A_2, %dma_start3A_262] : memref<16384x50xi32, #tpu.memory_space<hbm>> -> memref<512x50xi32, #tpu.memory_space<hbm>>
      %dma_start3A_264 = arith.constant 0 : i32
      %dma_start3A_265 = tpu.memref_slice %arg2[%mul3A_2, %dma_start3A_264] : memref<16384x50xi32, #tpu.memory_space<hbm>> -> memref<512x50xi32, #tpu.memory_space<hbm>>
      tpu.enqueue_dma source(%dma_start3A_265 : memref<512x50xi32, #tpu.memory_space<hbm>>) target(%arg5 : memref<512x50xi32, #tpu.memory_space<vmem>>) target_semaphore(%run_scoped3A : memref<!tpu.dma_semaphore, #tpu.memory_space<semaphore_mem>>)
      %dma_wait3A_266 = arith.constant 0 : i32
      %dma_wait3A_267 = tpu.memref_slice %arg2[%mul3A_2, %dma_wait3A_266] : memref<16384x50xi32, #tpu.memory_space<hbm>> -> memref<512x50xi32, #tpu.memory_space<hbm>>
      %dma_wait3A_268 = arith.constant 0 : i32
      %dma_wait3A_269 = tpu.memref_slice %arg2[%mul3A_2, %dma_wait3A_268] : memref<16384x50xi32, #tpu.memory_space<hbm>> -> memref<512x50xi32, #tpu.memory_space<hbm>>
      tpu.wait_dma2 semaphore(%run_scoped3A : memref<!tpu.dma_semaphore, #tpu.memory_space<semaphore_mem>>) src(%dma_wait3A_269 : memref<512x50xi32, #tpu.memory_space<hbm>>) dst(%arg5 : memref<512x50xi32, #tpu.memory_space<vmem>>)
      tpu.yield
    }) : () -> ()
    %dma_start3A = arith.constant 0 : i32
    %dma_start3A_3 = arith.constant 0 : i32
    %dma_start3A_4 = tpu.memref_slice %arg5[%dma_start3A, %dma_start3A_3] : memref<512x50xi32, #tpu.memory_space<vmem>> -> memref<1x50xi32, #tpu.memory_space<vmem>>
    %dma_start3A_5 = tpu.memref_squeeze %dma_start3A_4 : memref<1x50xi32, #tpu.memory_space<vmem>> -> memref<50xi32, #tpu.memory_space<vmem>>
    %dma_start3A_6 = arith.constant 0 : i32
    %dma_start3A_7 = arith.constant 0 : i32
    %dma_start3A_8 = tpu.memref_slice %arg3[%dma_start3A_6, %dma_start3A_7] : memref<1000000x32xf32, #tpu.memory_space<hbm>> -> memref<1000000x32xf32, #tpu.memory_space<hbm>>
    tpu.enqueue_indirect_dma source(%dma_start3A_8 : memref<1000000x32xf32, #tpu.memory_space<hbm>>) target(%arg6 : memref<50x32xf32, #tpu.memory_space<vmem>>) offsets(%dma_start3A_5 : memref<50xi32, #tpu.memory_space<vmem>>) semaphore(%arg22 : memref<!tpu.dma_semaphore, #tpu.memory_space<semaphore_mem>>)
    %dma_start3A_9 = arith.constant 1 : i32
    %dma_start3A_10 = arith.constant 0 : i32
    %dma_start3A_11 = tpu.memref_slice %arg5[%dma_start3A_9, %dma_start3A_10] : memref<512x50xi32, #tpu.memory_space<vmem>> -> memref<1x50xi32, #tpu.memory_space<vmem>>
    %dma_start3A_12 = tpu.memref_squeeze %dma_start3A_11 : memref<1x50xi32, #tpu.memory_space<vmem>> -> memref<50xi32, #tpu.memory_space<vmem>>
    %dma_start3A_13 = arith.constant 0 : i32
    %dma_start3A_14 = arith.constant 0 : i32
    %dma_start3A_15 = tpu.memref_slice %arg3[%dma_start3A_13, %dma_start3A_14] : memref<1000000x32xf32, #tpu.memory_space<hbm>> -> memref<1000000x32xf32, #tpu.memory_space<hbm>>
    tpu.enqueue_indirect_dma source(%dma_start3A_15 : memref<1000000x32xf32, #tpu.memory_space<hbm>>) target(%arg7 : memref<50x32xf32, #tpu.memory_space<vmem>>) offsets(%dma_start3A_12 : memref<50xi32, #tpu.memory_space<vmem>>) semaphore(%arg23 : memref<!tpu.dma_semaphore, #tpu.memory_space<semaphore_mem>>)
    %dma_start3A_16 = arith.constant 2 : i32
    %dma_start3A_17 = arith.constant 0 : i32
    %dma_start3A_18 = tpu.memref_slice %arg5[%dma_start3A_16, %dma_start3A_17] : memref<512x50xi32, #tpu.memory_space<vmem>> -> memref<1x50xi32, #tpu.memory_space<vmem>>
    %dma_start3A_19 = tpu.memref_squeeze %dma_start3A_18 : memref<1x50xi32, #tpu.memory_space<vmem>> -> memref<50xi32, #tpu.memory_space<vmem>>
    %dma_start3A_20 = arith.constant 0 : i32
    %dma_start3A_21 = arith.constant 0 : i32
    %dma_start3A_22 = tpu.memref_slice %arg3[%dma_start3A_20, %dma_start3A_21] : memref<1000000x32xf32, #tpu.memory_space<hbm>> -> memref<1000000x32xf32, #tpu.memory_space<hbm>>
    tpu.enqueue_indirect_dma source(%dma_start3A_22 : memref<1000000x32xf32, #tpu.memory_space<hbm>>) target(%arg8 : memref<50x32xf32, #tpu.memory_space<vmem>>) offsets(%dma_start3A_19 : memref<50xi32, #tpu.memory_space<vmem>>) semaphore(%arg24 : memref<!tpu.dma_semaphore, #tpu.memory_space<semaphore_mem>>)
    %dma_start3A_23 = arith.constant 3 : i32
    %dma_start3A_24 = arith.constant 0 : i32
    %dma_start3A_25 = tpu.memref_slice %arg5[%dma_start3A_23, %dma_start3A_24] : memref<512x50xi32, #tpu.memory_space<vmem>> -> memref<1x50xi32, #tpu.memory_space<vmem>>
    %dma_start3A_26 = tpu.memref_squeeze %dma_start3A_25 : memref<1x50xi32, #tpu.memory_space<vmem>> -> memref<50xi32, #tpu.memory_space<vmem>>
    %dma_start3A_27 = arith.constant 0 : i32
    %dma_start3A_28 = arith.constant 0 : i32
    %dma_start3A_29 = tpu.memref_slice %arg3[%dma_start3A_27, %dma_start3A_28] : memref<1000000x32xf32, #tpu.memory_space<hbm>> -> memref<1000000x32xf32, #tpu.memory_space<hbm>>
    tpu.enqueue_indirect_dma source(%dma_start3A_29 : memref<1000000x32xf32, #tpu.memory_space<hbm>>) target(%arg9 : memref<50x32xf32, #tpu.memory_space<vmem>>) offsets(%dma_start3A_26 : memref<50xi32, #tpu.memory_space<vmem>>) semaphore(%arg25 : memref<!tpu.dma_semaphore, #tpu.memory_space<semaphore_mem>>)
    %dma_start3A_30 = arith.constant 4 : i32
    %dma_start3A_31 = arith.constant 0 : i32
    %dma_start3A_32 = tpu.memref_slice %arg5[%dma_start3A_30, %dma_start3A_31] : memref<512x50xi32, #tpu.memory_space<vmem>> -> memref<1x50xi32, #tpu.memory_space<vmem>>
    %dma_start3A_33 = tpu.memref_squeeze %dma_start3A_32 : memref<1x50xi32, #tpu.memory_space<vmem>> -> memref<50xi32, #tpu.memory_space<vmem>>
    %dma_start3A_34 = arith.constant 0 : i32
    %dma_start3A_35 = arith.constant 0 : i32
    %dma_start3A_36 = tpu.memref_slice %arg3[%dma_start3A_34, %dma_start3A_35] : memref<1000000x32xf32, #tpu.memory_space<hbm>> -> memref<1000000x32xf32, #tpu.memory_space<hbm>>
    tpu.enqueue_indirect_dma source(%dma_start3A_36 : memref<1000000x32xf32, #tpu.memory_space<hbm>>) target(%arg10 : memref<50x32xf32, #tpu.memory_space<vmem>>) offsets(%dma_start3A_33 : memref<50xi32, #tpu.memory_space<vmem>>) semaphore(%arg26 : memref<!tpu.dma_semaphore, #tpu.memory_space<semaphore_mem>>)
    %dma_start3A_37 = arith.constant 5 : i32
    %dma_start3A_38 = arith.constant 0 : i32
    %dma_start3A_39 = tpu.memref_slice %arg5[%dma_start3A_37, %dma_start3A_38] : memref<512x50xi32, #tpu.memory_space<vmem>> -> memref<1x50xi32, #tpu.memory_space<vmem>>
    %dma_start3A_40 = tpu.memref_squeeze %dma_start3A_39 : memref<1x50xi32, #tpu.memory_space<vmem>> -> memref<50xi32, #tpu.memory_space<vmem>>
    %dma_start3A_41 = arith.constant 0 : i32
    %dma_start3A_42 = arith.constant 0 : i32
    %dma_start3A_43 = tpu.memref_slice %arg3[%dma_start3A_41, %dma_start3A_42] : memref<1000000x32xf32, #tpu.memory_space<hbm>> -> memref<1000000x32xf32, #tpu.memory_space<hbm>>
    tpu.enqueue_indirect_dma source(%dma_start3A_43 : memref<1000000x32xf32, #tpu.memory_space<hbm>>) target(%arg11 : memref<50x32xf32, #tpu.memory_space<vmem>>) offsets(%dma_start3A_40 : memref<50xi32, #tpu.memory_space<vmem>>) semaphore(%arg27 : memref<!tpu.dma_semaphore, #tpu.memory_space<semaphore_mem>>)
    %dma_start3A_44 = arith.constant 6 : i32
    %dma_start3A_45 = arith.constant 0 : i32
    %dma_start3A_46 = tpu.memref_slice %arg5[%dma_start3A_44, %dma_start3A_45] : memref<512x50xi32, #tpu.memory_space<vmem>> -> memref<1x50xi32, #tpu.memory_space<vmem>>
    %dma_start3A_47 = tpu.memref_squeeze %dma_start3A_46 : memref<1x50xi32, #tpu.memory_space<vmem>> -> memref<50xi32, #tpu.memory_space<vmem>>
    %dma_start3A_48 = arith.constant 0 : i32
    %dma_start3A_49 = arith.constant 0 : i32
    %dma_start3A_50 = tpu.memref_slice %arg3[%dma_start3A_48, %dma_start3A_49] : memref<1000000x32xf32, #tpu.memory_space<hbm>> -> memref<1000000x32xf32, #tpu.memory_space<hbm>>
    tpu.enqueue_indirect_dma source(%dma_start3A_50 : memref<1000000x32xf32, #tpu.memory_space<hbm>>) target(%arg12 : memref<50x32xf32, #tpu.memory_space<vmem>>) offsets(%dma_start3A_47 : memref<50xi32, #tpu.memory_space<vmem>>) semaphore(%arg28 : memref<!tpu.dma_semaphore, #tpu.memory_space<semaphore_mem>>)
    %dma_start3A_51 = arith.constant 7 : i32
    %dma_start3A_52 = arith.constant 0 : i32
    %dma_start3A_53 = tpu.memref_slice %arg5[%dma_start3A_51, %dma_start3A_52] : memref<512x50xi32, #tpu.memory_space<vmem>> -> memref<1x50xi32, #tpu.memory_space<vmem>>
    %dma_start3A_54 = tpu.memref_squeeze %dma_start3A_53 : memref<1x50xi32, #tpu.memory_space<vmem>> -> memref<50xi32, #tpu.memory_space<vmem>>
    %dma_start3A_55 = arith.constant 0 : i32
    %dma_start3A_56 = arith.constant 0 : i32
    %dma_start3A_57 = tpu.memref_slice %arg3[%dma_start3A_55, %dma_start3A_56] : memref<1000000x32xf32, #tpu.memory_space<hbm>> -> memref<1000000x32xf32, #tpu.memory_space<hbm>>
    tpu.enqueue_indirect_dma source(%dma_start3A_57 : memref<1000000x32xf32, #tpu.memory_space<hbm>>) target(%arg13 : memref<50x32xf32, #tpu.memory_space<vmem>>) offsets(%dma_start3A_54 : memref<50xi32, #tpu.memory_space<vmem>>) semaphore(%arg29 : memref<!tpu.dma_semaphore, #tpu.memory_space<semaphore_mem>>)
    %dma_start3A_58 = arith.constant 8 : i32
    %dma_start3A_59 = arith.constant 0 : i32
    %dma_start3A_60 = tpu.memref_slice %arg5[%dma_start3A_58, %dma_start3A_59] : memref<512x50xi32, #tpu.memory_space<vmem>> -> memref<1x50xi32, #tpu.memory_space<vmem>>
    %dma_start3A_61 = tpu.memref_squeeze %dma_start3A_60 : memref<1x50xi32, #tpu.memory_space<vmem>> -> memref<50xi32, #tpu.memory_space<vmem>>
    %dma_start3A_62 = arith.constant 0 : i32
    %dma_start3A_63 = arith.constant 0 : i32
    %dma_start3A_64 = tpu.memref_slice %arg3[%dma_start3A_62, %dma_start3A_63] : memref<1000000x32xf32, #tpu.memory_space<hbm>> -> memref<1000000x32xf32, #tpu.memory_space<hbm>>
    tpu.enqueue_indirect_dma source(%dma_start3A_64 : memref<1000000x32xf32, #tpu.memory_space<hbm>>) target(%arg14 : memref<50x32xf32, #tpu.memory_space<vmem>>) offsets(%dma_start3A_61 : memref<50xi32, #tpu.memory_space<vmem>>) semaphore(%arg30 : memref<!tpu.dma_semaphore, #tpu.memory_space<semaphore_mem>>)
    %dma_start3A_65 = arith.constant 9 : i32
    %dma_start3A_66 = arith.constant 0 : i32
    %dma_start3A_67 = tpu.memref_slice %arg5[%dma_start3A_65, %dma_start3A_66] : memref<512x50xi32, #tpu.memory_space<vmem>> -> memref<1x50xi32, #tpu.memory_space<vmem>>
    %dma_start3A_68 = tpu.memref_squeeze %dma_start3A_67 : memref<1x50xi32, #tpu.memory_space<vmem>> -> memref<50xi32, #tpu.memory_space<vmem>>
    %dma_start3A_69 = arith.constant 0 : i32
    %dma_start3A_70 = arith.constant 0 : i32
    %dma_start3A_71 = tpu.memref_slice %arg3[%dma_start3A_69, %dma_start3A_70] : memref<1000000x32xf32, #tpu.memory_space<hbm>> -> memref<1000000x32xf32, #tpu.memory_space<hbm>>
    tpu.enqueue_indirect_dma source(%dma_start3A_71 : memref<1000000x32xf32, #tpu.memory_space<hbm>>) target(%arg15 : memref<50x32xf32, #tpu.memory_space<vmem>>) offsets(%dma_start3A_68 : memref<50xi32, #tpu.memory_space<vmem>>) semaphore(%arg31 : memref<!tpu.dma_semaphore, #tpu.memory_space<semaphore_mem>>)
    %dma_start3A_72 = arith.constant 10 : i32
    %dma_start3A_73 = arith.constant 0 : i32
    %dma_start3A_74 = tpu.memref_slice %arg5[%dma_start3A_72, %dma_start3A_73] : memref<512x50xi32, #tpu.memory_space<vmem>> -> memref<1x50xi32, #tpu.memory_space<vmem>>
    %dma_start3A_75 = tpu.memref_squeeze %dma_start3A_74 : memref<1x50xi32, #tpu.memory_space<vmem>> -> memref<50xi32, #tpu.memory_space<vmem>>
    %dma_start3A_76 = arith.constant 0 : i32
    %dma_start3A_77 = arith.constant 0 : i32
    %dma_start3A_78 = tpu.memref_slice %arg3[%dma_start3A_76, %dma_start3A_77] : memref<1000000x32xf32, #tpu.memory_space<hbm>> -> memref<1000000x32xf32, #tpu.memory_space<hbm>>
    tpu.enqueue_indirect_dma source(%dma_start3A_78 : memref<1000000x32xf32, #tpu.memory_space<hbm>>) target(%arg16 : memref<50x32xf32, #tpu.memory_space<vmem>>) offsets(%dma_start3A_75 : memref<50xi32, #tpu.memory_space<vmem>>) semaphore(%arg32 : memref<!tpu.dma_semaphore, #tpu.memory_space<semaphore_mem>>)
    %dma_start3A_79 = arith.constant 11 : i32
    %dma_start3A_80 = arith.constant 0 : i32
    %dma_start3A_81 = tpu.memref_slice %arg5[%dma_start3A_79, %dma_start3A_80] : memref<512x50xi32, #tpu.memory_space<vmem>> -> memref<1x50xi32, #tpu.memory_space<vmem>>
    %dma_start3A_82 = tpu.memref_squeeze %dma_start3A_81 : memref<1x50xi32, #tpu.memory_space<vmem>> -> memref<50xi32, #tpu.memory_space<vmem>>
    %dma_start3A_83 = arith.constant 0 : i32
    %dma_start3A_84 = arith.constant 0 : i32
    %dma_start3A_85 = tpu.memref_slice %arg3[%dma_start3A_83, %dma_start3A_84] : memref<1000000x32xf32, #tpu.memory_space<hbm>> -> memref<1000000x32xf32, #tpu.memory_space<hbm>>
    tpu.enqueue_indirect_dma source(%dma_start3A_85 : memref<1000000x32xf32, #tpu.memory_space<hbm>>) target(%arg17 : memref<50x32xf32, #tpu.memory_space<vmem>>) offsets(%dma_start3A_82 : memref<50xi32, #tpu.memory_space<vmem>>) semaphore(%arg33 : memref<!tpu.dma_semaphore, #tpu.memory_space<semaphore_mem>>)
    %dma_start3A_86 = arith.constant 12 : i32
    %dma_start3A_87 = arith.constant 0 : i32
    %dma_start3A_88 = tpu.memref_slice %arg5[%dma_start3A_86, %dma_start3A_87] : memref<512x50xi32, #tpu.memory_space<vmem>> -> memref<1x50xi32, #tpu.memory_space<vmem>>
    %dma_start3A_89 = tpu.memref_squeeze %dma_start3A_88 : memref<1x50xi32, #tpu.memory_space<vmem>> -> memref<50xi32, #tpu.memory_space<vmem>>
    %dma_start3A_90 = arith.constant 0 : i32
    %dma_start3A_91 = arith.constant 0 : i32
    %dma_start3A_92 = tpu.memref_slice %arg3[%dma_start3A_90, %dma_start3A_91] : memref<1000000x32xf32, #tpu.memory_space<hbm>> -> memref<1000000x32xf32, #tpu.memory_space<hbm>>
    tpu.enqueue_indirect_dma source(%dma_start3A_92 : memref<1000000x32xf32, #tpu.memory_space<hbm>>) target(%arg18 : memref<50x32xf32, #tpu.memory_space<vmem>>) offsets(%dma_start3A_89 : memref<50xi32, #tpu.memory_space<vmem>>) semaphore(%arg34 : memref<!tpu.dma_semaphore, #tpu.memory_space<semaphore_mem>>)
    %dma_start3A_93 = arith.constant 13 : i32
    %dma_start3A_94 = arith.constant 0 : i32
    %dma_start3A_95 = tpu.memref_slice %arg5[%dma_start3A_93, %dma_start3A_94] : memref<512x50xi32, #tpu.memory_space<vmem>> -> memref<1x50xi32, #tpu.memory_space<vmem>>
    %dma_start3A_96 = tpu.memref_squeeze %dma_start3A_95 : memref<1x50xi32, #tpu.memory_space<vmem>> -> memref<50xi32, #tpu.memory_space<vmem>>
    %dma_start3A_97 = arith.constant 0 : i32
    %dma_start3A_98 = arith.constant 0 : i32
    %dma_start3A_99 = tpu.memref_slice %arg3[%dma_start3A_97, %dma_start3A_98] : memref<1000000x32xf32, #tpu.memory_space<hbm>> -> memref<1000000x32xf32, #tpu.memory_space<hbm>>
    tpu.enqueue_indirect_dma source(%dma_start3A_99 : memref<1000000x32xf32, #tpu.memory_space<hbm>>) target(%arg19 : memref<50x32xf32, #tpu.memory_space<vmem>>) offsets(%dma_start3A_96 : memref<50xi32, #tpu.memory_space<vmem>>) semaphore(%arg35 : memref<!tpu.dma_semaphore, #tpu.memory_space<semaphore_mem>>)
    %dma_start3A_100 = arith.constant 14 : i32
    %dma_start3A_101 = arith.constant 0 : i32
    %dma_start3A_102 = tpu.memref_slice %arg5[%dma_start3A_100, %dma_start3A_101] : memref<512x50xi32, #tpu.memory_space<vmem>> -> memref<1x50xi32, #tpu.memory_space<vmem>>
    %dma_start3A_103 = tpu.memref_squeeze %dma_start3A_102 : memref<1x50xi32, #tpu.memory_space<vmem>> -> memref<50xi32, #tpu.memory_space<vmem>>
    %dma_start3A_104 = arith.constant 0 : i32
    %dma_start3A_105 = arith.constant 0 : i32
    %dma_start3A_106 = tpu.memref_slice %arg3[%dma_start3A_104, %dma_start3A_105] : memref<1000000x32xf32, #tpu.memory_space<hbm>> -> memref<1000000x32xf32, #tpu.memory_space<hbm>>
    tpu.enqueue_indirect_dma source(%dma_start3A_106 : memref<1000000x32xf32, #tpu.memory_space<hbm>>) target(%arg20 : memref<50x32xf32, #tpu.memory_space<vmem>>) offsets(%dma_start3A_103 : memref<50xi32, #tpu.memory_space<vmem>>) semaphore(%arg36 : memref<!tpu.dma_semaphore, #tpu.memory_space<semaphore_mem>>)
    %dma_start3A_107 = arith.constant 15 : i32
    %dma_start3A_108 = arith.constant 0 : i32
    %dma_start3A_109 = tpu.memref_slice %arg5[%dma_start3A_107, %dma_start3A_108] : memref<512x50xi32, #tpu.memory_space<vmem>> -> memref<1x50xi32, #tpu.memory_space<vmem>>
    %dma_start3A_110 = tpu.memref_squeeze %dma_start3A_109 : memref<1x50xi32, #tpu.memory_space<vmem>> -> memref<50xi32, #tpu.memory_space<vmem>>
    %dma_start3A_111 = arith.constant 0 : i32
    %dma_start3A_112 = arith.constant 0 : i32
    %dma_start3A_113 = tpu.memref_slice %arg3[%dma_start3A_111, %dma_start3A_112] : memref<1000000x32xf32, #tpu.memory_space<hbm>> -> memref<1000000x32xf32, #tpu.memory_space<hbm>>
    tpu.enqueue_indirect_dma source(%dma_start3A_113 : memref<1000000x32xf32, #tpu.memory_space<hbm>>) target(%arg21 : memref<50x32xf32, #tpu.memory_space<vmem>>) offsets(%dma_start3A_110 : memref<50xi32, #tpu.memory_space<vmem>>) semaphore(%arg37 : memref<!tpu.dma_semaphore, #tpu.memory_space<semaphore_mem>>)
    %scan3A = arith.constant 0 : i32
    %scan3A_114 = arith.constant 0 : i32
    %scan3A_115 = arith.constant 31 : i32
    %scan3A_116 = arith.addi %scan3A_114, %scan3A_115 : i32
    %scan3A_117 = arith.constant 1 : i32
    scf.for %scan3A_262 = %scan3A_114 to %scan3A_116 step %scan3A_117  : i32 {
      %mul3A_263 = arith.constant 16 : i32
      %mul3A_264 = arith.muli %scan3A_262, %mul3A_263 : i32
      %add3A_265 = arith.constant 0 : i32
      %add3A_266 = arith.addi %mul3A_264, %add3A_265 : i32
      %dma_wait3A_267 = arith.constant 0 : i32
      %dma_wait3A_268 = tpu.memref_slice %arg5[%add3A_266, %dma_wait3A_267] : memref<512x50xi32, #tpu.memory_space<vmem>> -> memref<1x50xi32, #tpu.memory_space<vmem>>
      %dma_wait3A_269 = tpu.memref_squeeze %dma_wait3A_268 : memref<1x50xi32, #tpu.memory_space<vmem>> -> memref<50xi32, #tpu.memory_space<vmem>>
      %dma_wait3A_270 = arith.constant 0 : i32
      %dma_wait3A_271 = arith.constant 0 : i32
      %dma_wait3A_272 = tpu.memref_slice %arg3[%dma_wait3A_270, %dma_wait3A_271] : memref<1000000x32xf32, #tpu.memory_space<hbm>> -> memref<1000000x32xf32, #tpu.memory_space<hbm>>
      tpu.wait_indirect_dma semaphore(%arg22 : memref<!tpu.dma_semaphore, #tpu.memory_space<semaphore_mem>>) src(%dma_wait3A_272 : memref<1000000x32xf32, #tpu.memory_space<hbm>>) dst(%arg6 : memref<50x32xf32, #tpu.memory_space<vmem>>)
      %add3A_273 = arith.addi %mul3A_2, %add3A_266 : i32
      "tpu.region"() ({
        %run_scoped3A = tpu.sem_alloc : memref<!tpu.dma_semaphore, #tpu.memory_space<semaphore_mem>>
        %dma_start3A_567 = arith.constant 0 : i32
        %dma_start3A_568 = arith.constant 0 : i32
        %dma_start3A_569 = tpu.memref_slice %arg4[%add3A_273, %dma_start3A_567, %dma_start3A_568] : memref<16384x50x32xf32, #tpu.memory_space<hbm>> -> memref<1x50x32xf32, #tpu.memory_space<hbm>>
        %dma_start3A_570 = tpu.memref_squeeze %dma_start3A_569 : memref<1x50x32xf32, #tpu.memory_space<hbm>> -> memref<50x32xf32, #tpu.memory_space<hbm>>
        %dma_start3A_571 = arith.constant 0 : i32
        %dma_start3A_572 = arith.constant 0 : i32
        %dma_start3A_573 = tpu.memref_slice %arg4[%add3A_273, %dma_start3A_571, %dma_start3A_572] : memref<16384x50x32xf32, #tpu.memory_space<hbm>> -> memref<1x50x32xf32, #tpu.memory_space<hbm>>
        %dma_start3A_574 = tpu.memref_squeeze %dma_start3A_573 : memref<1x50x32xf32, #tpu.memory_space<hbm>> -> memref<50x32xf32, #tpu.memory_space<hbm>>
        tpu.enqueue_dma source(%arg6 : memref<50x32xf32, #tpu.memory_space<vmem>>) target(%dma_start3A_574 : memref<50x32xf32, #tpu.memory_space<hbm>>) target_semaphore(%run_scoped3A : memref<!tpu.dma_semaphore, #tpu.memory_space<semaphore_mem>>)
        %dma_wait3A_575 = arith.constant 0 : i32
        %dma_wait3A_576 = arith.constant 0 : i32
        %dma_wait3A_577 = tpu.memref_slice %arg4[%add3A_273, %dma_wait3A_575, %dma_wait3A_576] : memref<16384x50x32xf32, #tpu.memory_space<hbm>> -> memref<1x50x32xf32, #tpu.memory_space<hbm>>
        %dma_wait3A_578 = tpu.memref_squeeze %dma_wait3A_577 : memref<1x50x32xf32, #tpu.memory_space<hbm>> -> memref<50x32xf32, #tpu.memory_space<hbm>>
        %dma_wait3A_579 = arith.constant 0 : i32
        %dma_wait3A_580 = arith.constant 0 : i32
        %dma_wait3A_581 = tpu.memref_slice %arg4[%add3A_273, %dma_wait3A_579, %dma_wait3A_580] : memref<16384x50x32xf32, #tpu.memory_space<hbm>> -> memref<1x50x32xf32, #tpu.memory_space<hbm>>
        %dma_wait3A_582 = tpu.memref_squeeze %dma_wait3A_581 : memref<1x50x32xf32, #tpu.memory_space<hbm>> -> memref<50x32xf32, #tpu.memory_space<hbm>>
        tpu.wait_dma2 semaphore(%run_scoped3A : memref<!tpu.dma_semaphore, #tpu.memory_space<semaphore_mem>>) src(%arg6 : memref<50x32xf32, #tpu.memory_space<vmem>>) dst(%dma_wait3A_582 : memref<50x32xf32, #tpu.memory_space<hbm>>)
        tpu.yield
      }) : () -> ()
      %add3A_274 = arith.constant 16 : i32
      %add3A_275 = arith.addi %add3A_266, %add3A_274 : i32
      %dma_start3A_276 = arith.constant 0 : i32
      %dma_start3A_277 = tpu.memref_slice %arg5[%add3A_275, %dma_start3A_276] : memref<512x50xi32, #tpu.memory_space<vmem>> -> memref<1x50xi32, #tpu.memory_space<vmem>>
      %dma_start3A_278 = tpu.memref_squeeze %dma_start3A_277 : memref<1x50xi32, #tpu.memory_space<vmem>> -> memref<50xi32, #tpu.memory_space<vmem>>
      %dma_start3A_279 = arith.constant 0 : i32
      %dma_start3A_280 = arith.constant 0 : i32
      %dma_start3A_281 = tpu.memref_slice %arg3[%dma_start3A_279, %dma_start3A_280] : memref<1000000x32xf32, #tpu.memory_space<hbm>> -> memref<1000000x32xf32, #tpu.memory_space<hbm>>
      tpu.enqueue_indirect_dma source(%dma_start3A_281 : memref<1000000x32xf32, #tpu.memory_space<hbm>>) target(%arg6 : memref<50x32xf32, #tpu.memory_space<vmem>>) offsets(%dma_start3A_278 : memref<50xi32, #tpu.memory_space<vmem>>) semaphore(%arg22 : memref<!tpu.dma_semaphore, #tpu.memory_space<semaphore_mem>>)
      %mul3A_282 = arith.constant 16 : i32
      %mul3A_283 = arith.muli %scan3A_262, %mul3A_282 : i32
      %add3A_284 = arith.constant 1 : i32
      %add3A_285 = arith.addi %mul3A_283, %add3A_284 : i32
      %dma_wait3A_286 = arith.constant 0 : i32
      %dma_wait3A_287 = tpu.memref_slice %arg5[%add3A_285, %dma_wait3A_286] : memref<512x50xi32, #tpu.memory_space<vmem>> -> memref<1x50xi32, #tpu.memory_space<vmem>>
      %dma_wait3A_288 = tpu.memref_squeeze %dma_wait3A_287 : memref<1x50xi32, #tpu.memory_space<vmem>> -> memref<50xi32, #tpu.memory_space<vmem>>
      %dma_wait3A_289 = arith.constant 0 : i32
      %dma_wait3A_290 = arith.constant 0 : i32
      %dma_wait3A_291 = tpu.memref_slice %arg3[%dma_wait3A_289, %dma_wait3A_290] : memref<1000000x32xf32, #tpu.memory_space<hbm>> -> memref<1000000x32xf32, #tpu.memory_space<hbm>>
      tpu.wait_indirect_dma semaphore(%arg23 : memref<!tpu.dma_semaphore, #tpu.memory_space<semaphore_mem>>) src(%dma_wait3A_291 : memref<1000000x32xf32, #tpu.memory_space<hbm>>) dst(%arg7 : memref<50x32xf32, #tpu.memory_space<vmem>>)
      %add3A_292 = arith.addi %mul3A_2, %add3A_285 : i32
      "tpu.region"() ({
        %run_scoped3A = tpu.sem_alloc : memref<!tpu.dma_semaphore, #tpu.memory_space<semaphore_mem>>
        %dma_start3A_567 = arith.constant 0 : i32
        %dma_start3A_568 = arith.constant 0 : i32
        %dma_start3A_569 = tpu.memref_slice %arg4[%add3A_292, %dma_start3A_567, %dma_start3A_568] : memref<16384x50x32xf32, #tpu.memory_space<hbm>> -> memref<1x50x32xf32, #tpu.memory_space<hbm>>
        %dma_start3A_570 = tpu.memref_squeeze %dma_start3A_569 : memref<1x50x32xf32, #tpu.memory_space<hbm>> -> memref<50x32xf32, #tpu.memory_space<hbm>>
        %dma_start3A_571 = arith.constant 0 : i32
        %dma_start3A_572 = arith.constant 0 : i32
        %dma_start3A_573 = tpu.memref_slice %arg4[%add3A_292, %dma_start3A_571, %dma_start3A_572] : memref<16384x50x32xf32, #tpu.memory_space<hbm>> -> memref<1x50x32xf32, #tpu.memory_space<hbm>>
        %dma_start3A_574 = tpu.memref_squeeze %dma_start3A_573 : memref<1x50x32xf32, #tpu.memory_space<hbm>> -> memref<50x32xf32, #tpu.memory_space<hbm>>
        tpu.enqueue_dma source(%arg7 : memref<50x32xf32, #tpu.memory_space<vmem>>) target(%dma_start3A_574 : memref<50x32xf32, #tpu.memory_space<hbm>>) target_semaphore(%run_scoped3A : memref<!tpu.dma_semaphore, #tpu.memory_space<semaphore_mem>>)
        %dma_wait3A_575 = arith.constant 0 : i32
        %dma_wait3A_576 = arith.constant 0 : i32
        %dma_wait3A_577 = tpu.memref_slice %arg4[%add3A_292, %dma_wait3A_575, %dma_wait3A_576] : memref<16384x50x32xf32, #tpu.memory_space<hbm>> -> memref<1x50x32xf32, #tpu.memory_space<hbm>>
        %dma_wait3A_578 = tpu.memref_squeeze %dma_wait3A_577 : memref<1x50x32xf32, #tpu.memory_space<hbm>> -> memref<50x32xf32, #tpu.memory_space<hbm>>
        %dma_wait3A_579 = arith.constant 0 : i32
        %dma_wait3A_580 = arith.constant 0 : i32
        %dma_wait3A_581 = tpu.memref_slice %arg4[%add3A_292, %dma_wait3A_579, %dma_wait3A_580] : memref<16384x50x32xf32, #tpu.memory_space<hbm>> -> memref<1x50x32xf32, #tpu.memory_space<hbm>>
        %dma_wait3A_582 = tpu.memref_squeeze %dma_wait3A_581 : memref<1x50x32xf32, #tpu.memory_space<hbm>> -> memref<50x32xf32, #tpu.memory_space<hbm>>
        tpu.wait_dma2 semaphore(%run_scoped3A : memref<!tpu.dma_semaphore, #tpu.memory_space<semaphore_mem>>) src(%arg7 : memref<50x32xf32, #tpu.memory_space<vmem>>) dst(%dma_wait3A_582 : memref<50x32xf32, #tpu.memory_space<hbm>>)
        tpu.yield
      }) : () -> ()
      %add3A_293 = arith.constant 16 : i32
      %add3A_294 = arith.addi %add3A_285, %add3A_293 : i32
      %dma_start3A_295 = arith.constant 0 : i32
      %dma_start3A_296 = tpu.memref_slice %arg5[%add3A_294, %dma_start3A_295] : memref<512x50xi32, #tpu.memory_space<vmem>> -> memref<1x50xi32, #tpu.memory_space<vmem>>
      %dma_start3A_297 = tpu.memref_squeeze %dma_start3A_296 : memref<1x50xi32, #tpu.memory_space<vmem>> -> memref<50xi32, #tpu.memory_space<vmem>>
      %dma_start3A_298 = arith.constant 0 : i32
      %dma_start3A_299 = arith.constant 0 : i32
      %dma_start3A_300 = tpu.memref_slice %arg3[%dma_start3A_298, %dma_start3A_299] : memref<1000000x32xf32, #tpu.memory_space<hbm>> -> memref<1000000x32xf32, #tpu.memory_space<hbm>>
      tpu.enqueue_indirect_dma source(%dma_start3A_300 : memref<1000000x32xf32, #tpu.memory_space<hbm>>) target(%arg7 : memref<50x32xf32, #tpu.memory_space<vmem>>) offsets(%dma_start3A_297 : memref<50xi32, #tpu.memory_space<vmem>>) semaphore(%arg23 : memref<!tpu.dma_semaphore, #tpu.memory_space<semaphore_mem>>)
      %mul3A_301 = arith.constant 16 : i32
      %mul3A_302 = arith.muli %scan3A_262, %mul3A_301 : i32
      %add3A_303 = arith.constant 2 : i32
      %add3A_304 = arith.addi %mul3A_302, %add3A_303 : i32
      %dma_wait3A_305 = arith.constant 0 : i32
      %dma_wait3A_306 = tpu.memref_slice %arg5[%add3A_304, %dma_wait3A_305] : memref<512x50xi32, #tpu.memory_space<vmem>> -> memref<1x50xi32, #tpu.memory_space<vmem>>
      %dma_wait3A_307 = tpu.memref_squeeze %dma_wait3A_306 : memref<1x50xi32, #tpu.memory_space<vmem>> -> memref<50xi32, #tpu.memory_space<vmem>>
      %dma_wait3A_308 = arith.constant 0 : i32
      %dma_wait3A_309 = arith.constant 0 : i32
      %dma_wait3A_310 = tpu.memref_slice %arg3[%dma_wait3A_308, %dma_wait3A_309] : memref<1000000x32xf32, #tpu.memory_space<hbm>> -> memref<1000000x32xf32, #tpu.memory_space<hbm>>
      tpu.wait_indirect_dma semaphore(%arg24 : memref<!tpu.dma_semaphore, #tpu.memory_space<semaphore_mem>>) src(%dma_wait3A_310 : memref<1000000x32xf32, #tpu.memory_space<hbm>>) dst(%arg8 : memref<50x32xf32, #tpu.memory_space<vmem>>)
      %add3A_311 = arith.addi %mul3A_2, %add3A_304 : i32
      "tpu.region"() ({
        %run_scoped3A = tpu.sem_alloc : memref<!tpu.dma_semaphore, #tpu.memory_space<semaphore_mem>>
        %dma_start3A_567 = arith.constant 0 : i32
        %dma_start3A_568 = arith.constant 0 : i32
        %dma_start3A_569 = tpu.memref_slice %arg4[%add3A_311, %dma_start3A_567, %dma_start3A_568] : memref<16384x50x32xf32, #tpu.memory_space<hbm>> -> memref<1x50x32xf32, #tpu.memory_space<hbm>>
        %dma_start3A_570 = tpu.memref_squeeze %dma_start3A_569 : memref<1x50x32xf32, #tpu.memory_space<hbm>> -> memref<50x32xf32, #tpu.memory_space<hbm>>
        %dma_start3A_571 = arith.constant 0 : i32
        %dma_start3A_572 = arith.constant 0 : i32
        %dma_start3A_573 = tpu.memref_slice %arg4[%add3A_311, %dma_start3A_571, %dma_start3A_572] : memref<16384x50x32xf32, #tpu.memory_space<hbm>> -> memref<1x50x32xf32, #tpu.memory_space<hbm>>
        %dma_start3A_574 = tpu.memref_squeeze %dma_start3A_573 : memref<1x50x32xf32, #tpu.memory_space<hbm>> -> memref<50x32xf32, #tpu.memory_space<hbm>>
        tpu.enqueue_dma source(%arg8 : memref<50x32xf32, #tpu.memory_space<vmem>>) target(%dma_start3A_574 : memref<50x32xf32, #tpu.memory_space<hbm>>) target_semaphore(%run_scoped3A : memref<!tpu.dma_semaphore, #tpu.memory_space<semaphore_mem>>)
        %dma_wait3A_575 = arith.constant 0 : i32
        %dma_wait3A_576 = arith.constant 0 : i32
        %dma_wait3A_577 = tpu.memref_slice %arg4[%add3A_311, %dma_wait3A_575, %dma_wait3A_576] : memref<16384x50x32xf32, #tpu.memory_space<hbm>> -> memref<1x50x32xf32, #tpu.memory_space<hbm>>
        %dma_wait3A_578 = tpu.memref_squeeze %dma_wait3A_577 : memref<1x50x32xf32, #tpu.memory_space<hbm>> -> memref<50x32xf32, #tpu.memory_space<hbm>>
        %dma_wait3A_579 = arith.constant 0 : i32
        %dma_wait3A_580 = arith.constant 0 : i32
        %dma_wait3A_581 = tpu.memref_slice %arg4[%add3A_311, %dma_wait3A_579, %dma_wait3A_580] : memref<16384x50x32xf32, #tpu.memory_space<hbm>> -> memref<1x50x32xf32, #tpu.memory_space<hbm>>
        %dma_wait3A_582 = tpu.memref_squeeze %dma_wait3A_581 : memref<1x50x32xf32, #tpu.memory_space<hbm>> -> memref<50x32xf32, #tpu.memory_space<hbm>>
        tpu.wait_dma2 semaphore(%run_scoped3A : memref<!tpu.dma_semaphore, #tpu.memory_space<semaphore_mem>>) src(%arg8 : memref<50x32xf32, #tpu.memory_space<vmem>>) dst(%dma_wait3A_582 : memref<50x32xf32, #tpu.memory_space<hbm>>)
        tpu.yield
      }) : () -> ()
      %add3A_312 = arith.constant 16 : i32
      %add3A_313 = arith.addi %add3A_304, %add3A_312 : i32
      %dma_start3A_314 = arith.constant 0 : i32
      %dma_start3A_315 = tpu.memref_slice %arg5[%add3A_313, %dma_start3A_314] : memref<512x50xi32, #tpu.memory_space<vmem>> -> memref<1x50xi32, #tpu.memory_space<vmem>>
      %dma_start3A_316 = tpu.memref_squeeze %dma_start3A_315 : memref<1x50xi32, #tpu.memory_space<vmem>> -> memref<50xi32, #tpu.memory_space<vmem>>
      %dma_start3A_317 = arith.constant 0 : i32
      %dma_start3A_318 = arith.constant 0 : i32
      %dma_start3A_319 = tpu.memref_slice %arg3[%dma_start3A_317, %dma_start3A_318] : memref<1000000x32xf32, #tpu.memory_space<hbm>> -> memref<1000000x32xf32, #tpu.memory_space<hbm>>
      tpu.enqueue_indirect_dma source(%dma_start3A_319 : memref<1000000x32xf32, #tpu.memory_space<hbm>>) target(%arg8 : memref<50x32xf32, #tpu.memory_space<vmem>>) offsets(%dma_start3A_316 : memref<50xi32, #tpu.memory_space<vmem>>) semaphore(%arg24 : memref<!tpu.dma_semaphore, #tpu.memory_space<semaphore_mem>>)
      %mul3A_320 = arith.constant 16 : i32
      %mul3A_321 = arith.muli %scan3A_262, %mul3A_320 : i32
      %add3A_322 = arith.constant 3 : i32
      %add3A_323 = arith.addi %mul3A_321, %add3A_322 : i32
      %dma_wait3A_324 = arith.constant 0 : i32
      %dma_wait3A_325 = tpu.memref_slice %arg5[%add3A_323, %dma_wait3A_324] : memref<512x50xi32, #tpu.memory_space<vmem>> -> memref<1x50xi32, #tpu.memory_space<vmem>>
      %dma_wait3A_326 = tpu.memref_squeeze %dma_wait3A_325 : memref<1x50xi32, #tpu.memory_space<vmem>> -> memref<50xi32, #tpu.memory_space<vmem>>
      %dma_wait3A_327 = arith.constant 0 : i32
      %dma_wait3A_328 = arith.constant 0 : i32
      %dma_wait3A_329 = tpu.memref_slice %arg3[%dma_wait3A_327, %dma_wait3A_328] : memref<1000000x32xf32, #tpu.memory_space<hbm>> -> memref<1000000x32xf32, #tpu.memory_space<hbm>>
      tpu.wait_indirect_dma semaphore(%arg25 : memref<!tpu.dma_semaphore, #tpu.memory_space<semaphore_mem>>) src(%dma_wait3A_329 : memref<1000000x32xf32, #tpu.memory_space<hbm>>) dst(%arg9 : memref<50x32xf32, #tpu.memory_space<vmem>>)
      %add3A_330 = arith.addi %mul3A_2, %add3A_323 : i32
      "tpu.region"() ({
        %run_scoped3A = tpu.sem_alloc : memref<!tpu.dma_semaphore, #tpu.memory_space<semaphore_mem>>
        %dma_start3A_567 = arith.constant 0 : i32
        %dma_start3A_568 = arith.constant 0 : i32
        %dma_start3A_569 = tpu.memref_slice %arg4[%add3A_330, %dma_start3A_567, %dma_start3A_568] : memref<16384x50x32xf32, #tpu.memory_space<hbm>> -> memref<1x50x32xf32, #tpu.memory_space<hbm>>
        %dma_start3A_570 = tpu.memref_squeeze %dma_start3A_569 : memref<1x50x32xf32, #tpu.memory_space<hbm>> -> memref<50x32xf32, #tpu.memory_space<hbm>>
        %dma_start3A_571 = arith.constant 0 : i32
        %dma_start3A_572 = arith.constant 0 : i32
        %dma_start3A_573 = tpu.memref_slice %arg4[%add3A_330, %dma_start3A_571, %dma_start3A_572] : memref<16384x50x32xf32, #tpu.memory_space<hbm>> -> memref<1x50x32xf32, #tpu.memory_space<hbm>>
        %dma_start3A_574 = tpu.memref_squeeze %dma_start3A_573 : memref<1x50x32xf32, #tpu.memory_space<hbm>> -> memref<50x32xf32, #tpu.memory_space<hbm>>
        tpu.enqueue_dma source(%arg9 : memref<50x32xf32, #tpu.memory_space<vmem>>) target(%dma_start3A_574 : memref<50x32xf32, #tpu.memory_space<hbm>>) target_semaphore(%run_scoped3A : memref<!tpu.dma_semaphore, #tpu.memory_space<semaphore_mem>>)
        %dma_wait3A_575 = arith.constant 0 : i32
        %dma_wait3A_576 = arith.constant 0 : i32
        %dma_wait3A_577 = tpu.memref_slice %arg4[%add3A_330, %dma_wait3A_575, %dma_wait3A_576] : memref<16384x50x32xf32, #tpu.memory_space<hbm>> -> memref<1x50x32xf32, #tpu.memory_space<hbm>>
        %dma_wait3A_578 = tpu.memref_squeeze %dma_wait3A_577 : memref<1x50x32xf32, #tpu.memory_space<hbm>> -> memref<50x32xf32, #tpu.memory_space<hbm>>
        %dma_wait3A_579 = arith.constant 0 : i32
        %dma_wait3A_580 = arith.constant 0 : i32
        %dma_wait3A_581 = tpu.memref_slice %arg4[%add3A_330, %dma_wait3A_579, %dma_wait3A_580] : memref<16384x50x32xf32, #tpu.memory_space<hbm>> -> memref<1x50x32xf32, #tpu.memory_space<hbm>>
        %dma_wait3A_582 = tpu.memref_squeeze %dma_wait3A_581 : memref<1x50x32xf32, #tpu.memory_space<hbm>> -> memref<50x32xf32, #tpu.memory_space<hbm>>
        tpu.wait_dma2 semaphore(%run_scoped3A : memref<!tpu.dma_semaphore, #tpu.memory_space<semaphore_mem>>) src(%arg9 : memref<50x32xf32, #tpu.memory_space<vmem>>) dst(%dma_wait3A_582 : memref<50x32xf32, #tpu.memory_space<hbm>>)
        tpu.yield
      }) : () -> ()
      %add3A_331 = arith.constant 16 : i32
      %add3A_332 = arith.addi %add3A_323, %add3A_331 : i32
      %dma_start3A_333 = arith.constant 0 : i32
      %dma_start3A_334 = tpu.memref_slice %arg5[%add3A_332, %dma_start3A_333] : memref<512x50xi32, #tpu.memory_space<vmem>> -> memref<1x50xi32, #tpu.memory_space<vmem>>
      %dma_start3A_335 = tpu.memref_squeeze %dma_start3A_334 : memref<1x50xi32, #tpu.memory_space<vmem>> -> memref<50xi32, #tpu.memory_space<vmem>>
      %dma_start3A_336 = arith.constant 0 : i32
      %dma_start3A_337 = arith.constant 0 : i32
      %dma_start3A_338 = tpu.memref_slice %arg3[%dma_start3A_336, %dma_start3A_337] : memref<1000000x32xf32, #tpu.memory_space<hbm>> -> memref<1000000x32xf32, #tpu.memory_space<hbm>>
      tpu.enqueue_indirect_dma source(%dma_start3A_338 : memref<1000000x32xf32, #tpu.memory_space<hbm>>) target(%arg9 : memref<50x32xf32, #tpu.memory_space<vmem>>) offsets(%dma_start3A_335 : memref<50xi32, #tpu.memory_space<vmem>>) semaphore(%arg25 : memref<!tpu.dma_semaphore, #tpu.memory_space<semaphore_mem>>)
      %mul3A_339 = arith.constant 16 : i32
      %mul3A_340 = arith.muli %scan3A_262, %mul3A_339 : i32
      %add3A_341 = arith.constant 4 : i32
      %add3A_342 = arith.addi %mul3A_340, %add3A_341 : i32
      %dma_wait3A_343 = arith.constant 0 : i32
      %dma_wait3A_344 = tpu.memref_slice %arg5[%add3A_342, %dma_wait3A_343] : memref<512x50xi32, #tpu.memory_space<vmem>> -> memref<1x50xi32, #tpu.memory_space<vmem>>
      %dma_wait3A_345 = tpu.memref_squeeze %dma_wait3A_344 : memref<1x50xi32, #tpu.memory_space<vmem>> -> memref<50xi32, #tpu.memory_space<vmem>>
      %dma_wait3A_346 = arith.constant 0 : i32
      %dma_wait3A_347 = arith.constant 0 : i32
      %dma_wait3A_348 = tpu.memref_slice %arg3[%dma_wait3A_346, %dma_wait3A_347] : memref<1000000x32xf32, #tpu.memory_space<hbm>> -> memref<1000000x32xf32, #tpu.memory_space<hbm>>
      tpu.wait_indirect_dma semaphore(%arg26 : memref<!tpu.dma_semaphore, #tpu.memory_space<semaphore_mem>>) src(%dma_wait3A_348 : memref<1000000x32xf32, #tpu.memory_space<hbm>>) dst(%arg10 : memref<50x32xf32, #tpu.memory_space<vmem>>)
      %add3A_349 = arith.addi %mul3A_2, %add3A_342 : i32
      "tpu.region"() ({
        %run_scoped3A = tpu.sem_alloc : memref<!tpu.dma_semaphore, #tpu.memory_space<semaphore_mem>>
        %dma_start3A_567 = arith.constant 0 : i32
        %dma_start3A_568 = arith.constant 0 : i32
        %dma_start3A_569 = tpu.memref_slice %arg4[%add3A_349, %dma_start3A_567, %dma_start3A_568] : memref<16384x50x32xf32, #tpu.memory_space<hbm>> -> memref<1x50x32xf32, #tpu.memory_space<hbm>>
        %dma_start3A_570 = tpu.memref_squeeze %dma_start3A_569 : memref<1x50x32xf32, #tpu.memory_space<hbm>> -> memref<50x32xf32, #tpu.memory_space<hbm>>
        %dma_start3A_571 = arith.constant 0 : i32
        %dma_start3A_572 = arith.constant 0 : i32
        %dma_start3A_573 = tpu.memref_slice %arg4[%add3A_349, %dma_start3A_571, %dma_start3A_572] : memref<16384x50x32xf32, #tpu.memory_space<hbm>> -> memref<1x50x32xf32, #tpu.memory_space<hbm>>
        %dma_start3A_574 = tpu.memref_squeeze %dma_start3A_573 : memref<1x50x32xf32, #tpu.memory_space<hbm>> -> memref<50x32xf32, #tpu.memory_space<hbm>>
        tpu.enqueue_dma source(%arg10 : memref<50x32xf32, #tpu.memory_space<vmem>>) target(%dma_start3A_574 : memref<50x32xf32, #tpu.memory_space<hbm>>) target_semaphore(%run_scoped3A : memref<!tpu.dma_semaphore, #tpu.memory_space<semaphore_mem>>)
        %dma_wait3A_575 = arith.constant 0 : i32
        %dma_wait3A_576 = arith.constant 0 : i32
        %dma_wait3A_577 = tpu.memref_slice %arg4[%add3A_349, %dma_wait3A_575, %dma_wait3A_576] : memref<16384x50x32xf32, #tpu.memory_space<hbm>> -> memref<1x50x32xf32, #tpu.memory_space<hbm>>
        %dma_wait3A_578 = tpu.memref_squeeze %dma_wait3A_577 : memref<1x50x32xf32, #tpu.memory_space<hbm>> -> memref<50x32xf32, #tpu.memory_space<hbm>>
        %dma_wait3A_579 = arith.constant 0 : i32
        %dma_wait3A_580 = arith.constant 0 : i32
        %dma_wait3A_581 = tpu.memref_slice %arg4[%add3A_349, %dma_wait3A_579, %dma_wait3A_580] : memref<16384x50x32xf32, #tpu.memory_space<hbm>> -> memref<1x50x32xf32, #tpu.memory_space<hbm>>
        %dma_wait3A_582 = tpu.memref_squeeze %dma_wait3A_581 : memref<1x50x32xf32, #tpu.memory_space<hbm>> -> memref<50x32xf32, #tpu.memory_space<hbm>>
        tpu.wait_dma2 semaphore(%run_scoped3A : memref<!tpu.dma_semaphore, #tpu.memory_space<semaphore_mem>>) src(%arg10 : memref<50x32xf32, #tpu.memory_space<vmem>>) dst(%dma_wait3A_582 : memref<50x32xf32, #tpu.memory_space<hbm>>)
        tpu.yield
      }) : () -> ()
      %add3A_350 = arith.constant 16 : i32
      %add3A_351 = arith.addi %add3A_342, %add3A_350 : i32
      %dma_start3A_352 = arith.constant 0 : i32
      %dma_start3A_353 = tpu.memref_slice %arg5[%add3A_351, %dma_start3A_352] : memref<512x50xi32, #tpu.memory_space<vmem>> -> memref<1x50xi32, #tpu.memory_space<vmem>>
      %dma_start3A_354 = tpu.memref_squeeze %dma_start3A_353 : memref<1x50xi32, #tpu.memory_space<vmem>> -> memref<50xi32, #tpu.memory_space<vmem>>
      %dma_start3A_355 = arith.constant 0 : i32
      %dma_start3A_356 = arith.constant 0 : i32
      %dma_start3A_357 = tpu.memref_slice %arg3[%dma_start3A_355, %dma_start3A_356] : memref<1000000x32xf32, #tpu.memory_space<hbm>> -> memref<1000000x32xf32, #tpu.memory_space<hbm>>
      tpu.enqueue_indirect_dma source(%dma_start3A_357 : memref<1000000x32xf32, #tpu.memory_space<hbm>>) target(%arg10 : memref<50x32xf32, #tpu.memory_space<vmem>>) offsets(%dma_start3A_354 : memref<50xi32, #tpu.memory_space<vmem>>) semaphore(%arg26 : memref<!tpu.dma_semaphore, #tpu.memory_space<semaphore_mem>>)
      %mul3A_358 = arith.constant 16 : i32
      %mul3A_359 = arith.muli %scan3A_262, %mul3A_358 : i32
      %add3A_360 = arith.constant 5 : i32
      %add3A_361 = arith.addi %mul3A_359, %add3A_360 : i32
      %dma_wait3A_362 = arith.constant 0 : i32
      %dma_wait3A_363 = tpu.memref_slice %arg5[%add3A_361, %dma_wait3A_362] : memref<512x50xi32, #tpu.memory_space<vmem>> -> memref<1x50xi32, #tpu.memory_space<vmem>>
      %dma_wait3A_364 = tpu.memref_squeeze %dma_wait3A_363 : memref<1x50xi32, #tpu.memory_space<vmem>> -> memref<50xi32, #tpu.memory_space<vmem>>
      %dma_wait3A_365 = arith.constant 0 : i32
      %dma_wait3A_366 = arith.constant 0 : i32
      %dma_wait3A_367 = tpu.memref_slice %arg3[%dma_wait3A_365, %dma_wait3A_366] : memref<1000000x32xf32, #tpu.memory_space<hbm>> -> memref<1000000x32xf32, #tpu.memory_space<hbm>>
      tpu.wait_indirect_dma semaphore(%arg27 : memref<!tpu.dma_semaphore, #tpu.memory_space<semaphore_mem>>) src(%dma_wait3A_367 : memref<1000000x32xf32, #tpu.memory_space<hbm>>) dst(%arg11 : memref<50x32xf32, #tpu.memory_space<vmem>>)
      %add3A_368 = arith.addi %mul3A_2, %add3A_361 : i32
      "tpu.region"() ({
        %run_scoped3A = tpu.sem_alloc : memref<!tpu.dma_semaphore, #tpu.memory_space<semaphore_mem>>
        %dma_start3A_567 = arith.constant 0 : i32
        %dma_start3A_568 = arith.constant 0 : i32
        %dma_start3A_569 = tpu.memref_slice %arg4[%add3A_368, %dma_start3A_567, %dma_start3A_568] : memref<16384x50x32xf32, #tpu.memory_space<hbm>> -> memref<1x50x32xf32, #tpu.memory_space<hbm>>
        %dma_start3A_570 = tpu.memref_squeeze %dma_start3A_569 : memref<1x50x32xf32, #tpu.memory_space<hbm>> -> memref<50x32xf32, #tpu.memory_space<hbm>>
        %dma_start3A_571 = arith.constant 0 : i32
        %dma_start3A_572 = arith.constant 0 : i32
        %dma_start3A_573 = tpu.memref_slice %arg4[%add3A_368, %dma_start3A_571, %dma_start3A_572] : memref<16384x50x32xf32, #tpu.memory_space<hbm>> -> memref<1x50x32xf32, #tpu.memory_space<hbm>>
        %dma_start3A_574 = tpu.memref_squeeze %dma_start3A_573 : memref<1x50x32xf32, #tpu.memory_space<hbm>> -> memref<50x32xf32, #tpu.memory_space<hbm>>
        tpu.enqueue_dma source(%arg11 : memref<50x32xf32, #tpu.memory_space<vmem>>) target(%dma_start3A_574 : memref<50x32xf32, #tpu.memory_space<hbm>>) target_semaphore(%run_scoped3A : memref<!tpu.dma_semaphore, #tpu.memory_space<semaphore_mem>>)
        %dma_wait3A_575 = arith.constant 0 : i32
        %dma_wait3A_576 = arith.constant 0 : i32
        %dma_wait3A_577 = tpu.memref_slice %arg4[%add3A_368, %dma_wait3A_575, %dma_wait3A_576] : memref<16384x50x32xf32, #tpu.memory_space<hbm>> -> memref<1x50x32xf32, #tpu.memory_space<hbm>>
        %dma_wait3A_578 = tpu.memref_squeeze %dma_wait3A_577 : memref<1x50x32xf32, #tpu.memory_space<hbm>> -> memref<50x32xf32, #tpu.memory_space<hbm>>
        %dma_wait3A_579 = arith.constant 0 : i32
        %dma_wait3A_580 = arith.constant 0 : i32
        %dma_wait3A_581 = tpu.memref_slice %arg4[%add3A_368, %dma_wait3A_579, %dma_wait3A_580] : memref<16384x50x32xf32, #tpu.memory_space<hbm>> -> memref<1x50x32xf32, #tpu.memory_space<hbm>>
        %dma_wait3A_582 = tpu.memref_squeeze %dma_wait3A_581 : memref<1x50x32xf32, #tpu.memory_space<hbm>> -> memref<50x32xf32, #tpu.memory_space<hbm>>
        tpu.wait_dma2 semaphore(%run_scoped3A : memref<!tpu.dma_semaphore, #tpu.memory_space<semaphore_mem>>) src(%arg11 : memref<50x32xf32, #tpu.memory_space<vmem>>) dst(%dma_wait3A_582 : memref<50x32xf32, #tpu.memory_space<hbm>>)
        tpu.yield
      }) : () -> ()
      %add3A_369 = arith.constant 16 : i32
      %add3A_370 = arith.addi %add3A_361, %add3A_369 : i32
      %dma_start3A_371 = arith.constant 0 : i32
      %dma_start3A_372 = tpu.memref_slice %arg5[%add3A_370, %dma_start3A_371] : memref<512x50xi32, #tpu.memory_space<vmem>> -> memref<1x50xi32, #tpu.memory_space<vmem>>
      %dma_start3A_373 = tpu.memref_squeeze %dma_start3A_372 : memref<1x50xi32, #tpu.memory_space<vmem>> -> memref<50xi32, #tpu.memory_space<vmem>>
      %dma_start3A_374 = arith.constant 0 : i32
      %dma_start3A_375 = arith.constant 0 : i32
      %dma_start3A_376 = tpu.memref_slice %arg3[%dma_start3A_374, %dma_start3A_375] : memref<1000000x32xf32, #tpu.memory_space<hbm>> -> memref<1000000x32xf32, #tpu.memory_space<hbm>>
      tpu.enqueue_indirect_dma source(%dma_start3A_376 : memref<1000000x32xf32, #tpu.memory_space<hbm>>) target(%arg11 : memref<50x32xf32, #tpu.memory_space<vmem>>) offsets(%dma_start3A_373 : memref<50xi32, #tpu.memory_space<vmem>>) semaphore(%arg27 : memref<!tpu.dma_semaphore, #tpu.memory_space<semaphore_mem>>)
      %mul3A_377 = arith.constant 16 : i32
      %mul3A_378 = arith.muli %scan3A_262, %mul3A_377 : i32
      %add3A_379 = arith.constant 6 : i32
      %add3A_380 = arith.addi %mul3A_378, %add3A_379 : i32
      %dma_wait3A_381 = arith.constant 0 : i32
      %dma_wait3A_382 = tpu.memref_slice %arg5[%add3A_380, %dma_wait3A_381] : memref<512x50xi32, #tpu.memory_space<vmem>> -> memref<1x50xi32, #tpu.memory_space<vmem>>
      %dma_wait3A_383 = tpu.memref_squeeze %dma_wait3A_382 : memref<1x50xi32, #tpu.memory_space<vmem>> -> memref<50xi32, #tpu.memory_space<vmem>>
      %dma_wait3A_384 = arith.constant 0 : i32
      %dma_wait3A_385 = arith.constant 0 : i32
      %dma_wait3A_386 = tpu.memref_slice %arg3[%dma_wait3A_384, %dma_wait3A_385] : memref<1000000x32xf32, #tpu.memory_space<hbm>> -> memref<1000000x32xf32, #tpu.memory_space<hbm>>
      tpu.wait_indirect_dma semaphore(%arg28 : memref<!tpu.dma_semaphore, #tpu.memory_space<semaphore_mem>>) src(%dma_wait3A_386 : memref<1000000x32xf32, #tpu.memory_space<hbm>>) dst(%arg12 : memref<50x32xf32, #tpu.memory_space<vmem>>)
      %add3A_387 = arith.addi %mul3A_2, %add3A_380 : i32
      "tpu.region"() ({
        %run_scoped3A = tpu.sem_alloc : memref<!tpu.dma_semaphore, #tpu.memory_space<semaphore_mem>>
        %dma_start3A_567 = arith.constant 0 : i32
        %dma_start3A_568 = arith.constant 0 : i32
        %dma_start3A_569 = tpu.memref_slice %arg4[%add3A_387, %dma_start3A_567, %dma_start3A_568] : memref<16384x50x32xf32, #tpu.memory_space<hbm>> -> memref<1x50x32xf32, #tpu.memory_space<hbm>>
        %dma_start3A_570 = tpu.memref_squeeze %dma_start3A_569 : memref<1x50x32xf32, #tpu.memory_space<hbm>> -> memref<50x32xf32, #tpu.memory_space<hbm>>
        %dma_start3A_571 = arith.constant 0 : i32
        %dma_start3A_572 = arith.constant 0 : i32
        %dma_start3A_573 = tpu.memref_slice %arg4[%add3A_387, %dma_start3A_571, %dma_start3A_572] : memref<16384x50x32xf32, #tpu.memory_space<hbm>> -> memref<1x50x32xf32, #tpu.memory_space<hbm>>
        %dma_start3A_574 = tpu.memref_squeeze %dma_start3A_573 : memref<1x50x32xf32, #tpu.memory_space<hbm>> -> memref<50x32xf32, #tpu.memory_space<hbm>>
        tpu.enqueue_dma source(%arg12 : memref<50x32xf32, #tpu.memory_space<vmem>>) target(%dma_start3A_574 : memref<50x32xf32, #tpu.memory_space<hbm>>) target_semaphore(%run_scoped3A : memref<!tpu.dma_semaphore, #tpu.memory_space<semaphore_mem>>)
        %dma_wait3A_575 = arith.constant 0 : i32
        %dma_wait3A_576 = arith.constant 0 : i32
        %dma_wait3A_577 = tpu.memref_slice %arg4[%add3A_387, %dma_wait3A_575, %dma_wait3A_576] : memref<16384x50x32xf32, #tpu.memory_space<hbm>> -> memref<1x50x32xf32, #tpu.memory_space<hbm>>
        %dma_wait3A_578 = tpu.memref_squeeze %dma_wait3A_577 : memref<1x50x32xf32, #tpu.memory_space<hbm>> -> memref<50x32xf32, #tpu.memory_space<hbm>>
        %dma_wait3A_579 = arith.constant 0 : i32
        %dma_wait3A_580 = arith.constant 0 : i32
        %dma_wait3A_581 = tpu.memref_slice %arg4[%add3A_387, %dma_wait3A_579, %dma_wait3A_580] : memref<16384x50x32xf32, #tpu.memory_space<hbm>> -> memref<1x50x32xf32, #tpu.memory_space<hbm>>
        %dma_wait3A_582 = tpu.memref_squeeze %dma_wait3A_581 : memref<1x50x32xf32, #tpu.memory_space<hbm>> -> memref<50x32xf32, #tpu.memory_space<hbm>>
        tpu.wait_dma2 semaphore(%run_scoped3A : memref<!tpu.dma_semaphore, #tpu.memory_space<semaphore_mem>>) src(%arg12 : memref<50x32xf32, #tpu.memory_space<vmem>>) dst(%dma_wait3A_582 : memref<50x32xf32, #tpu.memory_space<hbm>>)
        tpu.yield
      }) : () -> ()
      %add3A_388 = arith.constant 16 : i32
      %add3A_389 = arith.addi %add3A_380, %add3A_388 : i32
      %dma_start3A_390 = arith.constant 0 : i32
      %dma_start3A_391 = tpu.memref_slice %arg5[%add3A_389, %dma_start3A_390] : memref<512x50xi32, #tpu.memory_space<vmem>> -> memref<1x50xi32, #tpu.memory_space<vmem>>
      %dma_start3A_392 = tpu.memref_squeeze %dma_start3A_391 : memref<1x50xi32, #tpu.memory_space<vmem>> -> memref<50xi32, #tpu.memory_space<vmem>>
      %dma_start3A_393 = arith.constant 0 : i32
      %dma_start3A_394 = arith.constant 0 : i32
      %dma_start3A_395 = tpu.memref_slice %arg3[%dma_start3A_393, %dma_start3A_394] : memref<1000000x32xf32, #tpu.memory_space<hbm>> -> memref<1000000x32xf32, #tpu.memory_space<hbm>>
      tpu.enqueue_indirect_dma source(%dma_start3A_395 : memref<1000000x32xf32, #tpu.memory_space<hbm>>) target(%arg12 : memref<50x32xf32, #tpu.memory_space<vmem>>) offsets(%dma_start3A_392 : memref<50xi32, #tpu.memory_space<vmem>>) semaphore(%arg28 : memref<!tpu.dma_semaphore, #tpu.memory_space<semaphore_mem>>)
      %mul3A_396 = arith.constant 16 : i32
      %mul3A_397 = arith.muli %scan3A_262, %mul3A_396 : i32
      %add3A_398 = arith.constant 7 : i32
      %add3A_399 = arith.addi %mul3A_397, %add3A_398 : i32
      %dma_wait3A_400 = arith.constant 0 : i32
      %dma_wait3A_401 = tpu.memref_slice %arg5[%add3A_399, %dma_wait3A_400] : memref<512x50xi32, #tpu.memory_space<vmem>> -> memref<1x50xi32, #tpu.memory_space<vmem>>
      %dma_wait3A_402 = tpu.memref_squeeze %dma_wait3A_401 : memref<1x50xi32, #tpu.memory_space<vmem>> -> memref<50xi32, #tpu.memory_space<vmem>>
      %dma_wait3A_403 = arith.constant 0 : i32
      %dma_wait3A_404 = arith.constant 0 : i32
      %dma_wait3A_405 = tpu.memref_slice %arg3[%dma_wait3A_403, %dma_wait3A_404] : memref<1000000x32xf32, #tpu.memory_space<hbm>> -> memref<1000000x32xf32, #tpu.memory_space<hbm>>
      tpu.wait_indirect_dma semaphore(%arg29 : memref<!tpu.dma_semaphore, #tpu.memory_space<semaphore_mem>>) src(%dma_wait3A_405 : memref<1000000x32xf32, #tpu.memory_space<hbm>>) dst(%arg13 : memref<50x32xf32, #tpu.memory_space<vmem>>)
      %add3A_406 = arith.addi %mul3A_2, %add3A_399 : i32
      "tpu.region"() ({
        %run_scoped3A = tpu.sem_alloc : memref<!tpu.dma_semaphore, #tpu.memory_space<semaphore_mem>>
        %dma_start3A_567 = arith.constant 0 : i32
        %dma_start3A_568 = arith.constant 0 : i32
        %dma_start3A_569 = tpu.memref_slice %arg4[%add3A_406, %dma_start3A_567, %dma_start3A_568] : memref<16384x50x32xf32, #tpu.memory_space<hbm>> -> memref<1x50x32xf32, #tpu.memory_space<hbm>>
        %dma_start3A_570 = tpu.memref_squeeze %dma_start3A_569 : memref<1x50x32xf32, #tpu.memory_space<hbm>> -> memref<50x32xf32, #tpu.memory_space<hbm>>
        %dma_start3A_571 = arith.constant 0 : i32
        %dma_start3A_572 = arith.constant 0 : i32
        %dma_start3A_573 = tpu.memref_slice %arg4[%add3A_406, %dma_start3A_571, %dma_start3A_572] : memref<16384x50x32xf32, #tpu.memory_space<hbm>> -> memref<1x50x32xf32, #tpu.memory_space<hbm>>
        %dma_start3A_574 = tpu.memref_squeeze %dma_start3A_573 : memref<1x50x32xf32, #tpu.memory_space<hbm>> -> memref<50x32xf32, #tpu.memory_space<hbm>>
        tpu.enqueue_dma source(%arg13 : memref<50x32xf32, #tpu.memory_space<vmem>>) target(%dma_start3A_574 : memref<50x32xf32, #tpu.memory_space<hbm>>) target_semaphore(%run_scoped3A : memref<!tpu.dma_semaphore, #tpu.memory_space<semaphore_mem>>)
        %dma_wait3A_575 = arith.constant 0 : i32
        %dma_wait3A_576 = arith.constant 0 : i32
        %dma_wait3A_577 = tpu.memref_slice %arg4[%add3A_406, %dma_wait3A_575, %dma_wait3A_576] : memref<16384x50x32xf32, #tpu.memory_space<hbm>> -> memref<1x50x32xf32, #tpu.memory_space<hbm>>
        %dma_wait3A_578 = tpu.memref_squeeze %dma_wait3A_577 : memref<1x50x32xf32, #tpu.memory_space<hbm>> -> memref<50x32xf32, #tpu.memory_space<hbm>>
        %dma_wait3A_579 = arith.constant 0 : i32
        %dma_wait3A_580 = arith.constant 0 : i32
        %dma_wait3A_581 = tpu.memref_slice %arg4[%add3A_406, %dma_wait3A_579, %dma_wait3A_580] : memref<16384x50x32xf32, #tpu.memory_space<hbm>> -> memref<1x50x32xf32, #tpu.memory_space<hbm>>
        %dma_wait3A_582 = tpu.memref_squeeze %dma_wait3A_581 : memref<1x50x32xf32, #tpu.memory_space<hbm>> -> memref<50x32xf32, #tpu.memory_space<hbm>>
        tpu.wait_dma2 semaphore(%run_scoped3A : memref<!tpu.dma_semaphore, #tpu.memory_space<semaphore_mem>>) src(%arg13 : memref<50x32xf32, #tpu.memory_space<vmem>>) dst(%dma_wait3A_582 : memref<50x32xf32, #tpu.memory_space<hbm>>)
        tpu.yield
      }) : () -> ()
      %add3A_407 = arith.constant 16 : i32
      %add3A_408 = arith.addi %add3A_399, %add3A_407 : i32
      %dma_start3A_409 = arith.constant 0 : i32
      %dma_start3A_410 = tpu.memref_slice %arg5[%add3A_408, %dma_start3A_409] : memref<512x50xi32, #tpu.memory_space<vmem>> -> memref<1x50xi32, #tpu.memory_space<vmem>>
      %dma_start3A_411 = tpu.memref_squeeze %dma_start3A_410 : memref<1x50xi32, #tpu.memory_space<vmem>> -> memref<50xi32, #tpu.memory_space<vmem>>
      %dma_start3A_412 = arith.constant 0 : i32
      %dma_start3A_413 = arith.constant 0 : i32
      %dma_start3A_414 = tpu.memref_slice %arg3[%dma_start3A_412, %dma_start3A_413] : memref<1000000x32xf32, #tpu.memory_space<hbm>> -> memref<1000000x32xf32, #tpu.memory_space<hbm>>
      tpu.enqueue_indirect_dma source(%dma_start3A_414 : memref<1000000x32xf32, #tpu.memory_space<hbm>>) target(%arg13 : memref<50x32xf32, #tpu.memory_space<vmem>>) offsets(%dma_start3A_411 : memref<50xi32, #tpu.memory_space<vmem>>) semaphore(%arg29 : memref<!tpu.dma_semaphore, #tpu.memory_space<semaphore_mem>>)
      %mul3A_415 = arith.constant 16 : i32
      %mul3A_416 = arith.muli %scan3A_262, %mul3A_415 : i32
      %add3A_417 = arith.constant 8 : i32
      %add3A_418 = arith.addi %mul3A_416, %add3A_417 : i32
      %dma_wait3A_419 = arith.constant 0 : i32
      %dma_wait3A_420 = tpu.memref_slice %arg5[%add3A_418, %dma_wait3A_419] : memref<512x50xi32, #tpu.memory_space<vmem>> -> memref<1x50xi32, #tpu.memory_space<vmem>>
      %dma_wait3A_421 = tpu.memref_squeeze %dma_wait3A_420 : memref<1x50xi32, #tpu.memory_space<vmem>> -> memref<50xi32, #tpu.memory_space<vmem>>
      %dma_wait3A_422 = arith.constant 0 : i32
      %dma_wait3A_423 = arith.constant 0 : i32
      %dma_wait3A_424 = tpu.memref_slice %arg3[%dma_wait3A_422, %dma_wait3A_423] : memref<1000000x32xf32, #tpu.memory_space<hbm>> -> memref<1000000x32xf32, #tpu.memory_space<hbm>>
      tpu.wait_indirect_dma semaphore(%arg30 : memref<!tpu.dma_semaphore, #tpu.memory_space<semaphore_mem>>) src(%dma_wait3A_424 : memref<1000000x32xf32, #tpu.memory_space<hbm>>) dst(%arg14 : memref<50x32xf32, #tpu.memory_space<vmem>>)
      %add3A_425 = arith.addi %mul3A_2, %add3A_418 : i32
      "tpu.region"() ({
        %run_scoped3A = tpu.sem_alloc : memref<!tpu.dma_semaphore, #tpu.memory_space<semaphore_mem>>
        %dma_start3A_567 = arith.constant 0 : i32
        %dma_start3A_568 = arith.constant 0 : i32
        %dma_start3A_569 = tpu.memref_slice %arg4[%add3A_425, %dma_start3A_567, %dma_start3A_568] : memref<16384x50x32xf32, #tpu.memory_space<hbm>> -> memref<1x50x32xf32, #tpu.memory_space<hbm>>
        %dma_start3A_570 = tpu.memref_squeeze %dma_start3A_569 : memref<1x50x32xf32, #tpu.memory_space<hbm>> -> memref<50x32xf32, #tpu.memory_space<hbm>>
        %dma_start3A_571 = arith.constant 0 : i32
        %dma_start3A_572 = arith.constant 0 : i32
        %dma_start3A_573 = tpu.memref_slice %arg4[%add3A_425, %dma_start3A_571, %dma_start3A_572] : memref<16384x50x32xf32, #tpu.memory_space<hbm>> -> memref<1x50x32xf32, #tpu.memory_space<hbm>>
        %dma_start3A_574 = tpu.memref_squeeze %dma_start3A_573 : memref<1x50x32xf32, #tpu.memory_space<hbm>> -> memref<50x32xf32, #tpu.memory_space<hbm>>
        tpu.enqueue_dma source(%arg14 : memref<50x32xf32, #tpu.memory_space<vmem>>) target(%dma_start3A_574 : memref<50x32xf32, #tpu.memory_space<hbm>>) target_semaphore(%run_scoped3A : memref<!tpu.dma_semaphore, #tpu.memory_space<semaphore_mem>>)
        %dma_wait3A_575 = arith.constant 0 : i32
        %dma_wait3A_576 = arith.constant 0 : i32
        %dma_wait3A_577 = tpu.memref_slice %arg4[%add3A_425, %dma_wait3A_575, %dma_wait3A_576] : memref<16384x50x32xf32, #tpu.memory_space<hbm>> -> memref<1x50x32xf32, #tpu.memory_space<hbm>>
        %dma_wait3A_578 = tpu.memref_squeeze %dma_wait3A_577 : memref<1x50x32xf32, #tpu.memory_space<hbm>> -> memref<50x32xf32, #tpu.memory_space<hbm>>
        %dma_wait3A_579 = arith.constant 0 : i32
        %dma_wait3A_580 = arith.constant 0 : i32
        %dma_wait3A_581 = tpu.memref_slice %arg4[%add3A_425, %dma_wait3A_579, %dma_wait3A_580] : memref<16384x50x32xf32, #tpu.memory_space<hbm>> -> memref<1x50x32xf32, #tpu.memory_space<hbm>>
        %dma_wait3A_582 = tpu.memref_squeeze %dma_wait3A_581 : memref<1x50x32xf32, #tpu.memory_space<hbm>> -> memref<50x32xf32, #tpu.memory_space<hbm>>
        tpu.wait_dma2 semaphore(%run_scoped3A : memref<!tpu.dma_semaphore, #tpu.memory_space<semaphore_mem>>) src(%arg14 : memref<50x32xf32, #tpu.memory_space<vmem>>) dst(%dma_wait3A_582 : memref<50x32xf32, #tpu.memory_space<hbm>>)
        tpu.yield
      }) : () -> ()
      %add3A_426 = arith.constant 16 : i32
      %add3A_427 = arith.addi %add3A_418, %add3A_426 : i32
      %dma_start3A_428 = arith.constant 0 : i32
      %dma_start3A_429 = tpu.memref_slice %arg5[%add3A_427, %dma_start3A_428] : memref<512x50xi32, #tpu.memory_space<vmem>> -> memref<1x50xi32, #tpu.memory_space<vmem>>
      %dma_start3A_430 = tpu.memref_squeeze %dma_start3A_429 : memref<1x50xi32, #tpu.memory_space<vmem>> -> memref<50xi32, #tpu.memory_space<vmem>>
      %dma_start3A_431 = arith.constant 0 : i32
      %dma_start3A_432 = arith.constant 0 : i32
      %dma_start3A_433 = tpu.memref_slice %arg3[%dma_start3A_431, %dma_start3A_432] : memref<1000000x32xf32, #tpu.memory_space<hbm>> -> memref<1000000x32xf32, #tpu.memory_space<hbm>>
      tpu.enqueue_indirect_dma source(%dma_start3A_433 : memref<1000000x32xf32, #tpu.memory_space<hbm>>) target(%arg14 : memref<50x32xf32, #tpu.memory_space<vmem>>) offsets(%dma_start3A_430 : memref<50xi32, #tpu.memory_space<vmem>>) semaphore(%arg30 : memref<!tpu.dma_semaphore, #tpu.memory_space<semaphore_mem>>)
      %mul3A_434 = arith.constant 16 : i32
      %mul3A_435 = arith.muli %scan3A_262, %mul3A_434 : i32
      %add3A_436 = arith.constant 9 : i32
      %add3A_437 = arith.addi %mul3A_435, %add3A_436 : i32
      %dma_wait3A_438 = arith.constant 0 : i32
      %dma_wait3A_439 = tpu.memref_slice %arg5[%add3A_437, %dma_wait3A_438] : memref<512x50xi32, #tpu.memory_space<vmem>> -> memref<1x50xi32, #tpu.memory_space<vmem>>
      %dma_wait3A_440 = tpu.memref_squeeze %dma_wait3A_439 : memref<1x50xi32, #tpu.memory_space<vmem>> -> memref<50xi32, #tpu.memory_space<vmem>>
      %dma_wait3A_441 = arith.constant 0 : i32
      %dma_wait3A_442 = arith.constant 0 : i32
      %dma_wait3A_443 = tpu.memref_slice %arg3[%dma_wait3A_441, %dma_wait3A_442] : memref<1000000x32xf32, #tpu.memory_space<hbm>> -> memref<1000000x32xf32, #tpu.memory_space<hbm>>
      tpu.wait_indirect_dma semaphore(%arg31 : memref<!tpu.dma_semaphore, #tpu.memory_space<semaphore_mem>>) src(%dma_wait3A_443 : memref<1000000x32xf32, #tpu.memory_space<hbm>>) dst(%arg15 : memref<50x32xf32, #tpu.memory_space<vmem>>)
      %add3A_444 = arith.addi %mul3A_2, %add3A_437 : i32
      "tpu.region"() ({
        %run_scoped3A = tpu.sem_alloc : memref<!tpu.dma_semaphore, #tpu.memory_space<semaphore_mem>>
        %dma_start3A_567 = arith.constant 0 : i32
        %dma_start3A_568 = arith.constant 0 : i32
        %dma_start3A_569 = tpu.memref_slice %arg4[%add3A_444, %dma_start3A_567, %dma_start3A_568] : memref<16384x50x32xf32, #tpu.memory_space<hbm>> -> memref<1x50x32xf32, #tpu.memory_space<hbm>>
        %dma_start3A_570 = tpu.memref_squeeze %dma_start3A_569 : memref<1x50x32xf32, #tpu.memory_space<hbm>> -> memref<50x32xf32, #tpu.memory_space<hbm>>
        %dma_start3A_571 = arith.constant 0 : i32
        %dma_start3A_572 = arith.constant 0 : i32
        %dma_start3A_573 = tpu.memref_slice %arg4[%add3A_444, %dma_start3A_571, %dma_start3A_572] : memref<16384x50x32xf32, #tpu.memory_space<hbm>> -> memref<1x50x32xf32, #tpu.memory_space<hbm>>
        %dma_start3A_574 = tpu.memref_squeeze %dma_start3A_573 : memref<1x50x32xf32, #tpu.memory_space<hbm>> -> memref<50x32xf32, #tpu.memory_space<hbm>>
        tpu.enqueue_dma source(%arg15 : memref<50x32xf32, #tpu.memory_space<vmem>>) target(%dma_start3A_574 : memref<50x32xf32, #tpu.memory_space<hbm>>) target_semaphore(%run_scoped3A : memref<!tpu.dma_semaphore, #tpu.memory_space<semaphore_mem>>)
        %dma_wait3A_575 = arith.constant 0 : i32
        %dma_wait3A_576 = arith.constant 0 : i32
        %dma_wait3A_577 = tpu.memref_slice %arg4[%add3A_444, %dma_wait3A_575, %dma_wait3A_576] : memref<16384x50x32xf32, #tpu.memory_space<hbm>> -> memref<1x50x32xf32, #tpu.memory_space<hbm>>
        %dma_wait3A_578 = tpu.memref_squeeze %dma_wait3A_577 : memref<1x50x32xf32, #tpu.memory_space<hbm>> -> memref<50x32xf32, #tpu.memory_space<hbm>>
        %dma_wait3A_579 = arith.constant 0 : i32
        %dma_wait3A_580 = arith.constant 0 : i32
        %dma_wait3A_581 = tpu.memref_slice %arg4[%add3A_444, %dma_wait3A_579, %dma_wait3A_580] : memref<16384x50x32xf32, #tpu.memory_space<hbm>> -> memref<1x50x32xf32, #tpu.memory_space<hbm>>
        %dma_wait3A_582 = tpu.memref_squeeze %dma_wait3A_581 : memref<1x50x32xf32, #tpu.memory_space<hbm>> -> memref<50x32xf32, #tpu.memory_space<hbm>>
        tpu.wait_dma2 semaphore(%run_scoped3A : memref<!tpu.dma_semaphore, #tpu.memory_space<semaphore_mem>>) src(%arg15 : memref<50x32xf32, #tpu.memory_space<vmem>>) dst(%dma_wait3A_582 : memref<50x32xf32, #tpu.memory_space<hbm>>)
        tpu.yield
      }) : () -> ()
      %add3A_445 = arith.constant 16 : i32
      %add3A_446 = arith.addi %add3A_437, %add3A_445 : i32
      %dma_start3A_447 = arith.constant 0 : i32
      %dma_start3A_448 = tpu.memref_slice %arg5[%add3A_446, %dma_start3A_447] : memref<512x50xi32, #tpu.memory_space<vmem>> -> memref<1x50xi32, #tpu.memory_space<vmem>>
      %dma_start3A_449 = tpu.memref_squeeze %dma_start3A_448 : memref<1x50xi32, #tpu.memory_space<vmem>> -> memref<50xi32, #tpu.memory_space<vmem>>
      %dma_start3A_450 = arith.constant 0 : i32
      %dma_start3A_451 = arith.constant 0 : i32
      %dma_start3A_452 = tpu.memref_slice %arg3[%dma_start3A_450, %dma_start3A_451] : memref<1000000x32xf32, #tpu.memory_space<hbm>> -> memref<1000000x32xf32, #tpu.memory_space<hbm>>
      tpu.enqueue_indirect_dma source(%dma_start3A_452 : memref<1000000x32xf32, #tpu.memory_space<hbm>>) target(%arg15 : memref<50x32xf32, #tpu.memory_space<vmem>>) offsets(%dma_start3A_449 : memref<50xi32, #tpu.memory_space<vmem>>) semaphore(%arg31 : memref<!tpu.dma_semaphore, #tpu.memory_space<semaphore_mem>>)
      %mul3A_453 = arith.constant 16 : i32
      %mul3A_454 = arith.muli %scan3A_262, %mul3A_453 : i32
      %add3A_455 = arith.constant 10 : i32
      %add3A_456 = arith.addi %mul3A_454, %add3A_455 : i32
      %dma_wait3A_457 = arith.constant 0 : i32
      %dma_wait3A_458 = tpu.memref_slice %arg5[%add3A_456, %dma_wait3A_457] : memref<512x50xi32, #tpu.memory_space<vmem>> -> memref<1x50xi32, #tpu.memory_space<vmem>>
      %dma_wait3A_459 = tpu.memref_squeeze %dma_wait3A_458 : memref<1x50xi32, #tpu.memory_space<vmem>> -> memref<50xi32, #tpu.memory_space<vmem>>
      %dma_wait3A_460 = arith.constant 0 : i32
      %dma_wait3A_461 = arith.constant 0 : i32
      %dma_wait3A_462 = tpu.memref_slice %arg3[%dma_wait3A_460, %dma_wait3A_461] : memref<1000000x32xf32, #tpu.memory_space<hbm>> -> memref<1000000x32xf32, #tpu.memory_space<hbm>>
      tpu.wait_indirect_dma semaphore(%arg32 : memref<!tpu.dma_semaphore, #tpu.memory_space<semaphore_mem>>) src(%dma_wait3A_462 : memref<1000000x32xf32, #tpu.memory_space<hbm>>) dst(%arg16 : memref<50x32xf32, #tpu.memory_space<vmem>>)
      %add3A_463 = arith.addi %mul3A_2, %add3A_456 : i32
      "tpu.region"() ({
        %run_scoped3A = tpu.sem_alloc : memref<!tpu.dma_semaphore, #tpu.memory_space<semaphore_mem>>
        %dma_start3A_567 = arith.constant 0 : i32
        %dma_start3A_568 = arith.constant 0 : i32
        %dma_start3A_569 = tpu.memref_slice %arg4[%add3A_463, %dma_start3A_567, %dma_start3A_568] : memref<16384x50x32xf32, #tpu.memory_space<hbm>> -> memref<1x50x32xf32, #tpu.memory_space<hbm>>
        %dma_start3A_570 = tpu.memref_squeeze %dma_start3A_569 : memref<1x50x32xf32, #tpu.memory_space<hbm>> -> memref<50x32xf32, #tpu.memory_space<hbm>>
        %dma_start3A_571 = arith.constant 0 : i32
        %dma_start3A_572 = arith.constant 0 : i32
        %dma_start3A_573 = tpu.memref_slice %arg4[%add3A_463, %dma_start3A_571, %dma_start3A_572] : memref<16384x50x32xf32, #tpu.memory_space<hbm>> -> memref<1x50x32xf32, #tpu.memory_space<hbm>>
        %dma_start3A_574 = tpu.memref_squeeze %dma_start3A_573 : memref<1x50x32xf32, #tpu.memory_space<hbm>> -> memref<50x32xf32, #tpu.memory_space<hbm>>
        tpu.enqueue_dma source(%arg16 : memref<50x32xf32, #tpu.memory_space<vmem>>) target(%dma_start3A_574 : memref<50x32xf32, #tpu.memory_space<hbm>>) target_semaphore(%run_scoped3A : memref<!tpu.dma_semaphore, #tpu.memory_space<semaphore_mem>>)
        %dma_wait3A_575 = arith.constant 0 : i32
        %dma_wait3A_576 = arith.constant 0 : i32
        %dma_wait3A_577 = tpu.memref_slice %arg4[%add3A_463, %dma_wait3A_575, %dma_wait3A_576] : memref<16384x50x32xf32, #tpu.memory_space<hbm>> -> memref<1x50x32xf32, #tpu.memory_space<hbm>>
        %dma_wait3A_578 = tpu.memref_squeeze %dma_wait3A_577 : memref<1x50x32xf32, #tpu.memory_space<hbm>> -> memref<50x32xf32, #tpu.memory_space<hbm>>
        %dma_wait3A_579 = arith.constant 0 : i32
        %dma_wait3A_580 = arith.constant 0 : i32
        %dma_wait3A_581 = tpu.memref_slice %arg4[%add3A_463, %dma_wait3A_579, %dma_wait3A_580] : memref<16384x50x32xf32, #tpu.memory_space<hbm>> -> memref<1x50x32xf32, #tpu.memory_space<hbm>>
        %dma_wait3A_582 = tpu.memref_squeeze %dma_wait3A_581 : memref<1x50x32xf32, #tpu.memory_space<hbm>> -> memref<50x32xf32, #tpu.memory_space<hbm>>
        tpu.wait_dma2 semaphore(%run_scoped3A : memref<!tpu.dma_semaphore, #tpu.memory_space<semaphore_mem>>) src(%arg16 : memref<50x32xf32, #tpu.memory_space<vmem>>) dst(%dma_wait3A_582 : memref<50x32xf32, #tpu.memory_space<hbm>>)
        tpu.yield
      }) : () -> ()
      %add3A_464 = arith.constant 16 : i32
      %add3A_465 = arith.addi %add3A_456, %add3A_464 : i32
      %dma_start3A_466 = arith.constant 0 : i32
      %dma_start3A_467 = tpu.memref_slice %arg5[%add3A_465, %dma_start3A_466] : memref<512x50xi32, #tpu.memory_space<vmem>> -> memref<1x50xi32, #tpu.memory_space<vmem>>
      %dma_start3A_468 = tpu.memref_squeeze %dma_start3A_467 : memref<1x50xi32, #tpu.memory_space<vmem>> -> memref<50xi32, #tpu.memory_space<vmem>>
      %dma_start3A_469 = arith.constant 0 : i32
      %dma_start3A_470 = arith.constant 0 : i32
      %dma_start3A_471 = tpu.memref_slice %arg3[%dma_start3A_469, %dma_start3A_470] : memref<1000000x32xf32, #tpu.memory_space<hbm>> -> memref<1000000x32xf32, #tpu.memory_space<hbm>>
      tpu.enqueue_indirect_dma source(%dma_start3A_471 : memref<1000000x32xf32, #tpu.memory_space<hbm>>) target(%arg16 : memref<50x32xf32, #tpu.memory_space<vmem>>) offsets(%dma_start3A_468 : memref<50xi32, #tpu.memory_space<vmem>>) semaphore(%arg32 : memref<!tpu.dma_semaphore, #tpu.memory_space<semaphore_mem>>)
      %mul3A_472 = arith.constant 16 : i32
      %mul3A_473 = arith.muli %scan3A_262, %mul3A_472 : i32
      %add3A_474 = arith.constant 11 : i32
      %add3A_475 = arith.addi %mul3A_473, %add3A_474 : i32
      %dma_wait3A_476 = arith.constant 0 : i32
      %dma_wait3A_477 = tpu.memref_slice %arg5[%add3A_475, %dma_wait3A_476] : memref<512x50xi32, #tpu.memory_space<vmem>> -> memref<1x50xi32, #tpu.memory_space<vmem>>
      %dma_wait3A_478 = tpu.memref_squeeze %dma_wait3A_477 : memref<1x50xi32, #tpu.memory_space<vmem>> -> memref<50xi32, #tpu.memory_space<vmem>>
      %dma_wait3A_479 = arith.constant 0 : i32
      %dma_wait3A_480 = arith.constant 0 : i32
      %dma_wait3A_481 = tpu.memref_slice %arg3[%dma_wait3A_479, %dma_wait3A_480] : memref<1000000x32xf32, #tpu.memory_space<hbm>> -> memref<1000000x32xf32, #tpu.memory_space<hbm>>
      tpu.wait_indirect_dma semaphore(%arg33 : memref<!tpu.dma_semaphore, #tpu.memory_space<semaphore_mem>>) src(%dma_wait3A_481 : memref<1000000x32xf32, #tpu.memory_space<hbm>>) dst(%arg17 : memref<50x32xf32, #tpu.memory_space<vmem>>)
      %add3A_482 = arith.addi %mul3A_2, %add3A_475 : i32
      "tpu.region"() ({
        %run_scoped3A = tpu.sem_alloc : memref<!tpu.dma_semaphore, #tpu.memory_space<semaphore_mem>>
        %dma_start3A_567 = arith.constant 0 : i32
        %dma_start3A_568 = arith.constant 0 : i32
        %dma_start3A_569 = tpu.memref_slice %arg4[%add3A_482, %dma_start3A_567, %dma_start3A_568] : memref<16384x50x32xf32, #tpu.memory_space<hbm>> -> memref<1x50x32xf32, #tpu.memory_space<hbm>>
        %dma_start3A_570 = tpu.memref_squeeze %dma_start3A_569 : memref<1x50x32xf32, #tpu.memory_space<hbm>> -> memref<50x32xf32, #tpu.memory_space<hbm>>
        %dma_start3A_571 = arith.constant 0 : i32
        %dma_start3A_572 = arith.constant 0 : i32
        %dma_start3A_573 = tpu.memref_slice %arg4[%add3A_482, %dma_start3A_571, %dma_start3A_572] : memref<16384x50x32xf32, #tpu.memory_space<hbm>> -> memref<1x50x32xf32, #tpu.memory_space<hbm>>
        %dma_start3A_574 = tpu.memref_squeeze %dma_start3A_573 : memref<1x50x32xf32, #tpu.memory_space<hbm>> -> memref<50x32xf32, #tpu.memory_space<hbm>>
        tpu.enqueue_dma source(%arg17 : memref<50x32xf32, #tpu.memory_space<vmem>>) target(%dma_start3A_574 : memref<50x32xf32, #tpu.memory_space<hbm>>) target_semaphore(%run_scoped3A : memref<!tpu.dma_semaphore, #tpu.memory_space<semaphore_mem>>)
        %dma_wait3A_575 = arith.constant 0 : i32
        %dma_wait3A_576 = arith.constant 0 : i32
        %dma_wait3A_577 = tpu.memref_slice %arg4[%add3A_482, %dma_wait3A_575, %dma_wait3A_576] : memref<16384x50x32xf32, #tpu.memory_space<hbm>> -> memref<1x50x32xf32, #tpu.memory_space<hbm>>
        %dma_wait3A_578 = tpu.memref_squeeze %dma_wait3A_577 : memref<1x50x32xf32, #tpu.memory_space<hbm>> -> memref<50x32xf32, #tpu.memory_space<hbm>>
        %dma_wait3A_579 = arith.constant 0 : i32
        %dma_wait3A_580 = arith.constant 0 : i32
        %dma_wait3A_581 = tpu.memref_slice %arg4[%add3A_482, %dma_wait3A_579, %dma_wait3A_580] : memref<16384x50x32xf32, #tpu.memory_space<hbm>> -> memref<1x50x32xf32, #tpu.memory_space<hbm>>
        %dma_wait3A_582 = tpu.memref_squeeze %dma_wait3A_581 : memref<1x50x32xf32, #tpu.memory_space<hbm>> -> memref<50x32xf32, #tpu.memory_space<hbm>>
        tpu.wait_dma2 semaphore(%run_scoped3A : memref<!tpu.dma_semaphore, #tpu.memory_space<semaphore_mem>>) src(%arg17 : memref<50x32xf32, #tpu.memory_space<vmem>>) dst(%dma_wait3A_582 : memref<50x32xf32, #tpu.memory_space<hbm>>)
        tpu.yield
      }) : () -> ()
      %add3A_483 = arith.constant 16 : i32
      %add3A_484 = arith.addi %add3A_475, %add3A_483 : i32
      %dma_start3A_485 = arith.constant 0 : i32
      %dma_start3A_486 = tpu.memref_slice %arg5[%add3A_484, %dma_start3A_485] : memref<512x50xi32, #tpu.memory_space<vmem>> -> memref<1x50xi32, #tpu.memory_space<vmem>>
      %dma_start3A_487 = tpu.memref_squeeze %dma_start3A_486 : memref<1x50xi32, #tpu.memory_space<vmem>> -> memref<50xi32, #tpu.memory_space<vmem>>
      %dma_start3A_488 = arith.constant 0 : i32
      %dma_start3A_489 = arith.constant 0 : i32
      %dma_start3A_490 = tpu.memref_slice %arg3[%dma_start3A_488, %dma_start3A_489] : memref<1000000x32xf32, #tpu.memory_space<hbm>> -> memref<1000000x32xf32, #tpu.memory_space<hbm>>
      tpu.enqueue_indirect_dma source(%dma_start3A_490 : memref<1000000x32xf32, #tpu.memory_space<hbm>>) target(%arg17 : memref<50x32xf32, #tpu.memory_space<vmem>>) offsets(%dma_start3A_487 : memref<50xi32, #tpu.memory_space<vmem>>) semaphore(%arg33 : memref<!tpu.dma_semaphore, #tpu.memory_space<semaphore_mem>>)
      %mul3A_491 = arith.constant 16 : i32
      %mul3A_492 = arith.muli %scan3A_262, %mul3A_491 : i32
      %add3A_493 = arith.constant 12 : i32
      %add3A_494 = arith.addi %mul3A_492, %add3A_493 : i32
      %dma_wait3A_495 = arith.constant 0 : i32
      %dma_wait3A_496 = tpu.memref_slice %arg5[%add3A_494, %dma_wait3A_495] : memref<512x50xi32, #tpu.memory_space<vmem>> -> memref<1x50xi32, #tpu.memory_space<vmem>>
      %dma_wait3A_497 = tpu.memref_squeeze %dma_wait3A_496 : memref<1x50xi32, #tpu.memory_space<vmem>> -> memref<50xi32, #tpu.memory_space<vmem>>
      %dma_wait3A_498 = arith.constant 0 : i32
      %dma_wait3A_499 = arith.constant 0 : i32
      %dma_wait3A_500 = tpu.memref_slice %arg3[%dma_wait3A_498, %dma_wait3A_499] : memref<1000000x32xf32, #tpu.memory_space<hbm>> -> memref<1000000x32xf32, #tpu.memory_space<hbm>>
      tpu.wait_indirect_dma semaphore(%arg34 : memref<!tpu.dma_semaphore, #tpu.memory_space<semaphore_mem>>) src(%dma_wait3A_500 : memref<1000000x32xf32, #tpu.memory_space<hbm>>) dst(%arg18 : memref<50x32xf32, #tpu.memory_space<vmem>>)
      %add3A_501 = arith.addi %mul3A_2, %add3A_494 : i32
      "tpu.region"() ({
        %run_scoped3A = tpu.sem_alloc : memref<!tpu.dma_semaphore, #tpu.memory_space<semaphore_mem>>
        %dma_start3A_567 = arith.constant 0 : i32
        %dma_start3A_568 = arith.constant 0 : i32
        %dma_start3A_569 = tpu.memref_slice %arg4[%add3A_501, %dma_start3A_567, %dma_start3A_568] : memref<16384x50x32xf32, #tpu.memory_space<hbm>> -> memref<1x50x32xf32, #tpu.memory_space<hbm>>
        %dma_start3A_570 = tpu.memref_squeeze %dma_start3A_569 : memref<1x50x32xf32, #tpu.memory_space<hbm>> -> memref<50x32xf32, #tpu.memory_space<hbm>>
        %dma_start3A_571 = arith.constant 0 : i32
        %dma_start3A_572 = arith.constant 0 : i32
        %dma_start3A_573 = tpu.memref_slice %arg4[%add3A_501, %dma_start3A_571, %dma_start3A_572] : memref<16384x50x32xf32, #tpu.memory_space<hbm>> -> memref<1x50x32xf32, #tpu.memory_space<hbm>>
        %dma_start3A_574 = tpu.memref_squeeze %dma_start3A_573 : memref<1x50x32xf32, #tpu.memory_space<hbm>> -> memref<50x32xf32, #tpu.memory_space<hbm>>
        tpu.enqueue_dma source(%arg18 : memref<50x32xf32, #tpu.memory_space<vmem>>) target(%dma_start3A_574 : memref<50x32xf32, #tpu.memory_space<hbm>>) target_semaphore(%run_scoped3A : memref<!tpu.dma_semaphore, #tpu.memory_space<semaphore_mem>>)
        %dma_wait3A_575 = arith.constant 0 : i32
        %dma_wait3A_576 = arith.constant 0 : i32
        %dma_wait3A_577 = tpu.memref_slice %arg4[%add3A_501, %dma_wait3A_575, %dma_wait3A_576] : memref<16384x50x32xf32, #tpu.memory_space<hbm>> -> memref<1x50x32xf32, #tpu.memory_space<hbm>>
        %dma_wait3A_578 = tpu.memref_squeeze %dma_wait3A_577 : memref<1x50x32xf32, #tpu.memory_space<hbm>> -> memref<50x32xf32, #tpu.memory_space<hbm>>
        %dma_wait3A_579 = arith.constant 0 : i32
        %dma_wait3A_580 = arith.constant 0 : i32
        %dma_wait3A_581 = tpu.memref_slice %arg4[%add3A_501, %dma_wait3A_579, %dma_wait3A_580] : memref<16384x50x32xf32, #tpu.memory_space<hbm>> -> memref<1x50x32xf32, #tpu.memory_space<hbm>>
        %dma_wait3A_582 = tpu.memref_squeeze %dma_wait3A_581 : memref<1x50x32xf32, #tpu.memory_space<hbm>> -> memref<50x32xf32, #tpu.memory_space<hbm>>
        tpu.wait_dma2 semaphore(%run_scoped3A : memref<!tpu.dma_semaphore, #tpu.memory_space<semaphore_mem>>) src(%arg18 : memref<50x32xf32, #tpu.memory_space<vmem>>) dst(%dma_wait3A_582 : memref<50x32xf32, #tpu.memory_space<hbm>>)
        tpu.yield
      }) : () -> ()
      %add3A_502 = arith.constant 16 : i32
      %add3A_503 = arith.addi %add3A_494, %add3A_502 : i32
      %dma_start3A_504 = arith.constant 0 : i32
      %dma_start3A_505 = tpu.memref_slice %arg5[%add3A_503, %dma_start3A_504] : memref<512x50xi32, #tpu.memory_space<vmem>> -> memref<1x50xi32, #tpu.memory_space<vmem>>
      %dma_start3A_506 = tpu.memref_squeeze %dma_start3A_505 : memref<1x50xi32, #tpu.memory_space<vmem>> -> memref<50xi32, #tpu.memory_space<vmem>>
      %dma_start3A_507 = arith.constant 0 : i32
      %dma_start3A_508 = arith.constant 0 : i32
      %dma_start3A_509 = tpu.memref_slice %arg3[%dma_start3A_507, %dma_start3A_508] : memref<1000000x32xf32, #tpu.memory_space<hbm>> -> memref<1000000x32xf32, #tpu.memory_space<hbm>>
      tpu.enqueue_indirect_dma source(%dma_start3A_509 : memref<1000000x32xf32, #tpu.memory_space<hbm>>) target(%arg18 : memref<50x32xf32, #tpu.memory_space<vmem>>) offsets(%dma_start3A_506 : memref<50xi32, #tpu.memory_space<vmem>>) semaphore(%arg34 : memref<!tpu.dma_semaphore, #tpu.memory_space<semaphore_mem>>)
      %mul3A_510 = arith.constant 16 : i32
      %mul3A_511 = arith.muli %scan3A_262, %mul3A_510 : i32
      %add3A_512 = arith.constant 13 : i32
      %add3A_513 = arith.addi %mul3A_511, %add3A_512 : i32
      %dma_wait3A_514 = arith.constant 0 : i32
      %dma_wait3A_515 = tpu.memref_slice %arg5[%add3A_513, %dma_wait3A_514] : memref<512x50xi32, #tpu.memory_space<vmem>> -> memref<1x50xi32, #tpu.memory_space<vmem>>
      %dma_wait3A_516 = tpu.memref_squeeze %dma_wait3A_515 : memref<1x50xi32, #tpu.memory_space<vmem>> -> memref<50xi32, #tpu.memory_space<vmem>>
      %dma_wait3A_517 = arith.constant 0 : i32
      %dma_wait3A_518 = arith.constant 0 : i32
      %dma_wait3A_519 = tpu.memref_slice %arg3[%dma_wait3A_517, %dma_wait3A_518] : memref<1000000x32xf32, #tpu.memory_space<hbm>> -> memref<1000000x32xf32, #tpu.memory_space<hbm>>
      tpu.wait_indirect_dma semaphore(%arg35 : memref<!tpu.dma_semaphore, #tpu.memory_space<semaphore_mem>>) src(%dma_wait3A_519 : memref<1000000x32xf32, #tpu.memory_space<hbm>>) dst(%arg19 : memref<50x32xf32, #tpu.memory_space<vmem>>)
      %add3A_520 = arith.addi %mul3A_2, %add3A_513 : i32
      "tpu.region"() ({
        %run_scoped3A = tpu.sem_alloc : memref<!tpu.dma_semaphore, #tpu.memory_space<semaphore_mem>>
        %dma_start3A_567 = arith.constant 0 : i32
        %dma_start3A_568 = arith.constant 0 : i32
        %dma_start3A_569 = tpu.memref_slice %arg4[%add3A_520, %dma_start3A_567, %dma_start3A_568] : memref<16384x50x32xf32, #tpu.memory_space<hbm>> -> memref<1x50x32xf32, #tpu.memory_space<hbm>>
        %dma_start3A_570 = tpu.memref_squeeze %dma_start3A_569 : memref<1x50x32xf32, #tpu.memory_space<hbm>> -> memref<50x32xf32, #tpu.memory_space<hbm>>
        %dma_start3A_571 = arith.constant 0 : i32
        %dma_start3A_572 = arith.constant 0 : i32
        %dma_start3A_573 = tpu.memref_slice %arg4[%add3A_520, %dma_start3A_571, %dma_start3A_572] : memref<16384x50x32xf32, #tpu.memory_space<hbm>> -> memref<1x50x32xf32, #tpu.memory_space<hbm>>
        %dma_start3A_574 = tpu.memref_squeeze %dma_start3A_573 : memref<1x50x32xf32, #tpu.memory_space<hbm>> -> memref<50x32xf32, #tpu.memory_space<hbm>>
        tpu.enqueue_dma source(%arg19 : memref<50x32xf32, #tpu.memory_space<vmem>>) target(%dma_start3A_574 : memref<50x32xf32, #tpu.memory_space<hbm>>) target_semaphore(%run_scoped3A : memref<!tpu.dma_semaphore, #tpu.memory_space<semaphore_mem>>)
        %dma_wait3A_575 = arith.constant 0 : i32
        %dma_wait3A_576 = arith.constant 0 : i32
        %dma_wait3A_577 = tpu.memref_slice %arg4[%add3A_520, %dma_wait3A_575, %dma_wait3A_576] : memref<16384x50x32xf32, #tpu.memory_space<hbm>> -> memref<1x50x32xf32, #tpu.memory_space<hbm>>
        %dma_wait3A_578 = tpu.memref_squeeze %dma_wait3A_577 : memref<1x50x32xf32, #tpu.memory_space<hbm>> -> memref<50x32xf32, #tpu.memory_space<hbm>>
        %dma_wait3A_579 = arith.constant 0 : i32
        %dma_wait3A_580 = arith.constant 0 : i32
        %dma_wait3A_581 = tpu.memref_slice %arg4[%add3A_520, %dma_wait3A_579, %dma_wait3A_580] : memref<16384x50x32xf32, #tpu.memory_space<hbm>> -> memref<1x50x32xf32, #tpu.memory_space<hbm>>
        %dma_wait3A_582 = tpu.memref_squeeze %dma_wait3A_581 : memref<1x50x32xf32, #tpu.memory_space<hbm>> -> memref<50x32xf32, #tpu.memory_space<hbm>>
        tpu.wait_dma2 semaphore(%run_scoped3A : memref<!tpu.dma_semaphore, #tpu.memory_space<semaphore_mem>>) src(%arg19 : memref<50x32xf32, #tpu.memory_space<vmem>>) dst(%dma_wait3A_582 : memref<50x32xf32, #tpu.memory_space<hbm>>)
        tpu.yield
      }) : () -> ()
      %add3A_521 = arith.constant 16 : i32
      %add3A_522 = arith.addi %add3A_513, %add3A_521 : i32
      %dma_start3A_523 = arith.constant 0 : i32
      %dma_start3A_524 = tpu.memref_slice %arg5[%add3A_522, %dma_start3A_523] : memref<512x50xi32, #tpu.memory_space<vmem>> -> memref<1x50xi32, #tpu.memory_space<vmem>>
      %dma_start3A_525 = tpu.memref_squeeze %dma_start3A_524 : memref<1x50xi32, #tpu.memory_space<vmem>> -> memref<50xi32, #tpu.memory_space<vmem>>
      %dma_start3A_526 = arith.constant 0 : i32
      %dma_start3A_527 = arith.constant 0 : i32
      %dma_start3A_528 = tpu.memref_slice %arg3[%dma_start3A_526, %dma_start3A_527] : memref<1000000x32xf32, #tpu.memory_space<hbm>> -> memref<1000000x32xf32, #tpu.memory_space<hbm>>
      tpu.enqueue_indirect_dma source(%dma_start3A_528 : memref<1000000x32xf32, #tpu.memory_space<hbm>>) target(%arg19 : memref<50x32xf32, #tpu.memory_space<vmem>>) offsets(%dma_start3A_525 : memref<50xi32, #tpu.memory_space<vmem>>) semaphore(%arg35 : memref<!tpu.dma_semaphore, #tpu.memory_space<semaphore_mem>>)
      %mul3A_529 = arith.constant 16 : i32
      %mul3A_530 = arith.muli %scan3A_262, %mul3A_529 : i32
      %add3A_531 = arith.constant 14 : i32
      %add3A_532 = arith.addi %mul3A_530, %add3A_531 : i32
      %dma_wait3A_533 = arith.constant 0 : i32
      %dma_wait3A_534 = tpu.memref_slice %arg5[%add3A_532, %dma_wait3A_533] : memref<512x50xi32, #tpu.memory_space<vmem>> -> memref<1x50xi32, #tpu.memory_space<vmem>>
      %dma_wait3A_535 = tpu.memref_squeeze %dma_wait3A_534 : memref<1x50xi32, #tpu.memory_space<vmem>> -> memref<50xi32, #tpu.memory_space<vmem>>
      %dma_wait3A_536 = arith.constant 0 : i32
      %dma_wait3A_537 = arith.constant 0 : i32
      %dma_wait3A_538 = tpu.memref_slice %arg3[%dma_wait3A_536, %dma_wait3A_537] : memref<1000000x32xf32, #tpu.memory_space<hbm>> -> memref<1000000x32xf32, #tpu.memory_space<hbm>>
      tpu.wait_indirect_dma semaphore(%arg36 : memref<!tpu.dma_semaphore, #tpu.memory_space<semaphore_mem>>) src(%dma_wait3A_538 : memref<1000000x32xf32, #tpu.memory_space<hbm>>) dst(%arg20 : memref<50x32xf32, #tpu.memory_space<vmem>>)
      %add3A_539 = arith.addi %mul3A_2, %add3A_532 : i32
      "tpu.region"() ({
        %run_scoped3A = tpu.sem_alloc : memref<!tpu.dma_semaphore, #tpu.memory_space<semaphore_mem>>
        %dma_start3A_567 = arith.constant 0 : i32
        %dma_start3A_568 = arith.constant 0 : i32
        %dma_start3A_569 = tpu.memref_slice %arg4[%add3A_539, %dma_start3A_567, %dma_start3A_568] : memref<16384x50x32xf32, #tpu.memory_space<hbm>> -> memref<1x50x32xf32, #tpu.memory_space<hbm>>
        %dma_start3A_570 = tpu.memref_squeeze %dma_start3A_569 : memref<1x50x32xf32, #tpu.memory_space<hbm>> -> memref<50x32xf32, #tpu.memory_space<hbm>>
        %dma_start3A_571 = arith.constant 0 : i32
        %dma_start3A_572 = arith.constant 0 : i32
        %dma_start3A_573 = tpu.memref_slice %arg4[%add3A_539, %dma_start3A_571, %dma_start3A_572] : memref<16384x50x32xf32, #tpu.memory_space<hbm>> -> memref<1x50x32xf32, #tpu.memory_space<hbm>>
        %dma_start3A_574 = tpu.memref_squeeze %dma_start3A_573 : memref<1x50x32xf32, #tpu.memory_space<hbm>> -> memref<50x32xf32, #tpu.memory_space<hbm>>
        tpu.enqueue_dma source(%arg20 : memref<50x32xf32, #tpu.memory_space<vmem>>) target(%dma_start3A_574 : memref<50x32xf32, #tpu.memory_space<hbm>>) target_semaphore(%run_scoped3A : memref<!tpu.dma_semaphore, #tpu.memory_space<semaphore_mem>>)
        %dma_wait3A_575 = arith.constant 0 : i32
        %dma_wait3A_576 = arith.constant 0 : i32
        %dma_wait3A_577 = tpu.memref_slice %arg4[%add3A_539, %dma_wait3A_575, %dma_wait3A_576] : memref<16384x50x32xf32, #tpu.memory_space<hbm>> -> memref<1x50x32xf32, #tpu.memory_space<hbm>>
        %dma_wait3A_578 = tpu.memref_squeeze %dma_wait3A_577 : memref<1x50x32xf32, #tpu.memory_space<hbm>> -> memref<50x32xf32, #tpu.memory_space<hbm>>
        %dma_wait3A_579 = arith.constant 0 : i32
        %dma_wait3A_580 = arith.constant 0 : i32
        %dma_wait3A_581 = tpu.memref_slice %arg4[%add3A_539, %dma_wait3A_579, %dma_wait3A_580] : memref<16384x50x32xf32, #tpu.memory_space<hbm>> -> memref<1x50x32xf32, #tpu.memory_space<hbm>>
        %dma_wait3A_582 = tpu.memref_squeeze %dma_wait3A_581 : memref<1x50x32xf32, #tpu.memory_space<hbm>> -> memref<50x32xf32, #tpu.memory_space<hbm>>
        tpu.wait_dma2 semaphore(%run_scoped3A : memref<!tpu.dma_semaphore, #tpu.memory_space<semaphore_mem>>) src(%arg20 : memref<50x32xf32, #tpu.memory_space<vmem>>) dst(%dma_wait3A_582 : memref<50x32xf32, #tpu.memory_space<hbm>>)
        tpu.yield
      }) : () -> ()
      %add3A_540 = arith.constant 16 : i32
      %add3A_541 = arith.addi %add3A_532, %add3A_540 : i32
      %dma_start3A_542 = arith.constant 0 : i32
      %dma_start3A_543 = tpu.memref_slice %arg5[%add3A_541, %dma_start3A_542] : memref<512x50xi32, #tpu.memory_space<vmem>> -> memref<1x50xi32, #tpu.memory_space<vmem>>
      %dma_start3A_544 = tpu.memref_squeeze %dma_start3A_543 : memref<1x50xi32, #tpu.memory_space<vmem>> -> memref<50xi32, #tpu.memory_space<vmem>>
      %dma_start3A_545 = arith.constant 0 : i32
      %dma_start3A_546 = arith.constant 0 : i32
      %dma_start3A_547 = tpu.memref_slice %arg3[%dma_start3A_545, %dma_start3A_546] : memref<1000000x32xf32, #tpu.memory_space<hbm>> -> memref<1000000x32xf32, #tpu.memory_space<hbm>>
      tpu.enqueue_indirect_dma source(%dma_start3A_547 : memref<1000000x32xf32, #tpu.memory_space<hbm>>) target(%arg20 : memref<50x32xf32, #tpu.memory_space<vmem>>) offsets(%dma_start3A_544 : memref<50xi32, #tpu.memory_space<vmem>>) semaphore(%arg36 : memref<!tpu.dma_semaphore, #tpu.memory_space<semaphore_mem>>)
      %mul3A_548 = arith.constant 16 : i32
      %mul3A_549 = arith.muli %scan3A_262, %mul3A_548 : i32
      %add3A_550 = arith.constant 15 : i32
      %add3A_551 = arith.addi %mul3A_549, %add3A_550 : i32
      %dma_wait3A_552 = arith.constant 0 : i32
      %dma_wait3A_553 = tpu.memref_slice %arg5[%add3A_551, %dma_wait3A_552] : memref<512x50xi32, #tpu.memory_space<vmem>> -> memref<1x50xi32, #tpu.memory_space<vmem>>
      %dma_wait3A_554 = tpu.memref_squeeze %dma_wait3A_553 : memref<1x50xi32, #tpu.memory_space<vmem>> -> memref<50xi32, #tpu.memory_space<vmem>>
      %dma_wait3A_555 = arith.constant 0 : i32
      %dma_wait3A_556 = arith.constant 0 : i32
      %dma_wait3A_557 = tpu.memref_slice %arg3[%dma_wait3A_555, %dma_wait3A_556] : memref<1000000x32xf32, #tpu.memory_space<hbm>> -> memref<1000000x32xf32, #tpu.memory_space<hbm>>
      tpu.wait_indirect_dma semaphore(%arg37 : memref<!tpu.dma_semaphore, #tpu.memory_space<semaphore_mem>>) src(%dma_wait3A_557 : memref<1000000x32xf32, #tpu.memory_space<hbm>>) dst(%arg21 : memref<50x32xf32, #tpu.memory_space<vmem>>)
      %add3A_558 = arith.addi %mul3A_2, %add3A_551 : i32
      "tpu.region"() ({
        %run_scoped3A = tpu.sem_alloc : memref<!tpu.dma_semaphore, #tpu.memory_space<semaphore_mem>>
        %dma_start3A_567 = arith.constant 0 : i32
        %dma_start3A_568 = arith.constant 0 : i32
        %dma_start3A_569 = tpu.memref_slice %arg4[%add3A_558, %dma_start3A_567, %dma_start3A_568] : memref<16384x50x32xf32, #tpu.memory_space<hbm>> -> memref<1x50x32xf32, #tpu.memory_space<hbm>>
        %dma_start3A_570 = tpu.memref_squeeze %dma_start3A_569 : memref<1x50x32xf32, #tpu.memory_space<hbm>> -> memref<50x32xf32, #tpu.memory_space<hbm>>
        %dma_start3A_571 = arith.constant 0 : i32
        %dma_start3A_572 = arith.constant 0 : i32
        %dma_start3A_573 = tpu.memref_slice %arg4[%add3A_558, %dma_start3A_571, %dma_start3A_572] : memref<16384x50x32xf32, #tpu.memory_space<hbm>> -> memref<1x50x32xf32, #tpu.memory_space<hbm>>
        %dma_start3A_574 = tpu.memref_squeeze %dma_start3A_573 : memref<1x50x32xf32, #tpu.memory_space<hbm>> -> memref<50x32xf32, #tpu.memory_space<hbm>>
        tpu.enqueue_dma source(%arg21 : memref<50x32xf32, #tpu.memory_space<vmem>>) target(%dma_start3A_574 : memref<50x32xf32, #tpu.memory_space<hbm>>) target_semaphore(%run_scoped3A : memref<!tpu.dma_semaphore, #tpu.memory_space<semaphore_mem>>)
        %dma_wait3A_575 = arith.constant 0 : i32
        %dma_wait3A_576 = arith.constant 0 : i32
        %dma_wait3A_577 = tpu.memref_slice %arg4[%add3A_558, %dma_wait3A_575, %dma_wait3A_576] : memref<16384x50x32xf32, #tpu.memory_space<hbm>> -> memref<1x50x32xf32, #tpu.memory_space<hbm>>
        %dma_wait3A_578 = tpu.memref_squeeze %dma_wait3A_577 : memref<1x50x32xf32, #tpu.memory_space<hbm>> -> memref<50x32xf32, #tpu.memory_space<hbm>>
        %dma_wait3A_579 = arith.constant 0 : i32
        %dma_wait3A_580 = arith.constant 0 : i32
        %dma_wait3A_581 = tpu.memref_slice %arg4[%add3A_558, %dma_wait3A_579, %dma_wait3A_580] : memref<16384x50x32xf32, #tpu.memory_space<hbm>> -> memref<1x50x32xf32, #tpu.memory_space<hbm>>
        %dma_wait3A_582 = tpu.memref_squeeze %dma_wait3A_581 : memref<1x50x32xf32, #tpu.memory_space<hbm>> -> memref<50x32xf32, #tpu.memory_space<hbm>>
        tpu.wait_dma2 semaphore(%run_scoped3A : memref<!tpu.dma_semaphore, #tpu.memory_space<semaphore_mem>>) src(%arg21 : memref<50x32xf32, #tpu.memory_space<vmem>>) dst(%dma_wait3A_582 : memref<50x32xf32, #tpu.memory_space<hbm>>)
        tpu.yield
      }) : () -> ()
      %add3A_559 = arith.constant 16 : i32
      %add3A_560 = arith.addi %add3A_551, %add3A_559 : i32
      %dma_start3A_561 = arith.constant 0 : i32
      %dma_start3A_562 = tpu.memref_slice %arg5[%add3A_560, %dma_start3A_561] : memref<512x50xi32, #tpu.memory_space<vmem>> -> memref<1x50xi32, #tpu.memory_space<vmem>>
      %dma_start3A_563 = tpu.memref_squeeze %dma_start3A_562 : memref<1x50xi32, #tpu.memory_space<vmem>> -> memref<50xi32, #tpu.memory_space<vmem>>
      %dma_start3A_564 = arith.constant 0 : i32
      %dma_start3A_565 = arith.constant 0 : i32
      %dma_start3A_566 = tpu.memref_slice %arg3[%dma_start3A_564, %dma_start3A_565] : memref<1000000x32xf32, #tpu.memory_space<hbm>> -> memref<1000000x32xf32, #tpu.memory_space<hbm>>
      tpu.enqueue_indirect_dma source(%dma_start3A_566 : memref<1000000x32xf32, #tpu.memory_space<hbm>>) target(%arg21 : memref<50x32xf32, #tpu.memory_space<vmem>>) offsets(%dma_start3A_563 : memref<50xi32, #tpu.memory_space<vmem>>) semaphore(%arg37 : memref<!tpu.dma_semaphore, #tpu.memory_space<semaphore_mem>>)
    }
    %scan3A_118 = arith.constant 31 : i32
    %dma_wait3A = arith.constant 496 : i32
    %dma_wait3A_119 = arith.constant 0 : i32
    %dma_wait3A_120 = tpu.memref_slice %arg5[%dma_wait3A, %dma_wait3A_119] : memref<512x50xi32, #tpu.memory_space<vmem>> -> memref<1x50xi32, #tpu.memory_space<vmem>>
    %dma_wait3A_121 = tpu.memref_squeeze %dma_wait3A_120 : memref<1x50xi32, #tpu.memory_space<vmem>> -> memref<50xi32, #tpu.memory_space<vmem>>
    %dma_wait3A_122 = arith.constant 0 : i32
    %dma_wait3A_123 = arith.constant 0 : i32
    %dma_wait3A_124 = tpu.memref_slice %arg3[%dma_wait3A_122, %dma_wait3A_123] : memref<1000000x32xf32, #tpu.memory_space<hbm>> -> memref<1000000x32xf32, #tpu.memory_space<hbm>>
    tpu.wait_indirect_dma semaphore(%arg22 : memref<!tpu.dma_semaphore, #tpu.memory_space<semaphore_mem>>) src(%dma_wait3A_124 : memref<1000000x32xf32, #tpu.memory_space<hbm>>) dst(%arg6 : memref<50x32xf32, #tpu.memory_space<vmem>>)
    %add3A_125 = arith.constant 496 : i32
    %add3A_126 = arith.addi %mul3A_2, %add3A_125 : i32
    "tpu.region"() ({
      %run_scoped3A = tpu.sem_alloc : memref<!tpu.dma_semaphore, #tpu.memory_space<semaphore_mem>>
      %dma_start3A_262 = arith.constant 0 : i32
      %dma_start3A_263 = arith.constant 0 : i32
      %dma_start3A_264 = tpu.memref_slice %arg4[%add3A_126, %dma_start3A_262, %dma_start3A_263] : memref<16384x50x32xf32, #tpu.memory_space<hbm>> -> memref<1x50x32xf32, #tpu.memory_space<hbm>>
      %dma_start3A_265 = tpu.memref_squeeze %dma_start3A_264 : memref<1x50x32xf32, #tpu.memory_space<hbm>> -> memref<50x32xf32, #tpu.memory_space<hbm>>
      %dma_start3A_266 = arith.constant 0 : i32
      %dma_start3A_267 = arith.constant 0 : i32
      %dma_start3A_268 = tpu.memref_slice %arg4[%add3A_126, %dma_start3A_266, %dma_start3A_267] : memref<16384x50x32xf32, #tpu.memory_space<hbm>> -> memref<1x50x32xf32, #tpu.memory_space<hbm>>
      %dma_start3A_269 = tpu.memref_squeeze %dma_start3A_268 : memref<1x50x32xf32, #tpu.memory_space<hbm>> -> memref<50x32xf32, #tpu.memory_space<hbm>>
      tpu.enqueue_dma source(%arg6 : memref<50x32xf32, #tpu.memory_space<vmem>>) target(%dma_start3A_269 : memref<50x32xf32, #tpu.memory_space<hbm>>) target_semaphore(%run_scoped3A : memref<!tpu.dma_semaphore, #tpu.memory_space<semaphore_mem>>)
      %dma_wait3A_270 = arith.constant 0 : i32
      %dma_wait3A_271 = arith.constant 0 : i32
      %dma_wait3A_272 = tpu.memref_slice %arg4[%add3A_126, %dma_wait3A_270, %dma_wait3A_271] : memref<16384x50x32xf32, #tpu.memory_space<hbm>> -> memref<1x50x32xf32, #tpu.memory_space<hbm>>
      %dma_wait3A_273 = tpu.memref_squeeze %dma_wait3A_272 : memref<1x50x32xf32, #tpu.memory_space<hbm>> -> memref<50x32xf32, #tpu.memory_space<hbm>>
      %dma_wait3A_274 = arith.constant 0 : i32
      %dma_wait3A_275 = arith.constant 0 : i32
      %dma_wait3A_276 = tpu.memref_slice %arg4[%add3A_126, %dma_wait3A_274, %dma_wait3A_275] : memref<16384x50x32xf32, #tpu.memory_space<hbm>> -> memref<1x50x32xf32, #tpu.memory_space<hbm>>
      %dma_wait3A_277 = tpu.memref_squeeze %dma_wait3A_276 : memref<1x50x32xf32, #tpu.memory_space<hbm>> -> memref<50x32xf32, #tpu.memory_space<hbm>>
      tpu.wait_dma2 semaphore(%run_scoped3A : memref<!tpu.dma_semaphore, #tpu.memory_space<semaphore_mem>>) src(%arg6 : memref<50x32xf32, #tpu.memory_space<vmem>>) dst(%dma_wait3A_277 : memref<50x32xf32, #tpu.memory_space<hbm>>)
      tpu.yield
    }) : () -> ()
    %dma_wait3A_127 = arith.constant 497 : i32
    %dma_wait3A_128 = arith.constant 0 : i32
    %dma_wait3A_129 = tpu.memref_slice %arg5[%dma_wait3A_127, %dma_wait3A_128] : memref<512x50xi32, #tpu.memory_space<vmem>> -> memref<1x50xi32, #tpu.memory_space<vmem>>
    %dma_wait3A_130 = tpu.memref_squeeze %dma_wait3A_129 : memref<1x50xi32, #tpu.memory_space<vmem>> -> memref<50xi32, #tpu.memory_space<vmem>>
    %dma_wait3A_131 = arith.constant 0 : i32
    %dma_wait3A_132 = arith.constant 0 : i32
    %dma_wait3A_133 = tpu.memref_slice %arg3[%dma_wait3A_131, %dma_wait3A_132] : memref<1000000x32xf32, #tpu.memory_space<hbm>> -> memref<1000000x32xf32, #tpu.memory_space<hbm>>
    tpu.wait_indirect_dma semaphore(%arg23 : memref<!tpu.dma_semaphore, #tpu.memory_space<semaphore_mem>>) src(%dma_wait3A_133 : memref<1000000x32xf32, #tpu.memory_space<hbm>>) dst(%arg7 : memref<50x32xf32, #tpu.memory_space<vmem>>)
    %add3A_134 = arith.constant 497 : i32
    %add3A_135 = arith.addi %mul3A_2, %add3A_134 : i32
    "tpu.region"() ({
      %run_scoped3A = tpu.sem_alloc : memref<!tpu.dma_semaphore, #tpu.memory_space<semaphore_mem>>
      %dma_start3A_262 = arith.constant 0 : i32
      %dma_start3A_263 = arith.constant 0 : i32
      %dma_start3A_264 = tpu.memref_slice %arg4[%add3A_135, %dma_start3A_262, %dma_start3A_263] : memref<16384x50x32xf32, #tpu.memory_space<hbm>> -> memref<1x50x32xf32, #tpu.memory_space<hbm>>
      %dma_start3A_265 = tpu.memref_squeeze %dma_start3A_264 : memref<1x50x32xf32, #tpu.memory_space<hbm>> -> memref<50x32xf32, #tpu.memory_space<hbm>>
      %dma_start3A_266 = arith.constant 0 : i32
      %dma_start3A_267 = arith.constant 0 : i32
      %dma_start3A_268 = tpu.memref_slice %arg4[%add3A_135, %dma_start3A_266, %dma_start3A_267] : memref<16384x50x32xf32, #tpu.memory_space<hbm>> -> memref<1x50x32xf32, #tpu.memory_space<hbm>>
      %dma_start3A_269 = tpu.memref_squeeze %dma_start3A_268 : memref<1x50x32xf32, #tpu.memory_space<hbm>> -> memref<50x32xf32, #tpu.memory_space<hbm>>
      tpu.enqueue_dma source(%arg7 : memref<50x32xf32, #tpu.memory_space<vmem>>) target(%dma_start3A_269 : memref<50x32xf32, #tpu.memory_space<hbm>>) target_semaphore(%run_scoped3A : memref<!tpu.dma_semaphore, #tpu.memory_space<semaphore_mem>>)
      %dma_wait3A_270 = arith.constant 0 : i32
      %dma_wait3A_271 = arith.constant 0 : i32
      %dma_wait3A_272 = tpu.memref_slice %arg4[%add3A_135, %dma_wait3A_270, %dma_wait3A_271] : memref<16384x50x32xf32, #tpu.memory_space<hbm>> -> memref<1x50x32xf32, #tpu.memory_space<hbm>>
      %dma_wait3A_273 = tpu.memref_squeeze %dma_wait3A_272 : memref<1x50x32xf32, #tpu.memory_space<hbm>> -> memref<50x32xf32, #tpu.memory_space<hbm>>
      %dma_wait3A_274 = arith.constant 0 : i32
      %dma_wait3A_275 = arith.constant 0 : i32
      %dma_wait3A_276 = tpu.memref_slice %arg4[%add3A_135, %dma_wait3A_274, %dma_wait3A_275] : memref<16384x50x32xf32, #tpu.memory_space<hbm>> -> memref<1x50x32xf32, #tpu.memory_space<hbm>>
      %dma_wait3A_277 = tpu.memref_squeeze %dma_wait3A_276 : memref<1x50x32xf32, #tpu.memory_space<hbm>> -> memref<50x32xf32, #tpu.memory_space<hbm>>
      tpu.wait_dma2 semaphore(%run_scoped3A : memref<!tpu.dma_semaphore, #tpu.memory_space<semaphore_mem>>) src(%arg7 : memref<50x32xf32, #tpu.memory_space<vmem>>) dst(%dma_wait3A_277 : memref<50x32xf32, #tpu.memory_space<hbm>>)
      tpu.yield
    }) : () -> ()
    %dma_wait3A_136 = arith.constant 498 : i32
    %dma_wait3A_137 = arith.constant 0 : i32
    %dma_wait3A_138 = tpu.memref_slice %arg5[%dma_wait3A_136, %dma_wait3A_137] : memref<512x50xi32, #tpu.memory_space<vmem>> -> memref<1x50xi32, #tpu.memory_space<vmem>>
    %dma_wait3A_139 = tpu.memref_squeeze %dma_wait3A_138 : memref<1x50xi32, #tpu.memory_space<vmem>> -> memref<50xi32, #tpu.memory_space<vmem>>
    %dma_wait3A_140 = arith.constant 0 : i32
    %dma_wait3A_141 = arith.constant 0 : i32
    %dma_wait3A_142 = tpu.memref_slice %arg3[%dma_wait3A_140, %dma_wait3A_141] : memref<1000000x32xf32, #tpu.memory_space<hbm>> -> memref<1000000x32xf32, #tpu.memory_space<hbm>>
    tpu.wait_indirect_dma semaphore(%arg24 : memref<!tpu.dma_semaphore, #tpu.memory_space<semaphore_mem>>) src(%dma_wait3A_142 : memref<1000000x32xf32, #tpu.memory_space<hbm>>) dst(%arg8 : memref<50x32xf32, #tpu.memory_space<vmem>>)
    %add3A_143 = arith.constant 498 : i32
    %add3A_144 = arith.addi %mul3A_2, %add3A_143 : i32
    "tpu.region"() ({
      %run_scoped3A = tpu.sem_alloc : memref<!tpu.dma_semaphore, #tpu.memory_space<semaphore_mem>>
      %dma_start3A_262 = arith.constant 0 : i32
      %dma_start3A_263 = arith.constant 0 : i32
      %dma_start3A_264 = tpu.memref_slice %arg4[%add3A_144, %dma_start3A_262, %dma_start3A_263] : memref<16384x50x32xf32, #tpu.memory_space<hbm>> -> memref<1x50x32xf32, #tpu.memory_space<hbm>>
      %dma_start3A_265 = tpu.memref_squeeze %dma_start3A_264 : memref<1x50x32xf32, #tpu.memory_space<hbm>> -> memref<50x32xf32, #tpu.memory_space<hbm>>
      %dma_start3A_266 = arith.constant 0 : i32
      %dma_start3A_267 = arith.constant 0 : i32
      %dma_start3A_268 = tpu.memref_slice %arg4[%add3A_144, %dma_start3A_266, %dma_start3A_267] : memref<16384x50x32xf32, #tpu.memory_space<hbm>> -> memref<1x50x32xf32, #tpu.memory_space<hbm>>
      %dma_start3A_269 = tpu.memref_squeeze %dma_start3A_268 : memref<1x50x32xf32, #tpu.memory_space<hbm>> -> memref<50x32xf32, #tpu.memory_space<hbm>>
      tpu.enqueue_dma source(%arg8 : memref<50x32xf32, #tpu.memory_space<vmem>>) target(%dma_start3A_269 : memref<50x32xf32, #tpu.memory_space<hbm>>) target_semaphore(%run_scoped3A : memref<!tpu.dma_semaphore, #tpu.memory_space<semaphore_mem>>)
      %dma_wait3A_270 = arith.constant 0 : i32
      %dma_wait3A_271 = arith.constant 0 : i32
      %dma_wait3A_272 = tpu.memref_slice %arg4[%add3A_144, %dma_wait3A_270, %dma_wait3A_271] : memref<16384x50x32xf32, #tpu.memory_space<hbm>> -> memref<1x50x32xf32, #tpu.memory_space<hbm>>
      %dma_wait3A_273 = tpu.memref_squeeze %dma_wait3A_272 : memref<1x50x32xf32, #tpu.memory_space<hbm>> -> memref<50x32xf32, #tpu.memory_space<hbm>>
      %dma_wait3A_274 = arith.constant 0 : i32
      %dma_wait3A_275 = arith.constant 0 : i32
      %dma_wait3A_276 = tpu.memref_slice %arg4[%add3A_144, %dma_wait3A_274, %dma_wait3A_275] : memref<16384x50x32xf32, #tpu.memory_space<hbm>> -> memref<1x50x32xf32, #tpu.memory_space<hbm>>
      %dma_wait3A_277 = tpu.memref_squeeze %dma_wait3A_276 : memref<1x50x32xf32, #tpu.memory_space<hbm>> -> memref<50x32xf32, #tpu.memory_space<hbm>>
      tpu.wait_dma2 semaphore(%run_scoped3A : memref<!tpu.dma_semaphore, #tpu.memory_space<semaphore_mem>>) src(%arg8 : memref<50x32xf32, #tpu.memory_space<vmem>>) dst(%dma_wait3A_277 : memref<50x32xf32, #tpu.memory_space<hbm>>)
      tpu.yield
    }) : () -> ()
    %dma_wait3A_145 = arith.constant 499 : i32
    %dma_wait3A_146 = arith.constant 0 : i32
    %dma_wait3A_147 = tpu.memref_slice %arg5[%dma_wait3A_145, %dma_wait3A_146] : memref<512x50xi32, #tpu.memory_space<vmem>> -> memref<1x50xi32, #tpu.memory_space<vmem>>
    %dma_wait3A_148 = tpu.memref_squeeze %dma_wait3A_147 : memref<1x50xi32, #tpu.memory_space<vmem>> -> memref<50xi32, #tpu.memory_space<vmem>>
    %dma_wait3A_149 = arith.constant 0 : i32
    %dma_wait3A_150 = arith.constant 0 : i32
    %dma_wait3A_151 = tpu.memref_slice %arg3[%dma_wait3A_149, %dma_wait3A_150] : memref<1000000x32xf32, #tpu.memory_space<hbm>> -> memref<1000000x32xf32, #tpu.memory_space<hbm>>
    tpu.wait_indirect_dma semaphore(%arg25 : memref<!tpu.dma_semaphore, #tpu.memory_space<semaphore_mem>>) src(%dma_wait3A_151 : memref<1000000x32xf32, #tpu.memory_space<hbm>>) dst(%arg9 : memref<50x32xf32, #tpu.memory_space<vmem>>)
    %add3A_152 = arith.constant 499 : i32
    %add3A_153 = arith.addi %mul3A_2, %add3A_152 : i32
    "tpu.region"() ({
      %run_scoped3A = tpu.sem_alloc : memref<!tpu.dma_semaphore, #tpu.memory_space<semaphore_mem>>
      %dma_start3A_262 = arith.constant 0 : i32
      %dma_start3A_263 = arith.constant 0 : i32
      %dma_start3A_264 = tpu.memref_slice %arg4[%add3A_153, %dma_start3A_262, %dma_start3A_263] : memref<16384x50x32xf32, #tpu.memory_space<hbm>> -> memref<1x50x32xf32, #tpu.memory_space<hbm>>
      %dma_start3A_265 = tpu.memref_squeeze %dma_start3A_264 : memref<1x50x32xf32, #tpu.memory_space<hbm>> -> memref<50x32xf32, #tpu.memory_space<hbm>>
      %dma_start3A_266 = arith.constant 0 : i32
      %dma_start3A_267 = arith.constant 0 : i32
      %dma_start3A_268 = tpu.memref_slice %arg4[%add3A_153, %dma_start3A_266, %dma_start3A_267] : memref<16384x50x32xf32, #tpu.memory_space<hbm>> -> memref<1x50x32xf32, #tpu.memory_space<hbm>>
      %dma_start3A_269 = tpu.memref_squeeze %dma_start3A_268 : memref<1x50x32xf32, #tpu.memory_space<hbm>> -> memref<50x32xf32, #tpu.memory_space<hbm>>
      tpu.enqueue_dma source(%arg9 : memref<50x32xf32, #tpu.memory_space<vmem>>) target(%dma_start3A_269 : memref<50x32xf32, #tpu.memory_space<hbm>>) target_semaphore(%run_scoped3A : memref<!tpu.dma_semaphore, #tpu.memory_space<semaphore_mem>>)
      %dma_wait3A_270 = arith.constant 0 : i32
      %dma_wait3A_271 = arith.constant 0 : i32
      %dma_wait3A_272 = tpu.memref_slice %arg4[%add3A_153, %dma_wait3A_270, %dma_wait3A_271] : memref<16384x50x32xf32, #tpu.memory_space<hbm>> -> memref<1x50x32xf32, #tpu.memory_space<hbm>>
      %dma_wait3A_273 = tpu.memref_squeeze %dma_wait3A_272 : memref<1x50x32xf32, #tpu.memory_space<hbm>> -> memref<50x32xf32, #tpu.memory_space<hbm>>
      %dma_wait3A_274 = arith.constant 0 : i32
      %dma_wait3A_275 = arith.constant 0 : i32
      %dma_wait3A_276 = tpu.memref_slice %arg4[%add3A_153, %dma_wait3A_274, %dma_wait3A_275] : memref<16384x50x32xf32, #tpu.memory_space<hbm>> -> memref<1x50x32xf32, #tpu.memory_space<hbm>>
      %dma_wait3A_277 = tpu.memref_squeeze %dma_wait3A_276 : memref<1x50x32xf32, #tpu.memory_space<hbm>> -> memref<50x32xf32, #tpu.memory_space<hbm>>
      tpu.wait_dma2 semaphore(%run_scoped3A : memref<!tpu.dma_semaphore, #tpu.memory_space<semaphore_mem>>) src(%arg9 : memref<50x32xf32, #tpu.memory_space<vmem>>) dst(%dma_wait3A_277 : memref<50x32xf32, #tpu.memory_space<hbm>>)
      tpu.yield
    }) : () -> ()
    %dma_wait3A_154 = arith.constant 500 : i32
    %dma_wait3A_155 = arith.constant 0 : i32
    %dma_wait3A_156 = tpu.memref_slice %arg5[%dma_wait3A_154, %dma_wait3A_155] : memref<512x50xi32, #tpu.memory_space<vmem>> -> memref<1x50xi32, #tpu.memory_space<vmem>>
    %dma_wait3A_157 = tpu.memref_squeeze %dma_wait3A_156 : memref<1x50xi32, #tpu.memory_space<vmem>> -> memref<50xi32, #tpu.memory_space<vmem>>
    %dma_wait3A_158 = arith.constant 0 : i32
    %dma_wait3A_159 = arith.constant 0 : i32
    %dma_wait3A_160 = tpu.memref_slice %arg3[%dma_wait3A_158, %dma_wait3A_159] : memref<1000000x32xf32, #tpu.memory_space<hbm>> -> memref<1000000x32xf32, #tpu.memory_space<hbm>>
    tpu.wait_indirect_dma semaphore(%arg26 : memref<!tpu.dma_semaphore, #tpu.memory_space<semaphore_mem>>) src(%dma_wait3A_160 : memref<1000000x32xf32, #tpu.memory_space<hbm>>) dst(%arg10 : memref<50x32xf32, #tpu.memory_space<vmem>>)
    %add3A_161 = arith.constant 500 : i32
    %add3A_162 = arith.addi %mul3A_2, %add3A_161 : i32
    "tpu.region"() ({
      %run_scoped3A = tpu.sem_alloc : memref<!tpu.dma_semaphore, #tpu.memory_space<semaphore_mem>>
      %dma_start3A_262 = arith.constant 0 : i32
      %dma_start3A_263 = arith.constant 0 : i32
      %dma_start3A_264 = tpu.memref_slice %arg4[%add3A_162, %dma_start3A_262, %dma_start3A_263] : memref<16384x50x32xf32, #tpu.memory_space<hbm>> -> memref<1x50x32xf32, #tpu.memory_space<hbm>>
      %dma_start3A_265 = tpu.memref_squeeze %dma_start3A_264 : memref<1x50x32xf32, #tpu.memory_space<hbm>> -> memref<50x32xf32, #tpu.memory_space<hbm>>
      %dma_start3A_266 = arith.constant 0 : i32
      %dma_start3A_267 = arith.constant 0 : i32
      %dma_start3A_268 = tpu.memref_slice %arg4[%add3A_162, %dma_start3A_266, %dma_start3A_267] : memref<16384x50x32xf32, #tpu.memory_space<hbm>> -> memref<1x50x32xf32, #tpu.memory_space<hbm>>
      %dma_start3A_269 = tpu.memref_squeeze %dma_start3A_268 : memref<1x50x32xf32, #tpu.memory_space<hbm>> -> memref<50x32xf32, #tpu.memory_space<hbm>>
      tpu.enqueue_dma source(%arg10 : memref<50x32xf32, #tpu.memory_space<vmem>>) target(%dma_start3A_269 : memref<50x32xf32, #tpu.memory_space<hbm>>) target_semaphore(%run_scoped3A : memref<!tpu.dma_semaphore, #tpu.memory_space<semaphore_mem>>)
      %dma_wait3A_270 = arith.constant 0 : i32
      %dma_wait3A_271 = arith.constant 0 : i32
      %dma_wait3A_272 = tpu.memref_slice %arg4[%add3A_162, %dma_wait3A_270, %dma_wait3A_271] : memref<16384x50x32xf32, #tpu.memory_space<hbm>> -> memref<1x50x32xf32, #tpu.memory_space<hbm>>
      %dma_wait3A_273 = tpu.memref_squeeze %dma_wait3A_272 : memref<1x50x32xf32, #tpu.memory_space<hbm>> -> memref<50x32xf32, #tpu.memory_space<hbm>>
      %dma_wait3A_274 = arith.constant 0 : i32
      %dma_wait3A_275 = arith.constant 0 : i32
      %dma_wait3A_276 = tpu.memref_slice %arg4[%add3A_162, %dma_wait3A_274, %dma_wait3A_275] : memref<16384x50x32xf32, #tpu.memory_space<hbm>> -> memref<1x50x32xf32, #tpu.memory_space<hbm>>
      %dma_wait3A_277 = tpu.memref_squeeze %dma_wait3A_276 : memref<1x50x32xf32, #tpu.memory_space<hbm>> -> memref<50x32xf32, #tpu.memory_space<hbm>>
      tpu.wait_dma2 semaphore(%run_scoped3A : memref<!tpu.dma_semaphore, #tpu.memory_space<semaphore_mem>>) src(%arg10 : memref<50x32xf32, #tpu.memory_space<vmem>>) dst(%dma_wait3A_277 : memref<50x32xf32, #tpu.memory_space<hbm>>)
      tpu.yield
    }) : () -> ()
    %dma_wait3A_163 = arith.constant 501 : i32
    %dma_wait3A_164 = arith.constant 0 : i32
    %dma_wait3A_165 = tpu.memref_slice %arg5[%dma_wait3A_163, %dma_wait3A_164] : memref<512x50xi32, #tpu.memory_space<vmem>> -> memref<1x50xi32, #tpu.memory_space<vmem>>
    %dma_wait3A_166 = tpu.memref_squeeze %dma_wait3A_165 : memref<1x50xi32, #tpu.memory_space<vmem>> -> memref<50xi32, #tpu.memory_space<vmem>>
    %dma_wait3A_167 = arith.constant 0 : i32
    %dma_wait3A_168 = arith.constant 0 : i32
    %dma_wait3A_169 = tpu.memref_slice %arg3[%dma_wait3A_167, %dma_wait3A_168] : memref<1000000x32xf32, #tpu.memory_space<hbm>> -> memref<1000000x32xf32, #tpu.memory_space<hbm>>
    tpu.wait_indirect_dma semaphore(%arg27 : memref<!tpu.dma_semaphore, #tpu.memory_space<semaphore_mem>>) src(%dma_wait3A_169 : memref<1000000x32xf32, #tpu.memory_space<hbm>>) dst(%arg11 : memref<50x32xf32, #tpu.memory_space<vmem>>)
    %add3A_170 = arith.constant 501 : i32
    %add3A_171 = arith.addi %mul3A_2, %add3A_170 : i32
    "tpu.region"() ({
      %run_scoped3A = tpu.sem_alloc : memref<!tpu.dma_semaphore, #tpu.memory_space<semaphore_mem>>
      %dma_start3A_262 = arith.constant 0 : i32
      %dma_start3A_263 = arith.constant 0 : i32
      %dma_start3A_264 = tpu.memref_slice %arg4[%add3A_171, %dma_start3A_262, %dma_start3A_263] : memref<16384x50x32xf32, #tpu.memory_space<hbm>> -> memref<1x50x32xf32, #tpu.memory_space<hbm>>
      %dma_start3A_265 = tpu.memref_squeeze %dma_start3A_264 : memref<1x50x32xf32, #tpu.memory_space<hbm>> -> memref<50x32xf32, #tpu.memory_space<hbm>>
      %dma_start3A_266 = arith.constant 0 : i32
      %dma_start3A_267 = arith.constant 0 : i32
      %dma_start3A_268 = tpu.memref_slice %arg4[%add3A_171, %dma_start3A_266, %dma_start3A_267] : memref<16384x50x32xf32, #tpu.memory_space<hbm>> -> memref<1x50x32xf32, #tpu.memory_space<hbm>>
      %dma_start3A_269 = tpu.memref_squeeze %dma_start3A_268 : memref<1x50x32xf32, #tpu.memory_space<hbm>> -> memref<50x32xf32, #tpu.memory_space<hbm>>
      tpu.enqueue_dma source(%arg11 : memref<50x32xf32, #tpu.memory_space<vmem>>) target(%dma_start3A_269 : memref<50x32xf32, #tpu.memory_space<hbm>>) target_semaphore(%run_scoped3A : memref<!tpu.dma_semaphore, #tpu.memory_space<semaphore_mem>>)
      %dma_wait3A_270 = arith.constant 0 : i32
      %dma_wait3A_271 = arith.constant 0 : i32
      %dma_wait3A_272 = tpu.memref_slice %arg4[%add3A_171, %dma_wait3A_270, %dma_wait3A_271] : memref<16384x50x32xf32, #tpu.memory_space<hbm>> -> memref<1x50x32xf32, #tpu.memory_space<hbm>>
      %dma_wait3A_273 = tpu.memref_squeeze %dma_wait3A_272 : memref<1x50x32xf32, #tpu.memory_space<hbm>> -> memref<50x32xf32, #tpu.memory_space<hbm>>
      %dma_wait3A_274 = arith.constant 0 : i32
      %dma_wait3A_275 = arith.constant 0 : i32
      %dma_wait3A_276 = tpu.memref_slice %arg4[%add3A_171, %dma_wait3A_274, %dma_wait3A_275] : memref<16384x50x32xf32, #tpu.memory_space<hbm>> -> memref<1x50x32xf32, #tpu.memory_space<hbm>>
      %dma_wait3A_277 = tpu.memref_squeeze %dma_wait3A_276 : memref<1x50x32xf32, #tpu.memory_space<hbm>> -> memref<50x32xf32, #tpu.memory_space<hbm>>
      tpu.wait_dma2 semaphore(%run_scoped3A : memref<!tpu.dma_semaphore, #tpu.memory_space<semaphore_mem>>) src(%arg11 : memref<50x32xf32, #tpu.memory_space<vmem>>) dst(%dma_wait3A_277 : memref<50x32xf32, #tpu.memory_space<hbm>>)
      tpu.yield
    }) : () -> ()
    %dma_wait3A_172 = arith.constant 502 : i32
    %dma_wait3A_173 = arith.constant 0 : i32
    %dma_wait3A_174 = tpu.memref_slice %arg5[%dma_wait3A_172, %dma_wait3A_173] : memref<512x50xi32, #tpu.memory_space<vmem>> -> memref<1x50xi32, #tpu.memory_space<vmem>>
    %dma_wait3A_175 = tpu.memref_squeeze %dma_wait3A_174 : memref<1x50xi32, #tpu.memory_space<vmem>> -> memref<50xi32, #tpu.memory_space<vmem>>
    %dma_wait3A_176 = arith.constant 0 : i32
    %dma_wait3A_177 = arith.constant 0 : i32
    %dma_wait3A_178 = tpu.memref_slice %arg3[%dma_wait3A_176, %dma_wait3A_177] : memref<1000000x32xf32, #tpu.memory_space<hbm>> -> memref<1000000x32xf32, #tpu.memory_space<hbm>>
    tpu.wait_indirect_dma semaphore(%arg28 : memref<!tpu.dma_semaphore, #tpu.memory_space<semaphore_mem>>) src(%dma_wait3A_178 : memref<1000000x32xf32, #tpu.memory_space<hbm>>) dst(%arg12 : memref<50x32xf32, #tpu.memory_space<vmem>>)
    %add3A_179 = arith.constant 502 : i32
    %add3A_180 = arith.addi %mul3A_2, %add3A_179 : i32
    "tpu.region"() ({
      %run_scoped3A = tpu.sem_alloc : memref<!tpu.dma_semaphore, #tpu.memory_space<semaphore_mem>>
      %dma_start3A_262 = arith.constant 0 : i32
      %dma_start3A_263 = arith.constant 0 : i32
      %dma_start3A_264 = tpu.memref_slice %arg4[%add3A_180, %dma_start3A_262, %dma_start3A_263] : memref<16384x50x32xf32, #tpu.memory_space<hbm>> -> memref<1x50x32xf32, #tpu.memory_space<hbm>>
      %dma_start3A_265 = tpu.memref_squeeze %dma_start3A_264 : memref<1x50x32xf32, #tpu.memory_space<hbm>> -> memref<50x32xf32, #tpu.memory_space<hbm>>
      %dma_start3A_266 = arith.constant 0 : i32
      %dma_start3A_267 = arith.constant 0 : i32
      %dma_start3A_268 = tpu.memref_slice %arg4[%add3A_180, %dma_start3A_266, %dma_start3A_267] : memref<16384x50x32xf32, #tpu.memory_space<hbm>> -> memref<1x50x32xf32, #tpu.memory_space<hbm>>
      %dma_start3A_269 = tpu.memref_squeeze %dma_start3A_268 : memref<1x50x32xf32, #tpu.memory_space<hbm>> -> memref<50x32xf32, #tpu.memory_space<hbm>>
      tpu.enqueue_dma source(%arg12 : memref<50x32xf32, #tpu.memory_space<vmem>>) target(%dma_start3A_269 : memref<50x32xf32, #tpu.memory_space<hbm>>) target_semaphore(%run_scoped3A : memref<!tpu.dma_semaphore, #tpu.memory_space<semaphore_mem>>)
      %dma_wait3A_270 = arith.constant 0 : i32
      %dma_wait3A_271 = arith.constant 0 : i32
      %dma_wait3A_272 = tpu.memref_slice %arg4[%add3A_180, %dma_wait3A_270, %dma_wait3A_271] : memref<16384x50x32xf32, #tpu.memory_space<hbm>> -> memref<1x50x32xf32, #tpu.memory_space<hbm>>
      %dma_wait3A_273 = tpu.memref_squeeze %dma_wait3A_272 : memref<1x50x32xf32, #tpu.memory_space<hbm>> -> memref<50x32xf32, #tpu.memory_space<hbm>>
      %dma_wait3A_274 = arith.constant 0 : i32
      %dma_wait3A_275 = arith.constant 0 : i32
      %dma_wait3A_276 = tpu.memref_slice %arg4[%add3A_180, %dma_wait3A_274, %dma_wait3A_275] : memref<16384x50x32xf32, #tpu.memory_space<hbm>> -> memref<1x50x32xf32, #tpu.memory_space<hbm>>
      %dma_wait3A_277 = tpu.memref_squeeze %dma_wait3A_276 : memref<1x50x32xf32, #tpu.memory_space<hbm>> -> memref<50x32xf32, #tpu.memory_space<hbm>>
      tpu.wait_dma2 semaphore(%run_scoped3A : memref<!tpu.dma_semaphore, #tpu.memory_space<semaphore_mem>>) src(%arg12 : memref<50x32xf32, #tpu.memory_space<vmem>>) dst(%dma_wait3A_277 : memref<50x32xf32, #tpu.memory_space<hbm>>)
      tpu.yield
    }) : () -> ()
    %dma_wait3A_181 = arith.constant 503 : i32
    %dma_wait3A_182 = arith.constant 0 : i32
    %dma_wait3A_183 = tpu.memref_slice %arg5[%dma_wait3A_181, %dma_wait3A_182] : memref<512x50xi32, #tpu.memory_space<vmem>> -> memref<1x50xi32, #tpu.memory_space<vmem>>
    %dma_wait3A_184 = tpu.memref_squeeze %dma_wait3A_183 : memref<1x50xi32, #tpu.memory_space<vmem>> -> memref<50xi32, #tpu.memory_space<vmem>>
    %dma_wait3A_185 = arith.constant 0 : i32
    %dma_wait3A_186 = arith.constant 0 : i32
    %dma_wait3A_187 = tpu.memref_slice %arg3[%dma_wait3A_185, %dma_wait3A_186] : memref<1000000x32xf32, #tpu.memory_space<hbm>> -> memref<1000000x32xf32, #tpu.memory_space<hbm>>
    tpu.wait_indirect_dma semaphore(%arg29 : memref<!tpu.dma_semaphore, #tpu.memory_space<semaphore_mem>>) src(%dma_wait3A_187 : memref<1000000x32xf32, #tpu.memory_space<hbm>>) dst(%arg13 : memref<50x32xf32, #tpu.memory_space<vmem>>)
    %add3A_188 = arith.constant 503 : i32
    %add3A_189 = arith.addi %mul3A_2, %add3A_188 : i32
    "tpu.region"() ({
      %run_scoped3A = tpu.sem_alloc : memref<!tpu.dma_semaphore, #tpu.memory_space<semaphore_mem>>
      %dma_start3A_262 = arith.constant 0 : i32
      %dma_start3A_263 = arith.constant 0 : i32
      %dma_start3A_264 = tpu.memref_slice %arg4[%add3A_189, %dma_start3A_262, %dma_start3A_263] : memref<16384x50x32xf32, #tpu.memory_space<hbm>> -> memref<1x50x32xf32, #tpu.memory_space<hbm>>
      %dma_start3A_265 = tpu.memref_squeeze %dma_start3A_264 : memref<1x50x32xf32, #tpu.memory_space<hbm>> -> memref<50x32xf32, #tpu.memory_space<hbm>>
      %dma_start3A_266 = arith.constant 0 : i32
      %dma_start3A_267 = arith.constant 0 : i32
      %dma_start3A_268 = tpu.memref_slice %arg4[%add3A_189, %dma_start3A_266, %dma_start3A_267] : memref<16384x50x32xf32, #tpu.memory_space<hbm>> -> memref<1x50x32xf32, #tpu.memory_space<hbm>>
      %dma_start3A_269 = tpu.memref_squeeze %dma_start3A_268 : memref<1x50x32xf32, #tpu.memory_space<hbm>> -> memref<50x32xf32, #tpu.memory_space<hbm>>
      tpu.enqueue_dma source(%arg13 : memref<50x32xf32, #tpu.memory_space<vmem>>) target(%dma_start3A_269 : memref<50x32xf32, #tpu.memory_space<hbm>>) target_semaphore(%run_scoped3A : memref<!tpu.dma_semaphore, #tpu.memory_space<semaphore_mem>>)
      %dma_wait3A_270 = arith.constant 0 : i32
      %dma_wait3A_271 = arith.constant 0 : i32
      %dma_wait3A_272 = tpu.memref_slice %arg4[%add3A_189, %dma_wait3A_270, %dma_wait3A_271] : memref<16384x50x32xf32, #tpu.memory_space<hbm>> -> memref<1x50x32xf32, #tpu.memory_space<hbm>>
      %dma_wait3A_273 = tpu.memref_squeeze %dma_wait3A_272 : memref<1x50x32xf32, #tpu.memory_space<hbm>> -> memref<50x32xf32, #tpu.memory_space<hbm>>
      %dma_wait3A_274 = arith.constant 0 : i32
      %dma_wait3A_275 = arith.constant 0 : i32
      %dma_wait3A_276 = tpu.memref_slice %arg4[%add3A_189, %dma_wait3A_274, %dma_wait3A_275] : memref<16384x50x32xf32, #tpu.memory_space<hbm>> -> memref<1x50x32xf32, #tpu.memory_space<hbm>>
      %dma_wait3A_277 = tpu.memref_squeeze %dma_wait3A_276 : memref<1x50x32xf32, #tpu.memory_space<hbm>> -> memref<50x32xf32, #tpu.memory_space<hbm>>
      tpu.wait_dma2 semaphore(%run_scoped3A : memref<!tpu.dma_semaphore, #tpu.memory_space<semaphore_mem>>) src(%arg13 : memref<50x32xf32, #tpu.memory_space<vmem>>) dst(%dma_wait3A_277 : memref<50x32xf32, #tpu.memory_space<hbm>>)
      tpu.yield
    }) : () -> ()
    %dma_wait3A_190 = arith.constant 504 : i32
    %dma_wait3A_191 = arith.constant 0 : i32
    %dma_wait3A_192 = tpu.memref_slice %arg5[%dma_wait3A_190, %dma_wait3A_191] : memref<512x50xi32, #tpu.memory_space<vmem>> -> memref<1x50xi32, #tpu.memory_space<vmem>>
    %dma_wait3A_193 = tpu.memref_squeeze %dma_wait3A_192 : memref<1x50xi32, #tpu.memory_space<vmem>> -> memref<50xi32, #tpu.memory_space<vmem>>
    %dma_wait3A_194 = arith.constant 0 : i32
    %dma_wait3A_195 = arith.constant 0 : i32
    %dma_wait3A_196 = tpu.memref_slice %arg3[%dma_wait3A_194, %dma_wait3A_195] : memref<1000000x32xf32, #tpu.memory_space<hbm>> -> memref<1000000x32xf32, #tpu.memory_space<hbm>>
    tpu.wait_indirect_dma semaphore(%arg30 : memref<!tpu.dma_semaphore, #tpu.memory_space<semaphore_mem>>) src(%dma_wait3A_196 : memref<1000000x32xf32, #tpu.memory_space<hbm>>) dst(%arg14 : memref<50x32xf32, #tpu.memory_space<vmem>>)
    %add3A_197 = arith.constant 504 : i32
    %add3A_198 = arith.addi %mul3A_2, %add3A_197 : i32
    "tpu.region"() ({
      %run_scoped3A = tpu.sem_alloc : memref<!tpu.dma_semaphore, #tpu.memory_space<semaphore_mem>>
      %dma_start3A_262 = arith.constant 0 : i32
      %dma_start3A_263 = arith.constant 0 : i32
      %dma_start3A_264 = tpu.memref_slice %arg4[%add3A_198, %dma_start3A_262, %dma_start3A_263] : memref<16384x50x32xf32, #tpu.memory_space<hbm>> -> memref<1x50x32xf32, #tpu.memory_space<hbm>>
      %dma_start3A_265 = tpu.memref_squeeze %dma_start3A_264 : memref<1x50x32xf32, #tpu.memory_space<hbm>> -> memref<50x32xf32, #tpu.memory_space<hbm>>
      %dma_start3A_266 = arith.constant 0 : i32
      %dma_start3A_267 = arith.constant 0 : i32
      %dma_start3A_268 = tpu.memref_slice %arg4[%add3A_198, %dma_start3A_266, %dma_start3A_267] : memref<16384x50x32xf32, #tpu.memory_space<hbm>> -> memref<1x50x32xf32, #tpu.memory_space<hbm>>
      %dma_start3A_269 = tpu.memref_squeeze %dma_start3A_268 : memref<1x50x32xf32, #tpu.memory_space<hbm>> -> memref<50x32xf32, #tpu.memory_space<hbm>>
      tpu.enqueue_dma source(%arg14 : memref<50x32xf32, #tpu.memory_space<vmem>>) target(%dma_start3A_269 : memref<50x32xf32, #tpu.memory_space<hbm>>) target_semaphore(%run_scoped3A : memref<!tpu.dma_semaphore, #tpu.memory_space<semaphore_mem>>)
      %dma_wait3A_270 = arith.constant 0 : i32
      %dma_wait3A_271 = arith.constant 0 : i32
      %dma_wait3A_272 = tpu.memref_slice %arg4[%add3A_198, %dma_wait3A_270, %dma_wait3A_271] : memref<16384x50x32xf32, #tpu.memory_space<hbm>> -> memref<1x50x32xf32, #tpu.memory_space<hbm>>
      %dma_wait3A_273 = tpu.memref_squeeze %dma_wait3A_272 : memref<1x50x32xf32, #tpu.memory_space<hbm>> -> memref<50x32xf32, #tpu.memory_space<hbm>>
      %dma_wait3A_274 = arith.constant 0 : i32
      %dma_wait3A_275 = arith.constant 0 : i32
      %dma_wait3A_276 = tpu.memref_slice %arg4[%add3A_198, %dma_wait3A_274, %dma_wait3A_275] : memref<16384x50x32xf32, #tpu.memory_space<hbm>> -> memref<1x50x32xf32, #tpu.memory_space<hbm>>
      %dma_wait3A_277 = tpu.memref_squeeze %dma_wait3A_276 : memref<1x50x32xf32, #tpu.memory_space<hbm>> -> memref<50x32xf32, #tpu.memory_space<hbm>>
      tpu.wait_dma2 semaphore(%run_scoped3A : memref<!tpu.dma_semaphore, #tpu.memory_space<semaphore_mem>>) src(%arg14 : memref<50x32xf32, #tpu.memory_space<vmem>>) dst(%dma_wait3A_277 : memref<50x32xf32, #tpu.memory_space<hbm>>)
      tpu.yield
    }) : () -> ()
    %dma_wait3A_199 = arith.constant 505 : i32
    %dma_wait3A_200 = arith.constant 0 : i32
    %dma_wait3A_201 = tpu.memref_slice %arg5[%dma_wait3A_199, %dma_wait3A_200] : memref<512x50xi32, #tpu.memory_space<vmem>> -> memref<1x50xi32, #tpu.memory_space<vmem>>
    %dma_wait3A_202 = tpu.memref_squeeze %dma_wait3A_201 : memref<1x50xi32, #tpu.memory_space<vmem>> -> memref<50xi32, #tpu.memory_space<vmem>>
    %dma_wait3A_203 = arith.constant 0 : i32
    %dma_wait3A_204 = arith.constant 0 : i32
    %dma_wait3A_205 = tpu.memref_slice %arg3[%dma_wait3A_203, %dma_wait3A_204] : memref<1000000x32xf32, #tpu.memory_space<hbm>> -> memref<1000000x32xf32, #tpu.memory_space<hbm>>
    tpu.wait_indirect_dma semaphore(%arg31 : memref<!tpu.dma_semaphore, #tpu.memory_space<semaphore_mem>>) src(%dma_wait3A_205 : memref<1000000x32xf32, #tpu.memory_space<hbm>>) dst(%arg15 : memref<50x32xf32, #tpu.memory_space<vmem>>)
    %add3A_206 = arith.constant 505 : i32
    %add3A_207 = arith.addi %mul3A_2, %add3A_206 : i32
    "tpu.region"() ({
      %run_scoped3A = tpu.sem_alloc : memref<!tpu.dma_semaphore, #tpu.memory_space<semaphore_mem>>
      %dma_start3A_262 = arith.constant 0 : i32
      %dma_start3A_263 = arith.constant 0 : i32
      %dma_start3A_264 = tpu.memref_slice %arg4[%add3A_207, %dma_start3A_262, %dma_start3A_263] : memref<16384x50x32xf32, #tpu.memory_space<hbm>> -> memref<1x50x32xf32, #tpu.memory_space<hbm>>
      %dma_start3A_265 = tpu.memref_squeeze %dma_start3A_264 : memref<1x50x32xf32, #tpu.memory_space<hbm>> -> memref<50x32xf32, #tpu.memory_space<hbm>>
      %dma_start3A_266 = arith.constant 0 : i32
      %dma_start3A_267 = arith.constant 0 : i32
      %dma_start3A_268 = tpu.memref_slice %arg4[%add3A_207, %dma_start3A_266, %dma_start3A_267] : memref<16384x50x32xf32, #tpu.memory_space<hbm>> -> memref<1x50x32xf32, #tpu.memory_space<hbm>>
      %dma_start3A_269 = tpu.memref_squeeze %dma_start3A_268 : memref<1x50x32xf32, #tpu.memory_space<hbm>> -> memref<50x32xf32, #tpu.memory_space<hbm>>
      tpu.enqueue_dma source(%arg15 : memref<50x32xf32, #tpu.memory_space<vmem>>) target(%dma_start3A_269 : memref<50x32xf32, #tpu.memory_space<hbm>>) target_semaphore(%run_scoped3A : memref<!tpu.dma_semaphore, #tpu.memory_space<semaphore_mem>>)
      %dma_wait3A_270 = arith.constant 0 : i32
      %dma_wait3A_271 = arith.constant 0 : i32
      %dma_wait3A_272 = tpu.memref_slice %arg4[%add3A_207, %dma_wait3A_270, %dma_wait3A_271] : memref<16384x50x32xf32, #tpu.memory_space<hbm>> -> memref<1x50x32xf32, #tpu.memory_space<hbm>>
      %dma_wait3A_273 = tpu.memref_squeeze %dma_wait3A_272 : memref<1x50x32xf32, #tpu.memory_space<hbm>> -> memref<50x32xf32, #tpu.memory_space<hbm>>
      %dma_wait3A_274 = arith.constant 0 : i32
      %dma_wait3A_275 = arith.constant 0 : i32
      %dma_wait3A_276 = tpu.memref_slice %arg4[%add3A_207, %dma_wait3A_274, %dma_wait3A_275] : memref<16384x50x32xf32, #tpu.memory_space<hbm>> -> memref<1x50x32xf32, #tpu.memory_space<hbm>>
      %dma_wait3A_277 = tpu.memref_squeeze %dma_wait3A_276 : memref<1x50x32xf32, #tpu.memory_space<hbm>> -> memref<50x32xf32, #tpu.memory_space<hbm>>
      tpu.wait_dma2 semaphore(%run_scoped3A : memref<!tpu.dma_semaphore, #tpu.memory_space<semaphore_mem>>) src(%arg15 : memref<50x32xf32, #tpu.memory_space<vmem>>) dst(%dma_wait3A_277 : memref<50x32xf32, #tpu.memory_space<hbm>>)
      tpu.yield
    }) : () -> ()
    %dma_wait3A_208 = arith.constant 506 : i32
    %dma_wait3A_209 = arith.constant 0 : i32
    %dma_wait3A_210 = tpu.memref_slice %arg5[%dma_wait3A_208, %dma_wait3A_209] : memref<512x50xi32, #tpu.memory_space<vmem>> -> memref<1x50xi32, #tpu.memory_space<vmem>>
    %dma_wait3A_211 = tpu.memref_squeeze %dma_wait3A_210 : memref<1x50xi32, #tpu.memory_space<vmem>> -> memref<50xi32, #tpu.memory_space<vmem>>
    %dma_wait3A_212 = arith.constant 0 : i32
    %dma_wait3A_213 = arith.constant 0 : i32
    %dma_wait3A_214 = tpu.memref_slice %arg3[%dma_wait3A_212, %dma_wait3A_213] : memref<1000000x32xf32, #tpu.memory_space<hbm>> -> memref<1000000x32xf32, #tpu.memory_space<hbm>>
    tpu.wait_indirect_dma semaphore(%arg32 : memref<!tpu.dma_semaphore, #tpu.memory_space<semaphore_mem>>) src(%dma_wait3A_214 : memref<1000000x32xf32, #tpu.memory_space<hbm>>) dst(%arg16 : memref<50x32xf32, #tpu.memory_space<vmem>>)
    %add3A_215 = arith.constant 506 : i32
    %add3A_216 = arith.addi %mul3A_2, %add3A_215 : i32
    "tpu.region"() ({
      %run_scoped3A = tpu.sem_alloc : memref<!tpu.dma_semaphore, #tpu.memory_space<semaphore_mem>>
      %dma_start3A_262 = arith.constant 0 : i32
      %dma_start3A_263 = arith.constant 0 : i32
      %dma_start3A_264 = tpu.memref_slice %arg4[%add3A_216, %dma_start3A_262, %dma_start3A_263] : memref<16384x50x32xf32, #tpu.memory_space<hbm>> -> memref<1x50x32xf32, #tpu.memory_space<hbm>>
      %dma_start3A_265 = tpu.memref_squeeze %dma_start3A_264 : memref<1x50x32xf32, #tpu.memory_space<hbm>> -> memref<50x32xf32, #tpu.memory_space<hbm>>
      %dma_start3A_266 = arith.constant 0 : i32
      %dma_start3A_267 = arith.constant 0 : i32
      %dma_start3A_268 = tpu.memref_slice %arg4[%add3A_216, %dma_start3A_266, %dma_start3A_267] : memref<16384x50x32xf32, #tpu.memory_space<hbm>> -> memref<1x50x32xf32, #tpu.memory_space<hbm>>
      %dma_start3A_269 = tpu.memref_squeeze %dma_start3A_268 : memref<1x50x32xf32, #tpu.memory_space<hbm>> -> memref<50x32xf32, #tpu.memory_space<hbm>>
      tpu.enqueue_dma source(%arg16 : memref<50x32xf32, #tpu.memory_space<vmem>>) target(%dma_start3A_269 : memref<50x32xf32, #tpu.memory_space<hbm>>) target_semaphore(%run_scoped3A : memref<!tpu.dma_semaphore, #tpu.memory_space<semaphore_mem>>)
      %dma_wait3A_270 = arith.constant 0 : i32
      %dma_wait3A_271 = arith.constant 0 : i32
      %dma_wait3A_272 = tpu.memref_slice %arg4[%add3A_216, %dma_wait3A_270, %dma_wait3A_271] : memref<16384x50x32xf32, #tpu.memory_space<hbm>> -> memref<1x50x32xf32, #tpu.memory_space<hbm>>
      %dma_wait3A_273 = tpu.memref_squeeze %dma_wait3A_272 : memref<1x50x32xf32, #tpu.memory_space<hbm>> -> memref<50x32xf32, #tpu.memory_space<hbm>>
      %dma_wait3A_274 = arith.constant 0 : i32
      %dma_wait3A_275 = arith.constant 0 : i32
      %dma_wait3A_276 = tpu.memref_slice %arg4[%add3A_216, %dma_wait3A_274, %dma_wait3A_275] : memref<16384x50x32xf32, #tpu.memory_space<hbm>> -> memref<1x50x32xf32, #tpu.memory_space<hbm>>
      %dma_wait3A_277 = tpu.memref_squeeze %dma_wait3A_276 : memref<1x50x32xf32, #tpu.memory_space<hbm>> -> memref<50x32xf32, #tpu.memory_space<hbm>>
      tpu.wait_dma2 semaphore(%run_scoped3A : memref<!tpu.dma_semaphore, #tpu.memory_space<semaphore_mem>>) src(%arg16 : memref<50x32xf32, #tpu.memory_space<vmem>>) dst(%dma_wait3A_277 : memref<50x32xf32, #tpu.memory_space<hbm>>)
      tpu.yield
    }) : () -> ()
    %dma_wait3A_217 = arith.constant 507 : i32
    %dma_wait3A_218 = arith.constant 0 : i32
    %dma_wait3A_219 = tpu.memref_slice %arg5[%dma_wait3A_217, %dma_wait3A_218] : memref<512x50xi32, #tpu.memory_space<vmem>> -> memref<1x50xi32, #tpu.memory_space<vmem>>
    %dma_wait3A_220 = tpu.memref_squeeze %dma_wait3A_219 : memref<1x50xi32, #tpu.memory_space<vmem>> -> memref<50xi32, #tpu.memory_space<vmem>>
    %dma_wait3A_221 = arith.constant 0 : i32
    %dma_wait3A_222 = arith.constant 0 : i32
    %dma_wait3A_223 = tpu.memref_slice %arg3[%dma_wait3A_221, %dma_wait3A_222] : memref<1000000x32xf32, #tpu.memory_space<hbm>> -> memref<1000000x32xf32, #tpu.memory_space<hbm>>
    tpu.wait_indirect_dma semaphore(%arg33 : memref<!tpu.dma_semaphore, #tpu.memory_space<semaphore_mem>>) src(%dma_wait3A_223 : memref<1000000x32xf32, #tpu.memory_space<hbm>>) dst(%arg17 : memref<50x32xf32, #tpu.memory_space<vmem>>)
    %add3A_224 = arith.constant 507 : i32
    %add3A_225 = arith.addi %mul3A_2, %add3A_224 : i32
    "tpu.region"() ({
      %run_scoped3A = tpu.sem_alloc : memref<!tpu.dma_semaphore, #tpu.memory_space<semaphore_mem>>
      %dma_start3A_262 = arith.constant 0 : i32
      %dma_start3A_263 = arith.constant 0 : i32
      %dma_start3A_264 = tpu.memref_slice %arg4[%add3A_225, %dma_start3A_262, %dma_start3A_263] : memref<16384x50x32xf32, #tpu.memory_space<hbm>> -> memref<1x50x32xf32, #tpu.memory_space<hbm>>
      %dma_start3A_265 = tpu.memref_squeeze %dma_start3A_264 : memref<1x50x32xf32, #tpu.memory_space<hbm>> -> memref<50x32xf32, #tpu.memory_space<hbm>>
      %dma_start3A_266 = arith.constant 0 : i32
      %dma_start3A_267 = arith.constant 0 : i32
      %dma_start3A_268 = tpu.memref_slice %arg4[%add3A_225, %dma_start3A_266, %dma_start3A_267] : memref<16384x50x32xf32, #tpu.memory_space<hbm>> -> memref<1x50x32xf32, #tpu.memory_space<hbm>>
      %dma_start3A_269 = tpu.memref_squeeze %dma_start3A_268 : memref<1x50x32xf32, #tpu.memory_space<hbm>> -> memref<50x32xf32, #tpu.memory_space<hbm>>
      tpu.enqueue_dma source(%arg17 : memref<50x32xf32, #tpu.memory_space<vmem>>) target(%dma_start3A_269 : memref<50x32xf32, #tpu.memory_space<hbm>>) target_semaphore(%run_scoped3A : memref<!tpu.dma_semaphore, #tpu.memory_space<semaphore_mem>>)
      %dma_wait3A_270 = arith.constant 0 : i32
      %dma_wait3A_271 = arith.constant 0 : i32
      %dma_wait3A_272 = tpu.memref_slice %arg4[%add3A_225, %dma_wait3A_270, %dma_wait3A_271] : memref<16384x50x32xf32, #tpu.memory_space<hbm>> -> memref<1x50x32xf32, #tpu.memory_space<hbm>>
      %dma_wait3A_273 = tpu.memref_squeeze %dma_wait3A_272 : memref<1x50x32xf32, #tpu.memory_space<hbm>> -> memref<50x32xf32, #tpu.memory_space<hbm>>
      %dma_wait3A_274 = arith.constant 0 : i32
      %dma_wait3A_275 = arith.constant 0 : i32
      %dma_wait3A_276 = tpu.memref_slice %arg4[%add3A_225, %dma_wait3A_274, %dma_wait3A_275] : memref<16384x50x32xf32, #tpu.memory_space<hbm>> -> memref<1x50x32xf32, #tpu.memory_space<hbm>>
      %dma_wait3A_277 = tpu.memref_squeeze %dma_wait3A_276 : memref<1x50x32xf32, #tpu.memory_space<hbm>> -> memref<50x32xf32, #tpu.memory_space<hbm>>
      tpu.wait_dma2 semaphore(%run_scoped3A : memref<!tpu.dma_semaphore, #tpu.memory_space<semaphore_mem>>) src(%arg17 : memref<50x32xf32, #tpu.memory_space<vmem>>) dst(%dma_wait3A_277 : memref<50x32xf32, #tpu.memory_space<hbm>>)
      tpu.yield
    }) : () -> ()
    %dma_wait3A_226 = arith.constant 508 : i32
    %dma_wait3A_227 = arith.constant 0 : i32
    %dma_wait3A_228 = tpu.memref_slice %arg5[%dma_wait3A_226, %dma_wait3A_227] : memref<512x50xi32, #tpu.memory_space<vmem>> -> memref<1x50xi32, #tpu.memory_space<vmem>>
    %dma_wait3A_229 = tpu.memref_squeeze %dma_wait3A_228 : memref<1x50xi32, #tpu.memory_space<vmem>> -> memref<50xi32, #tpu.memory_space<vmem>>
    %dma_wait3A_230 = arith.constant 0 : i32
    %dma_wait3A_231 = arith.constant 0 : i32
    %dma_wait3A_232 = tpu.memref_slice %arg3[%dma_wait3A_230, %dma_wait3A_231] : memref<1000000x32xf32, #tpu.memory_space<hbm>> -> memref<1000000x32xf32, #tpu.memory_space<hbm>>
    tpu.wait_indirect_dma semaphore(%arg34 : memref<!tpu.dma_semaphore, #tpu.memory_space<semaphore_mem>>) src(%dma_wait3A_232 : memref<1000000x32xf32, #tpu.memory_space<hbm>>) dst(%arg18 : memref<50x32xf32, #tpu.memory_space<vmem>>)
    %add3A_233 = arith.constant 508 : i32
    %add3A_234 = arith.addi %mul3A_2, %add3A_233 : i32
    "tpu.region"() ({
      %run_scoped3A = tpu.sem_alloc : memref<!tpu.dma_semaphore, #tpu.memory_space<semaphore_mem>>
      %dma_start3A_262 = arith.constant 0 : i32
      %dma_start3A_263 = arith.constant 0 : i32
      %dma_start3A_264 = tpu.memref_slice %arg4[%add3A_234, %dma_start3A_262, %dma_start3A_263] : memref<16384x50x32xf32, #tpu.memory_space<hbm>> -> memref<1x50x32xf32, #tpu.memory_space<hbm>>
      %dma_start3A_265 = tpu.memref_squeeze %dma_start3A_264 : memref<1x50x32xf32, #tpu.memory_space<hbm>> -> memref<50x32xf32, #tpu.memory_space<hbm>>
      %dma_start3A_266 = arith.constant 0 : i32
      %dma_start3A_267 = arith.constant 0 : i32
      %dma_start3A_268 = tpu.memref_slice %arg4[%add3A_234, %dma_start3A_266, %dma_start3A_267] : memref<16384x50x32xf32, #tpu.memory_space<hbm>> -> memref<1x50x32xf32, #tpu.memory_space<hbm>>
      %dma_start3A_269 = tpu.memref_squeeze %dma_start3A_268 : memref<1x50x32xf32, #tpu.memory_space<hbm>> -> memref<50x32xf32, #tpu.memory_space<hbm>>
      tpu.enqueue_dma source(%arg18 : memref<50x32xf32, #tpu.memory_space<vmem>>) target(%dma_start3A_269 : memref<50x32xf32, #tpu.memory_space<hbm>>) target_semaphore(%run_scoped3A : memref<!tpu.dma_semaphore, #tpu.memory_space<semaphore_mem>>)
      %dma_wait3A_270 = arith.constant 0 : i32
      %dma_wait3A_271 = arith.constant 0 : i32
      %dma_wait3A_272 = tpu.memref_slice %arg4[%add3A_234, %dma_wait3A_270, %dma_wait3A_271] : memref<16384x50x32xf32, #tpu.memory_space<hbm>> -> memref<1x50x32xf32, #tpu.memory_space<hbm>>
      %dma_wait3A_273 = tpu.memref_squeeze %dma_wait3A_272 : memref<1x50x32xf32, #tpu.memory_space<hbm>> -> memref<50x32xf32, #tpu.memory_space<hbm>>
      %dma_wait3A_274 = arith.constant 0 : i32
      %dma_wait3A_275 = arith.constant 0 : i32
      %dma_wait3A_276 = tpu.memref_slice %arg4[%add3A_234, %dma_wait3A_274, %dma_wait3A_275] : memref<16384x50x32xf32, #tpu.memory_space<hbm>> -> memref<1x50x32xf32, #tpu.memory_space<hbm>>
      %dma_wait3A_277 = tpu.memref_squeeze %dma_wait3A_276 : memref<1x50x32xf32, #tpu.memory_space<hbm>> -> memref<50x32xf32, #tpu.memory_space<hbm>>
      tpu.wait_dma2 semaphore(%run_scoped3A : memref<!tpu.dma_semaphore, #tpu.memory_space<semaphore_mem>>) src(%arg18 : memref<50x32xf32, #tpu.memory_space<vmem>>) dst(%dma_wait3A_277 : memref<50x32xf32, #tpu.memory_space<hbm>>)
      tpu.yield
    }) : () -> ()
    %dma_wait3A_235 = arith.constant 509 : i32
    %dma_wait3A_236 = arith.constant 0 : i32
    %dma_wait3A_237 = tpu.memref_slice %arg5[%dma_wait3A_235, %dma_wait3A_236] : memref<512x50xi32, #tpu.memory_space<vmem>> -> memref<1x50xi32, #tpu.memory_space<vmem>>
    %dma_wait3A_238 = tpu.memref_squeeze %dma_wait3A_237 : memref<1x50xi32, #tpu.memory_space<vmem>> -> memref<50xi32, #tpu.memory_space<vmem>>
    %dma_wait3A_239 = arith.constant 0 : i32
    %dma_wait3A_240 = arith.constant 0 : i32
    %dma_wait3A_241 = tpu.memref_slice %arg3[%dma_wait3A_239, %dma_wait3A_240] : memref<1000000x32xf32, #tpu.memory_space<hbm>> -> memref<1000000x32xf32, #tpu.memory_space<hbm>>
    tpu.wait_indirect_dma semaphore(%arg35 : memref<!tpu.dma_semaphore, #tpu.memory_space<semaphore_mem>>) src(%dma_wait3A_241 : memref<1000000x32xf32, #tpu.memory_space<hbm>>) dst(%arg19 : memref<50x32xf32, #tpu.memory_space<vmem>>)
    %add3A_242 = arith.constant 509 : i32
    %add3A_243 = arith.addi %mul3A_2, %add3A_242 : i32
    "tpu.region"() ({
      %run_scoped3A = tpu.sem_alloc : memref<!tpu.dma_semaphore, #tpu.memory_space<semaphore_mem>>
      %dma_start3A_262 = arith.constant 0 : i32
      %dma_start3A_263 = arith.constant 0 : i32
      %dma_start3A_264 = tpu.memref_slice %arg4[%add3A_243, %dma_start3A_262, %dma_start3A_263] : memref<16384x50x32xf32, #tpu.memory_space<hbm>> -> memref<1x50x32xf32, #tpu.memory_space<hbm>>
      %dma_start3A_265 = tpu.memref_squeeze %dma_start3A_264 : memref<1x50x32xf32, #tpu.memory_space<hbm>> -> memref<50x32xf32, #tpu.memory_space<hbm>>
      %dma_start3A_266 = arith.constant 0 : i32
      %dma_start3A_267 = arith.constant 0 : i32
      %dma_start3A_268 = tpu.memref_slice %arg4[%add3A_243, %dma_start3A_266, %dma_start3A_267] : memref<16384x50x32xf32, #tpu.memory_space<hbm>> -> memref<1x50x32xf32, #tpu.memory_space<hbm>>
      %dma_start3A_269 = tpu.memref_squeeze %dma_start3A_268 : memref<1x50x32xf32, #tpu.memory_space<hbm>> -> memref<50x32xf32, #tpu.memory_space<hbm>>
      tpu.enqueue_dma source(%arg19 : memref<50x32xf32, #tpu.memory_space<vmem>>) target(%dma_start3A_269 : memref<50x32xf32, #tpu.memory_space<hbm>>) target_semaphore(%run_scoped3A : memref<!tpu.dma_semaphore, #tpu.memory_space<semaphore_mem>>)
      %dma_wait3A_270 = arith.constant 0 : i32
      %dma_wait3A_271 = arith.constant 0 : i32
      %dma_wait3A_272 = tpu.memref_slice %arg4[%add3A_243, %dma_wait3A_270, %dma_wait3A_271] : memref<16384x50x32xf32, #tpu.memory_space<hbm>> -> memref<1x50x32xf32, #tpu.memory_space<hbm>>
      %dma_wait3A_273 = tpu.memref_squeeze %dma_wait3A_272 : memref<1x50x32xf32, #tpu.memory_space<hbm>> -> memref<50x32xf32, #tpu.memory_space<hbm>>
      %dma_wait3A_274 = arith.constant 0 : i32
      %dma_wait3A_275 = arith.constant 0 : i32
      %dma_wait3A_276 = tpu.memref_slice %arg4[%add3A_243, %dma_wait3A_274, %dma_wait3A_275] : memref<16384x50x32xf32, #tpu.memory_space<hbm>> -> memref<1x50x32xf32, #tpu.memory_space<hbm>>
      %dma_wait3A_277 = tpu.memref_squeeze %dma_wait3A_276 : memref<1x50x32xf32, #tpu.memory_space<hbm>> -> memref<50x32xf32, #tpu.memory_space<hbm>>
      tpu.wait_dma2 semaphore(%run_scoped3A : memref<!tpu.dma_semaphore, #tpu.memory_space<semaphore_mem>>) src(%arg19 : memref<50x32xf32, #tpu.memory_space<vmem>>) dst(%dma_wait3A_277 : memref<50x32xf32, #tpu.memory_space<hbm>>)
      tpu.yield
    }) : () -> ()
    %dma_wait3A_244 = arith.constant 510 : i32
    %dma_wait3A_245 = arith.constant 0 : i32
    %dma_wait3A_246 = tpu.memref_slice %arg5[%dma_wait3A_244, %dma_wait3A_245] : memref<512x50xi32, #tpu.memory_space<vmem>> -> memref<1x50xi32, #tpu.memory_space<vmem>>
    %dma_wait3A_247 = tpu.memref_squeeze %dma_wait3A_246 : memref<1x50xi32, #tpu.memory_space<vmem>> -> memref<50xi32, #tpu.memory_space<vmem>>
    %dma_wait3A_248 = arith.constant 0 : i32
    %dma_wait3A_249 = arith.constant 0 : i32
    %dma_wait3A_250 = tpu.memref_slice %arg3[%dma_wait3A_248, %dma_wait3A_249] : memref<1000000x32xf32, #tpu.memory_space<hbm>> -> memref<1000000x32xf32, #tpu.memory_space<hbm>>
    tpu.wait_indirect_dma semaphore(%arg36 : memref<!tpu.dma_semaphore, #tpu.memory_space<semaphore_mem>>) src(%dma_wait3A_250 : memref<1000000x32xf32, #tpu.memory_space<hbm>>) dst(%arg20 : memref<50x32xf32, #tpu.memory_space<vmem>>)
    %add3A_251 = arith.constant 510 : i32
    %add3A_252 = arith.addi %mul3A_2, %add3A_251 : i32
    "tpu.region"() ({
      %run_scoped3A = tpu.sem_alloc : memref<!tpu.dma_semaphore, #tpu.memory_space<semaphore_mem>>
      %dma_start3A_262 = arith.constant 0 : i32
      %dma_start3A_263 = arith.constant 0 : i32
      %dma_start3A_264 = tpu.memref_slice %arg4[%add3A_252, %dma_start3A_262, %dma_start3A_263] : memref<16384x50x32xf32, #tpu.memory_space<hbm>> -> memref<1x50x32xf32, #tpu.memory_space<hbm>>
      %dma_start3A_265 = tpu.memref_squeeze %dma_start3A_264 : memref<1x50x32xf32, #tpu.memory_space<hbm>> -> memref<50x32xf32, #tpu.memory_space<hbm>>
      %dma_start3A_266 = arith.constant 0 : i32
      %dma_start3A_267 = arith.constant 0 : i32
      %dma_start3A_268 = tpu.memref_slice %arg4[%add3A_252, %dma_start3A_266, %dma_start3A_267] : memref<16384x50x32xf32, #tpu.memory_space<hbm>> -> memref<1x50x32xf32, #tpu.memory_space<hbm>>
      %dma_start3A_269 = tpu.memref_squeeze %dma_start3A_268 : memref<1x50x32xf32, #tpu.memory_space<hbm>> -> memref<50x32xf32, #tpu.memory_space<hbm>>
      tpu.enqueue_dma source(%arg20 : memref<50x32xf32, #tpu.memory_space<vmem>>) target(%dma_start3A_269 : memref<50x32xf32, #tpu.memory_space<hbm>>) target_semaphore(%run_scoped3A : memref<!tpu.dma_semaphore, #tpu.memory_space<semaphore_mem>>)
      %dma_wait3A_270 = arith.constant 0 : i32
      %dma_wait3A_271 = arith.constant 0 : i32
      %dma_wait3A_272 = tpu.memref_slice %arg4[%add3A_252, %dma_wait3A_270, %dma_wait3A_271] : memref<16384x50x32xf32, #tpu.memory_space<hbm>> -> memref<1x50x32xf32, #tpu.memory_space<hbm>>
      %dma_wait3A_273 = tpu.memref_squeeze %dma_wait3A_272 : memref<1x50x32xf32, #tpu.memory_space<hbm>> -> memref<50x32xf32, #tpu.memory_space<hbm>>
      %dma_wait3A_274 = arith.constant 0 : i32
      %dma_wait3A_275 = arith.constant 0 : i32
      %dma_wait3A_276 = tpu.memref_slice %arg4[%add3A_252, %dma_wait3A_274, %dma_wait3A_275] : memref<16384x50x32xf32, #tpu.memory_space<hbm>> -> memref<1x50x32xf32, #tpu.memory_space<hbm>>
      %dma_wait3A_277 = tpu.memref_squeeze %dma_wait3A_276 : memref<1x50x32xf32, #tpu.memory_space<hbm>> -> memref<50x32xf32, #tpu.memory_space<hbm>>
      tpu.wait_dma2 semaphore(%run_scoped3A : memref<!tpu.dma_semaphore, #tpu.memory_space<semaphore_mem>>) src(%arg20 : memref<50x32xf32, #tpu.memory_space<vmem>>) dst(%dma_wait3A_277 : memref<50x32xf32, #tpu.memory_space<hbm>>)
      tpu.yield
    }) : () -> ()
    %dma_wait3A_253 = arith.constant 511 : i32
    %dma_wait3A_254 = arith.constant 0 : i32
    %dma_wait3A_255 = tpu.memref_slice %arg5[%dma_wait3A_253, %dma_wait3A_254] : memref<512x50xi32, #tpu.memory_space<vmem>> -> memref<1x50xi32, #tpu.memory_space<vmem>>
    %dma_wait3A_256 = tpu.memref_squeeze %dma_wait3A_255 : memref<1x50xi32, #tpu.memory_space<vmem>> -> memref<50xi32, #tpu.memory_space<vmem>>
    %dma_wait3A_257 = arith.constant 0 : i32
    %dma_wait3A_258 = arith.constant 0 : i32
    %dma_wait3A_259 = tpu.memref_slice %arg3[%dma_wait3A_257, %dma_wait3A_258] : memref<1000000x32xf32, #tpu.memory_space<hbm>> -> memref<1000000x32xf32, #tpu.memory_space<hbm>>
    tpu.wait_indirect_dma semaphore(%arg37 : memref<!tpu.dma_semaphore, #tpu.memory_space<semaphore_mem>>) src(%dma_wait3A_259 : memref<1000000x32xf32, #tpu.memory_space<hbm>>) dst(%arg21 : memref<50x32xf32, #tpu.memory_space<vmem>>)
    %add3A_260 = arith.constant 511 : i32
    %add3A_261 = arith.addi %mul3A_2, %add3A_260 : i32
    "tpu.region"() ({
      %run_scoped3A = tpu.sem_alloc : memref<!tpu.dma_semaphore, #tpu.memory_space<semaphore_mem>>
      %dma_start3A_262 = arith.constant 0 : i32
      %dma_start3A_263 = arith.constant 0 : i32
      %dma_start3A_264 = tpu.memref_slice %arg4[%add3A_261, %dma_start3A_262, %dma_start3A_263] : memref<16384x50x32xf32, #tpu.memory_space<hbm>> -> memref<1x50x32xf32, #tpu.memory_space<hbm>>
      %dma_start3A_265 = tpu.memref_squeeze %dma_start3A_264 : memref<1x50x32xf32, #tpu.memory_space<hbm>> -> memref<50x32xf32, #tpu.memory_space<hbm>>
      %dma_start3A_266 = arith.constant 0 : i32
      %dma_start3A_267 = arith.constant 0 : i32
      %dma_start3A_268 = tpu.memref_slice %arg4[%add3A_261, %dma_start3A_266, %dma_start3A_267] : memref<16384x50x32xf32, #tpu.memory_space<hbm>> -> memref<1x50x32xf32, #tpu.memory_space<hbm>>
      %dma_start3A_269 = tpu.memref_squeeze %dma_start3A_268 : memref<1x50x32xf32, #tpu.memory_space<hbm>> -> memref<50x32xf32, #tpu.memory_space<hbm>>
      tpu.enqueue_dma source(%arg21 : memref<50x32xf32, #tpu.memory_space<vmem>>) target(%dma_start3A_269 : memref<50x32xf32, #tpu.memory_space<hbm>>) target_semaphore(%run_scoped3A : memref<!tpu.dma_semaphore, #tpu.memory_space<semaphore_mem>>)
      %dma_wait3A_270 = arith.constant 0 : i32
      %dma_wait3A_271 = arith.constant 0 : i32
      %dma_wait3A_272 = tpu.memref_slice %arg4[%add3A_261, %dma_wait3A_270, %dma_wait3A_271] : memref<16384x50x32xf32, #tpu.memory_space<hbm>> -> memref<1x50x32xf32, #tpu.memory_space<hbm>>
      %dma_wait3A_273 = tpu.memref_squeeze %dma_wait3A_272 : memref<1x50x32xf32, #tpu.memory_space<hbm>> -> memref<50x32xf32, #tpu.memory_space<hbm>>
      %dma_wait3A_274 = arith.constant 0 : i32
      %dma_wait3A_275 = arith.constant 0 : i32
      %dma_wait3A_276 = tpu.memref_slice %arg4[%add3A_261, %dma_wait3A_274, %dma_wait3A_275] : memref<16384x50x32xf32, #tpu.memory_space<hbm>> -> memref<1x50x32xf32, #tpu.memory_space<hbm>>
      %dma_wait3A_277 = tpu.memref_squeeze %dma_wait3A_276 : memref<1x50x32xf32, #tpu.memory_space<hbm>> -> memref<50x32xf32, #tpu.memory_space<hbm>>
      tpu.wait_dma2 semaphore(%run_scoped3A : memref<!tpu.dma_semaphore, #tpu.memory_space<semaphore_mem>>) src(%arg21 : memref<50x32xf32, #tpu.memory_space<vmem>>) dst(%dma_wait3A_277 : memref<50x32xf32, #tpu.memory_space<hbm>>)
      tpu.yield
    }) : () -> ()
    return
  }
}

</mosaic_0001>

<sc_bundles>
// kernel: kernel.3.cloned.1.call-start
scs
__scs_entry_jumppad:
0x0: {  	(pc) =	sbr.rel $0x88, $3  }
0x1: {  	(tag) =	ssettag $0x0;
	lr =	simm.s32 $0x1  }
0x2: {  	[smem:$0x3F9F] =	sst lr;
	_ =	strace $0xD0000000  }
0x3: {  	_ = 	snop  }
0x4: {  	_ = 	snop  }
0x5: {  	_ = 	snop  }
0x6: {  	_ = 	snop  }
0x7: {  	_ = 	snop  }
__scs_overlays_trampoline_lowered:
0x8: {  	[smem:$0x3FAE] =	sst s0  }
0x9: {  	[smem:$0x3FAF] =	sst s1  }
0xa: {  	[smem:$0x3FB0] =	sst s2  }
0xb: {  	[smem:$0x3FB1] =	sst s3  }
0xc: {  	[smem:$0x3FB2] =	sst s4  }
0xd: {  	[smem:$0x3FB3] =	sst s5  }
0xe: {  	[smem:$0x3FB4] =	sst s6  }
0xf: {  	[smem:$0x3FB5] =	sst s7  }
0x10: {  	[smem:$0x3FB6] =	sst s8  }
0x11: {  	[smem:$0x3FB7] =	sst s9;
	s0 =	simm.s32 @!p0 $0x0  }
0x12: {  	s1 =	sld [smem:$0x3F9D];
	s0 =	simm.s32 @p0 $0x1  }
0x13: {  	[smem:$0x3FB8] =	sst s0;
	s0 =	simm.s32 @!p1 $0x0  }
0x14: {  	s2 =	sld [smem:$0x3F9C];
	s0 =	simm.s32 @p1 $0x1  }
0x15: {  	[smem:$0x3FB9] =	sst s0;
	s0 =	simm.s32 @!p2 $0x0  }
0x16: {  	s3 =	sld [smem:$0x3FDB];
	s0 =	simm.s32 @p2 $0x1  }
0x17: {  	s4 =	simm.s32 $0x1BF5;
	[smem:$0x3FBB] =	sst s0  }
0x18: {  	s0 =	sld [smem:$0x3F9E];
	_ =	swait.ge [sflag:s4], $0x0  }
0x19: {  	s7 =	sld [smem:$0x3F9F]  }
0x1a: {  	s8 =	sadd.s32 $0xFFFFE003, lr  }
0x1b: {  	s9 =	sadd.s32 $0xFFFFFEF7, lr;
	s5 =	simm.s32 $0xFFFFFFFF;
	p2 =	slt.u32 s8, $0xFFFFF086  }
0x1c: {  	p1 =	slt.u32 s9, $0xF7A;
	s5 =	simm.s32 @!p2 $0x0  }
0x1d: {  	s5 =	simm.s32 @p1 $0x1;
	p0 =	seq.s32 s7, s2  }
0x1e: {  	s7 =	smul.u32 @!p0 $0xF7A, s2;
	p2 =	seq.s32 @!p0 s5, $0x0  }
0x1f: {  	s9 =	smul.u32 $0xF7A, s1;
	s8 =	simm.s32 @!p0 $0x1BF5;
	p2 =	por !p2, p0  }
0x20: {  	[sflag:s8] =	ssyncset.s32 @!p0 $0xFFFFF086;
	s6 =	sadd.s32 @!p0 s3, s7;
	s7 =	simm.s32 @!p0 $0x108  }
0x21: {  	s3 =	sadd.s32 s3, s9;
	s6 =	sadd.s32 @!p0 $0x88, s6;
	s7 =	simm.s32 @p2 $0x1082  }
0x22: {  	[simem:s7], [sflag:s8] =	dma.local @!p0 [hbm:s6], $0xF7A  }
0x23: {  	s9 =	sor.u32 $0xD0000000, s2;
	s6 =	simm.s32 $0x108;
	_ =	swait.ge @!p0 [sflag:s8], $0x0  }
0x24: {  	s3 =	sadd.s32 $0x88, s3;
	s6 =	simm.s32 @!p1 $0x1082;
	[sflag:s4] =	ssyncset.s32 $0xFFFFF086  }
0x25: {  	[simem:s6], [sflag:s4] =	dma.local [hbm:s3], $0xF7A  }
0x26: {  	[smem:$0x3F9F] =	sst s1;
	(tag) =	ssettag s2;
	_ =	strace s9  }
0x27: {  	s1 =	sld [smem:$0x3FAF]  }
0x28: {  	s2 =	sld [smem:$0x3FB0]  }
0x29: {  	s4 =	sld [smem:$0x3FB2]  }
0x2a: {  	p0 =	seq.s32 s5, $0x0;
	s5 =	sld [smem:$0x3FB3]  }
0x2b: {  	s6 =	sld [smem:$0x3FB4]  }
0x2c: {  	s7 =	sld [smem:$0x3FB5]  }
0x2d: {  	s3 =	simm.s32 $0x108;
	s8 =	sld [smem:$0x3FB6]  }
0x2e: {  	s3 =	simm.s32 @!p0 $0x1082;
	s9 =	sld [smem:$0x3FB7]  }
0x2f: {  	lr =	sadd.s32 s0, s3;
	s0 =	sld [smem:$0x3FAE]  }
0x30: {  	s3 =	sld [smem:$0x3FB1]  }
0x31: {  	[smem:$0x3FBA] =	sst s10  }
0x32: {  	s10 =	sld [smem:$0x3FB8];
	_ =	sdelay $0x3  }
0x33: {  	p0 =	seq.s32 s10, $0x1;
	s10 =	sld [smem:$0x3FBA];
	_ =	sdelay $0x3  }
0x34: {  	[smem:$0x3FBA] =	sst s10  }
0x35: {  	s10 =	sld [smem:$0x3FB9];
	_ =	sdelay $0x3  }
0x36: {  	p1 =	seq.s32 s10, $0x1;
	s10 =	sld [smem:$0x3FBA];
	_ =	sdelay $0x3  }
0x37: {  	[smem:$0x3FBA] =	sst s10  }
0x38: {  	s10 =	sld [smem:$0x3FBB]  }
0x39: {  	_ = 	snop;
	(pc) =	sbr.ind lr, $3  }
0x3a: {  	_ = 	snop  }
0x3b: {  	_ = 	snop  }
0x3c: {  	p2 =	seq.s32 s10, $0x1;
	s10 =	sld [smem:$0x3FBA]  }
0x3d: {  	_ =	shalt  }
0x3e: {  	_ =	shalt  }
0x3f: {  	_ =	shalt  }
0x40: {  	_ =	shalt  }
0x41: {  	_ =	shalt  }
0x42: {  	_ =	shalt  }
0x43: {  	_ =	shalt  }
0x44: {  	_ =	shalt  }
0x45: {  	_ =	shalt  }
0x46: {  	_ =	shalt  }
0x47: {  	_ =	shalt  }
0x48: {  	_ =	shalt  }
0x49: {  	_ =	shalt  }
0x4a: {  	_ =	shalt  }
0x4b: {  	_ =	shalt  }
0x4c: {  	_ =	shalt  }
0x4d: {  	_ =	shalt  }
0x4e: {  	_ =	shalt  }
0x4f: {  	_ =	shalt  }
0x50: {  	_ =	shalt  }
0x51: {  	_ =	shalt  }
0x52: {  	_ =	shalt  }
0x53: {  	_ =	shalt  }
0x54: {  	_ =	shalt  }
0x55: {  	_ =	shalt  }
0x56: {  	_ =	shalt  }
0x57: {  	_ =	shalt  }
0x58: {  	_ =	shalt  }
0x59: {  	_ =	shalt  }
0x5a: {  	_ =	shalt  }
0x5b: {  	_ =	shalt  }
0x5c: {  	_ =	shalt  }
0x5d: {  	_ =	shalt  }
0x5e: {  	_ =	shalt  }
0x5f: {  	_ =	shalt  }
0x60: {  	_ =	shalt  }
0x61: {  	_ =	shalt  }
0x62: {  	_ =	shalt  }
0x63: {  	_ =	shalt  }
0x64: {  	_ =	shalt  }
0x65: {  	_ =	shalt  }
0x66: {  	_ =	shalt  }
0x67: {  	_ =	shalt  }
0x68: {  	_ =	shalt  }
0x69: {  	_ =	shalt  }
0x6a: {  	_ =	shalt  }
0x6b: {  	_ =	shalt  }
0x6c: {  	_ =	shalt  }
0x6d: {  	_ =	shalt  }
0x6e: {  	_ =	shalt  }
0x6f: {  	_ =	shalt  }
0x70: {  	_ =	shalt  }
0x71: {  	_ =	shalt  }
0x72: {  	_ =	shalt  }
0x73: {  	_ =	shalt  }
0x74: {  	_ =	shalt  }
0x75: {  	_ =	shalt  }
0x76: {  	_ =	shalt  }
0x77: {  	_ =	shalt  }
0x78: {  	_ =	shalt  }
0x79: {  	_ =	shalt  }
0x7a: {  	_ =	shalt  }
0x7b: {  	_ =	shalt  }
0x7c: {  	_ =	shalt  }
0x7d: {  	_ =	shalt  }
0x7e: {  	_ =	shalt  }
0x7f: {  	_ =	shalt  }
0x80: {  	_ =	shalt  }
0x81: {  	_ =	shalt  }
0x82: {  	_ =	shalt  }
0x83: {  	_ =	shalt  }
0x84: {  	_ =	shalt  }
0x85: {  	_ =	shalt  }
0x86: {  	_ =	shalt  }
0x87: {  	_ =	shalt  }
.Lfunc_end0:
.L_simem_size_0:
called_computation.1_lowered:
.L_overlay_start_0:
0x88: {  	s2 =	sld [smem:$0x3FD9]  }
0x89: {  	s3 =	sld [smem:$0x3FFE];
	_ =	sdelay $0x1  }
0x8a: {  	s1 =	srdreg.scid  }
0x8b: {  	s0 =	sand.u32 $0x1, s1  }
0x8c: {  	s17 =	sshll.u32 s0, $0xA;
	s2 =	sadd.s32 s3, s2  }
0x8d: {  	s2 =	sadd.s32 s2, s17  }
0x8e: {  	[smem:$0x3FC6] =	sst s2  }
0x8f: {  	_ = 	snop  }
0x90: {  	s2 =	sld [smem:$0x3FD0];
	(tm) =	ssettm $0x1  }
0x91: {  	s18 =	sld [smem:$0x3FFB];
	_ =	sdelay $0x3  }
0x92: {  	_ =	strace s18  }
0x93: {  	s3 =	sld [smem:$0x3FFC];
	_ =	sdelay $0x3  }
0x94: {  	_ =	strace s3  }
0x95: {  	s3 =	sld [smem:$0x3FFD];
	_ =	sdelay $0x3  }
0x96: {  	_ =	strace s3  }
0x97: {  	_ =	strace $0x8FFFFFFF  }
0x98: {  	s19 =	sld [smem:$0x3FDB];
	_ =	sdelay $0x1  }
0x99: {  	s4 =	simm.s32 $_scs_section_size  }
0x9a: {  	s5 =	simm.s32 $_size__tile_overlayer_lowered;
	s6 =	simm.s32 $_tile_overlayer_lowered  }
0x9b: {  	s22 =	simm.s32 $0x1BFF;
	s21 =	sshll.u32 s6, $0x1;
	s3 =	sadd.s32 s4, s19  }
0x9c: {  	s7 =	simm.s32 $0x0;
	s20 =	sshll.u32 s5, $0x1;
	s5 =	sadd.s32 s21, s3  }
0x9d: {  	[timem:s7], [sflag:s22] =	dma.local [hbm:s5], s20  }
0x9e: {  	_ =	swait.ge [sflag:s22], s20  }
0x9f: {  	s4 =	ssub.s32 $0x0, s20;
	[sflag:s22] =	ssyncset.done $0x0  }
0xa0: {  	[sflag:s22] =	ssyncadd.s32 s4;
	_ =	sdelay $0x1  }
0xa1: {  	s23 =	simm.s32 $0x1B8B  }
0xa2: {  	_ =	swait.ge [sflag:s23], $0x1  }
0xa3: {  	[sflag:s23] =	ssyncset.done $0x0  }
0xa4: {  	s25 =	simm.s32 $0x1B8E;
	s24 =	sld [smem:$0x3FFE];
	[sflag:s23] =	ssyncadd.s32 $0xFFFFFFFF  }
0xa5: {  	s26 =	simm.s32 $execute0_lowered;
	[smem:$0x3FD2] =	sst s25  }
0xa6: {  	s5 =	sshll.u32 s26, $0x1;
	_ =	strace $0x80000046;
	[dreg:$0x1] =	wrdreg $0xFFFFFFFF  }
0xa7: {  	s28 =	simm.s32 $_size_execute0_lowered;
	s3 =	sadd.s32 s3, s5;
	[dreg:$0x0] =	wrdreg $0x0  }
0xa8: {  	s5 =	sshll.u32 s28, $0x1;
	[dreg:$0x2] =	wrdreg s3  }
0xa9: {  	[dreg:$0x3] =	wrdreg s5  }
0xaa: {  	[dreg:$0x4] =	wrdreg $0xC0  }
0xab: {  	_ =	task [dreg:s7], $0x5FFFF  }
0xac: {  	[dreg:$0x1] =	wrdreg $0xFFFFFFFF  }
0xad: {  	[dreg:$0x0] =	wrdreg $0x60  }
0xae: {  	[dreg:$0x2] =	wrdreg s24  }
0xaf: {  	[dreg:$0x3] =	wrdreg s2  }
0xb0: {  	[dreg:$0x4] =	wrdreg $0x9  }
0xb1: {  	_ =	task.clear_ibuf [dreg:s7], $0x5FFFF;
	_ =	strace $0x90000046  }
0xb2: {  	s29 =	simm.s32 $0x9;
	_ =	strace $0x80000048  }
0xb3: {  	_ =	swait.ge [sflag:s29], $0x1  }
0xb4: {  	[sflag:s29] =	ssyncadd.s32 $0xFFFFFFFF  }
0xb5: {  	_ =	strace $0x90000048  }
0xb6: {  	_ =	sfence  }
0xb7: {  	s30 =	sld [smem:$0x0];
	_ =	sdelay $0x2  }
0xb8: {  	s31 =	sshll.u32 s1, $0xD;
	s1 =	sshrl.u32 s1, $0x2  }
0xb9: {  	s3 =	sand.u32 $0x4000, s31;
	s1 =	sadd.s32 s1, s30  }
0xba: {  	s0 =	sor.u32 s3, s0;
	s1 =	sshll.u32 s1, $0x11  }
0xbb: {  	s0 =	sor.u32 s1, s0  }
0xbc: {  	s0 =	sadd.s32 $0x8F2B, s0  }
0xbd: {  	[sflag:s0] =	ssyncadd.remote.s32 $0x1  }
0xbe: {  	_ =	sfence.sel $0xFFFF  }
0xbf: {  	[dreg:$0x0] =	wrdreg $0xFFFFFFFF;
	(pc) =	sbr.abs _section_cstart, $3  }
0xc0: {  	[dreg:$0x1] =	wrdreg $0xFFFFFFFF  }
0xc1: {  	_ =	task.clear_ibuf [dreg:s7], $0x2FFFF;
	_ =	strace $0x9FFFFFFF  }
0xc2: {  	(tm) =	ssettm $0x7FFFFFFF  }
0xc3: {  	_ =	shalt  }
tec
execute0_lowered:
.L_overlay_start_1:
0x0: {  	(tag) =	ssettag $0x1  }
0x1: {  	s0 =	srdreg.scid;
	s1 =	rddreg [dreg:$0x0]  }
0x2: {  	s9 =	stileid.u32;
	s4 =	rddreg [dreg:$0x1]  }
0x3: {  	s0 =	sand.u32 $0x1, s0;
	s2 =	sshll.u32 s9, $0xA;
	s25 =	smul.u32 $0x32000, s9  }
0x4: {  	s3 =	sshll.u32 s0, $0x9;
	s6 =	ssub.s32 $0x2, s0;
	s0 =	smul.u32 $0x19000, s0  }
0x5: {  	s3 =	sor.u32 s3, s2;
	s2 =	simm.s32 $0x0;
	s7 =	sshrl.u32 s6, $0x1  }
0x6: {  	s31 =	sadd.s32 s25, s4;
	s5 =	smul.u32 $0x7, s3;
	[smem:$0x7FF] =	sst s2  }
0x7: {  	s3 =	smul.u32 $0x640, s3;
	s10 =	ssub.s32 s6, s7;
	s0 =	sadd.s32 s0, s31  }
0x8: {  	_ =	strace $0x80000047;
	[dreg:$0x15] =	wrdreg s0;
	s5 =	sadd.s32 s5, s1  }
0x9: {  	s8 =	sshrl.u32 s3, $0x3;
	s3 =	sadd.s32 $0xF42E00, s1;
	s1 =	smax.u32 s10, $0x1  }
0xa: {  	s11 =	sadd.s32 s4, s8;
	s5 =	sadd.s32 $0xA00, s5;
	[dreg:$0x14] =	wrdreg s1  }
0xb: {  	[dreg:$0x3] =	wrdreg s5;
	s12 =	sadd.s32 $0x18380, s11  }
0xc: {  	s13 =	sadd.s32 $0x18448, s11;
	[dreg:$0x4] =	wrdreg s12  }
0xd: {  	s14 =	sadd.s32 $0x18510, s11;
	[dreg:$0x5] =	wrdreg s13  }
0xe: {  	s15 =	sadd.s32 $0x185D8, s11;
	[dreg:$0x6] =	wrdreg s14  }
0xf: {  	s16 =	sadd.s32 $0x186A0, s11;
	[dreg:$0x7] =	wrdreg s15  }
0x10: {  	s17 =	sadd.s32 $0x18768, s11;
	[dreg:$0x8] =	wrdreg s16  }
0x11: {  	s18 =	sadd.s32 $0x18830, s11;
	[dreg:$0x9] =	wrdreg s17  }
0x12: {  	s19 =	sadd.s32 $0x188F8, s11;
	[dreg:$0xa] =	wrdreg s18  }
0x13: {  	s20 =	sadd.s32 $0x189C0, s11;
	[dreg:$0xb] =	wrdreg s19  }
0x14: {  	s21 =	sadd.s32 $0x18A88, s11;
	[dreg:$0xc] =	wrdreg s20  }
0x15: {  	s22 =	sadd.s32 $0x18B50, s11;
	[dreg:$0xd] =	wrdreg s21  }
0x16: {  	s28 =	simm.s32 $0xD;
	s23 =	sadd.s32 $0x18C18, s11;
	[dreg:$0xe] =	wrdreg s22  }
0x17: {  	s30 =	simm.s32 $0xE;
	s24 =	sadd.s32 $0x18CE0, s11;
	[dreg:$0xf] =	wrdreg s23  }
0x18: {  	s25 =	simm.s32 $0xC;
	s26 =	sadd.s32 $0x18DA8, s11;
	[dreg:$0x10] =	wrdreg s24  }
0x19: {  	s1 =	simm.s32 $0xF;
	s29 =	sadd.s32 $0x18E70, s11;
	[dreg:$0x11] =	wrdreg s26  }
0x1a: {  	s4 =	simm.s32 $0x0;
	s6 =	sadd.s32 $0x18F38, s11;
	[dreg:$0x12] =	wrdreg s29  }
0x1b: {  	[dreg:$0x13] =	wrdreg s6;
	s23 =	simm.s32 $0x11;
	s24 =	simm.s32 $0x32  }
0x1c: {  	s22 =	simm.s32 $0xB;
	s26 =	simm.s32 $0x10;
	s21 =	simm.s32 $0xCDC0  }
.LBB2_1:
0x1d: {  	[dreg:$0x16] =	wrdreg s4  }
0x1e: {  	s0 =	rddreg [dreg:$0x3]  }
0x1f: {  	[tilespmem:s2], [sflag:$0x11] =	stream.linear.gather [hbm4b:s0+s2], $0x7000, $0x38;
	[tilespmem:$0xD400] =	vst v63  }
0x20: {  	_ =	swait.ge [sflag:s23], $0x7000  }
0x21: {  	[sflag:s23] =	ssyncset.done $0x0  }
0x22: {  	s5 =	simm.s32 $0x7000;
	[sflag:s23] =	ssyncadd.s32 $0xFFFF9000  }
0x23: {  	[tilespmem:s5], [sflag:$0x1] =	stream.indirect.gather [hbm4b:s3+s24], $0x20, s2, s24, $0xb8;
	[tilespmem:$0xD400] =	vst v63  }
0x24: {  	s7 =	simm.s32 $0x38;
	s6 =	simm.s32 $0x7640  }
0x25: {  	[tilespmem:s6], [sflag:$0x2] =	stream.indirect.gather [hbm4b:s3+s24], $0x20, s7, s24, $0xb8;
	[tilespmem:$0xD400] =	vst v63  }
0x26: {  	s8 =	simm.s32 $0x70;
	s7 =	simm.s32 $0x7C80  }
0x27: {  	[tilespmem:s7], [sflag:$0x3] =	stream.indirect.gather [hbm4b:s3+s24], $0x20, s8, s24, $0xb8;
	[tilespmem:$0xD400] =	vst v63  }
0x28: {  	s9 =	simm.s32 $0xA8;
	s8 =	simm.s32 $0x82C0  }
0x29: {  	[tilespmem:s8], [sflag:$0x4] =	stream.indirect.gather [hbm4b:s3+s24], $0x20, s9, s24, $0xb8;
	[tilespmem:$0xD400] =	vst v63  }
0x2a: {  	s10 =	simm.s32 $0xE0;
	s9 =	simm.s32 $0x8900  }
0x2b: {  	[tilespmem:s9], [sflag:$0x5] =	stream.indirect.gather [hbm4b:s3+s24], $0x20, s10, s24, $0xb8;
	[tilespmem:$0xD400] =	vst v63  }
0x2c: {  	s11 =	simm.s32 $0x118;
	s10 =	simm.s32 $0x8F40  }
0x2d: {  	[tilespmem:s10], [sflag:$0x6] =	stream.indirect.gather [hbm4b:s3+s24], $0x20, s11, s24, $0xb8;
	[tilespmem:$0xD400] =	vst v63  }
0x2e: {  	s12 =	simm.s32 $0x150;
	s11 =	simm.s32 $0x9580  }
0x2f: {  	[tilespmem:s11], [sflag:$0x7] =	stream.indirect.gather [hbm4b:s3+s24], $0x20, s12, s24, $0xb8;
	[tilespmem:$0xD400] =	vst v63  }
0x30: {  	s13 =	simm.s32 $0x188;
	s12 =	simm.s32 $0x9BC0  }
0x31: {  	[tilespmem:s12], [sflag:$0x8] =	stream.indirect.gather [hbm4b:s3+s24], $0x20, s13, s24, $0xb8;
	[tilespmem:$0xD400] =	vst v63  }
0x32: {  	s14 =	simm.s32 $0x1C0;
	s13 =	simm.s32 $0xA200  }
0x33: {  	[tilespmem:s13], [sflag:$0x9] =	stream.indirect.gather [hbm4b:s3+s24], $0x20, s14, s24, $0xb8;
	[tilespmem:$0xD400] =	vst v63  }
0x34: {  	s15 =	simm.s32 $0x1F8;
	s14 =	simm.s32 $0xA840  }
0x35: {  	[tilespmem:s14], [sflag:$0xA] =	stream.indirect.gather [hbm4b:s3+s24], $0x20, s15, s24, $0xb8;
	[tilespmem:$0xD400] =	vst v63  }
0x36: {  	s16 =	simm.s32 $0x230;
	s15 =	simm.s32 $0xAE80  }
0x37: {  	[tilespmem:s15], [sflag:$0xB] =	stream.indirect.gather [hbm4b:s3+s24], $0x20, s16, s24, $0xb8;
	[tilespmem:$0xD400] =	vst v63  }
0x38: {  	s17 =	simm.s32 $0x268;
	s16 =	simm.s32 $0xB4C0  }
0x39: {  	[tilespmem:s16], [sflag:$0xC] =	stream.indirect.gather [hbm4b:s3+s24], $0x20, s17, s24, $0xb8;
	[tilespmem:$0xD400] =	vst v63  }
0x3a: {  	s18 =	simm.s32 $0x2A0;
	s17 =	simm.s32 $0xBB00  }
0x3b: {  	[tilespmem:s17], [sflag:$0xD] =	stream.indirect.gather [hbm4b:s3+s24], $0x20, s18, s24, $0xb8;
	[tilespmem:$0xD400] =	vst v63  }
0x3c: {  	s19 =	simm.s32 $0x2D8;
	s18 =	simm.s32 $0xC140  }
0x3d: {  	[tilespmem:s18], [sflag:$0xE] =	stream.indirect.gather [hbm4b:s3+s24], $0x20, s19, s24, $0xb8;
	[tilespmem:$0xD400] =	vst v63  }
0x3e: {  	s20 =	simm.s32 $0x310;
	s19 =	simm.s32 $0xC780  }
0x3f: {  	[tilespmem:s19], [sflag:$0xF] =	stream.indirect.gather [hbm4b:s3+s24], $0x20, s20, s24, $0xb8;
	[tilespmem:$0xD400] =	vst v63  }
0x40: {  	s4 =	simm.s32 $0x348;
	s20 =	simm.s32 $0xCDC0  }
0x41: {  	[tilespmem:s20], [sflag:$0x10] =	stream.indirect.gather [hbm4b:s3+s24], $0x20, s4, s24, $0xb8;
	[tilespmem:$0xD400] =	vst v63  }
0x42: {  	s4 =	simm.s32 $0x1  }
0x43: {  	_ =	swait.ge [sflag:s4], $0x640  }
0x44: {  	[sflag:s4] =	ssyncset.done $0x0  }
0x45: {  	[sflag:s4] =	ssyncadd.s32 $0xFFFFF9C0;
	s4 =	rddreg [dreg:$0x15]  }
0x46: {  	[hbm4b:s4+s2] =	stream.linear.scatter [tilespmem:s5], [sflag:$0x11], $0x640, $0x38;
	[tilespmem:$0xD400] =	vst v63  }
0x47: {  	_ =	swait.ge [sflag:s23], $0x640  }
0x48: {  	[sflag:s23] =	ssyncset.done $0x0  }
0x49: {  	s0 =	simm.s32 $0x380;
	[sflag:s23] =	ssyncadd.s32 $0xFFFFF9C0  }
0x4a: {  	[tilespmem:s5], [sflag:$0x1] =	stream.indirect.gather [hbm4b:s3+s24], $0x20, s0, s24, $0xb8;
	[tilespmem:$0xD400] =	vst v63  }
0x4b: {  	s5 =	simm.s32 $0x2  }
0x4c: {  	_ =	swait.ge [sflag:s5], $0x640  }
0x4d: {  	[sflag:s5] =	ssyncset.done $0x0  }
0x4e: {  	[sflag:s5] =	ssyncadd.s32 $0xFFFFF9C0;
	s5 =	sadd.s32 $0xC8, s4  }
0x4f: {  	[hbm4b:s5+s2] =	stream.linear.scatter [tilespmem:s6], [sflag:$0x11], $0x640, $0x38;
	[tilespmem:$0xD400] =	vst v63  }
0x50: {  	_ =	swait.ge [sflag:s23], $0x640  }
0x51: {  	[sflag:s23] =	ssyncset.done $0x0  }
0x52: {  	s5 =	simm.s32 $0x3B8;
	[sflag:s23] =	ssyncadd.s32 $0xFFFFF9C0  }
0x53: {  	[tilespmem:s6], [sflag:$0x2] =	stream.indirect.gather [hbm4b:s3+s24], $0x20, s5, s24, $0xb8;
	[tilespmem:$0xD400] =	vst v63  }
0x54: {  	s6 =	simm.s32 $0x3  }
0x55: {  	_ =	swait.ge [sflag:s6], $0x640  }
0x56: {  	[sflag:s6] =	ssyncset.done $0x0  }
0x57: {  	s5 =	sadd.s32 $0x190, s4;
	[sflag:s6] =	ssyncadd.s32 $0xFFFFF9C0  }
0x58: {  	[hbm4b:s5+s2] =	stream.linear.scatter [tilespmem:s7], [sflag:$0x11], $0x640, $0x38;
	[tilespmem:$0xD400] =	vst v63  }
0x59: {  	_ =	swait.ge [sflag:s23], $0x640  }
0x5a: {  	[sflag:s23] =	ssyncset.done $0x0  }
0x5b: {  	s6 =	simm.s32 $0x3F0;
	s5 =	simm.s32 $0x4;
	[sflag:s23] =	ssyncadd.s32 $0xFFFFF9C0  }
0x5c: {  	[tilespmem:s7], [sflag:$0x3] =	stream.indirect.gather [hbm4b:s3+s24], $0x20, s6, s24, $0xb8;
	[tilespmem:$0xD400] =	vst v63  }
0x5d: {  	_ =	swait.ge [sflag:s5], $0x640  }
0x5e: {  	[sflag:s5] =	ssyncset.done $0x0  }
0x5f: {  	s6 =	sadd.s32 $0x258, s4;
	[sflag:s5] =	ssyncadd.s32 $0xFFFFF9C0  }
0x60: {  	[hbm4b:s6+s2] =	stream.linear.scatter [tilespmem:s8], [sflag:$0x11], $0x640, $0x38;
	[tilespmem:$0xD400] =	vst v63  }
0x61: {  	_ =	swait.ge [sflag:s23], $0x640  }
0x62: {  	[sflag:s23] =	ssyncset.done $0x0  }
0x63: {  	s7 =	simm.s32 $0x428;
	[sflag:s23] =	ssyncadd.s32 $0xFFFFF9C0  }
0x64: {  	[tilespmem:s8], [sflag:$0x4] =	stream.indirect.gather [hbm4b:s3+s24], $0x20, s7, s24, $0xb8;
	[tilespmem:$0xD400] =	vst v63  }
0x65: {  	s8 =	simm.s32 $0x5  }
0x66: {  	_ =	swait.ge [sflag:s8], $0x640  }
0x67: {  	[sflag:s8] =	ssyncset.done $0x0  }
0x68: {  	s5 =	sadd.s32 $0x320, s4;
	[sflag:s8] =	ssyncadd.s32 $0xFFFFF9C0  }
0x69: {  	[hbm4b:s5+s2] =	stream.linear.scatter [tilespmem:s9], [sflag:$0x11], $0x640, $0x38;
	[tilespmem:$0xD400] =	vst v63  }
0x6a: {  	_ =	swait.ge [sflag:s23], $0x640  }
0x6b: {  	[sflag:s23] =	ssyncset.done $0x0  }
0x6c: {  	s6 =	simm.s32 $0x460;
	s7 =	simm.s32 $0x6;
	[sflag:s23] =	ssyncadd.s32 $0xFFFFF9C0  }
0x6d: {  	[tilespmem:s9], [sflag:$0x5] =	stream.indirect.gather [hbm4b:s3+s24], $0x20, s6, s24, $0xb8;
	[tilespmem:$0xD400] =	vst v63  }
0x6e: {  	_ =	swait.ge [sflag:s7], $0x640  }
0x6f: {  	[sflag:s7] =	ssyncset.done $0x0  }
0x70: {  	s8 =	sadd.s32 $0x3E8, s4;
	[sflag:s7] =	ssyncadd.s32 $0xFFFFF9C0  }
0x71: {  	[hbm4b:s8+s2] =	stream.linear.scatter [tilespmem:s10], [sflag:$0x11], $0x640, $0x38;
	[tilespmem:$0xD400] =	vst v63  }
0x72: {  	_ =	swait.ge [sflag:s23], $0x640  }
0x73: {  	[sflag:s23] =	ssyncset.done $0x0  }
0x74: {  	s5 =	simm.s32 $0x7;
	s9 =	simm.s32 $0x498;
	[sflag:s23] =	ssyncadd.s32 $0xFFFFF9C0  }
0x75: {  	[tilespmem:s10], [sflag:$0x6] =	stream.indirect.gather [hbm4b:s3+s24], $0x20, s9, s24, $0xb8;
	[tilespmem:$0xD400] =	vst v63  }
0x76: {  	_ =	swait.ge [sflag:s5], $0x640  }
0x77: {  	[sflag:s5] =	ssyncset.done $0x0  }
0x78: {  	s6 =	sadd.s32 $0x4B0, s4;
	[sflag:s5] =	ssyncadd.s32 $0xFFFFF9C0  }
0x79: {  	[hbm4b:s6+s2] =	stream.linear.scatter [tilespmem:s11], [sflag:$0x11], $0x640, $0x38;
	[tilespmem:$0xD400] =	vst v63  }
0x7a: {  	_ =	swait.ge [sflag:s23], $0x640  }
0x7b: {  	[sflag:s23] =	ssyncset.done $0x0  }
0x7c: {  	s7 =	simm.s32 $0x4D0;
	s8 =	simm.s32 $0x8;
	[sflag:s23] =	ssyncadd.s32 $0xFFFFF9C0  }
0x7d: {  	[tilespmem:s11], [sflag:$0x7] =	stream.indirect.gather [hbm4b:s3+s24], $0x20, s7, s24, $0xb8;
	[tilespmem:$0xD400] =	vst v63  }
0x7e: {  	_ =	swait.ge [sflag:s8], $0x640  }
0x7f: {  	[sflag:s8] =	ssyncset.done $0x0  }
0x80: {  	s9 =	sadd.s32 $0x578, s4;
	[sflag:s8] =	ssyncadd.s32 $0xFFFFF9C0  }
0x81: {  	[hbm4b:s9+s2] =	stream.linear.scatter [tilespmem:s12], [sflag:$0x11], $0x640, $0x38;
	[tilespmem:$0xD400] =	vst v63  }
0x82: {  	_ =	swait.ge [sflag:s23], $0x640  }
0x83: {  	[sflag:s23] =	ssyncset.done $0x0  }
0x84: {  	s10 =	simm.s32 $0x508;
	s11 =	simm.s32 $0x9;
	[sflag:s23] =	ssyncadd.s32 $0xFFFFF9C0  }
0x85: {  	[tilespmem:s12], [sflag:$0x8] =	stream.indirect.gather [hbm4b:s3+s24], $0x20, s10, s24, $0xb8;
	[tilespmem:$0xD400] =	vst v63  }
0x86: {  	_ =	swait.ge [sflag:s11], $0x640  }
0x87: {  	[sflag:s11] =	ssyncset.done $0x0  }
0x88: {  	s12 =	sadd.s32 $0x640, s4;
	[sflag:s11] =	ssyncadd.s32 $0xFFFFF9C0  }
0x89: {  	[hbm4b:s12+s2] =	stream.linear.scatter [tilespmem:s13], [sflag:$0x11], $0x640, $0x38;
	[tilespmem:$0xD400] =	vst v63  }
0x8a: {  	_ =	swait.ge [sflag:s23], $0x640  }
0x8b: {  	[sflag:s23] =	ssyncset.done $0x0  }
0x8c: {  	s5 =	simm.s32 $0x540;
	s6 =	simm.s32 $0xA;
	[sflag:s23] =	ssyncadd.s32 $0xFFFFF9C0  }
0x8d: {  	[tilespmem:s13], [sflag:$0x9] =	stream.indirect.gather [hbm4b:s3+s24], $0x20, s5, s24, $0xb8;
	[tilespmem:$0xD400] =	vst v63  }
0x8e: {  	_ =	swait.ge [sflag:s6], $0x640  }
0x8f: {  	[sflag:s6] =	ssyncset.done $0x0  }
0x90: {  	s7 =	sadd.s32 $0x708, s4;
	[sflag:s6] =	ssyncadd.s32 $0xFFFFF9C0  }
0x91: {  	[hbm4b:s7+s2] =	stream.linear.scatter [tilespmem:s14], [sflag:$0x11], $0x640, $0x38;
	[tilespmem:$0xD400] =	vst v63  }
0x92: {  	_ =	swait.ge [sflag:s23], $0x640  }
0x93: {  	[sflag:s23] =	ssyncset.done $0x0  }
0x94: {  	s8 =	simm.s32 $0x578;
	[sflag:s23] =	ssyncadd.s32 $0xFFFFF9C0  }
0x95: {  	[tilespmem:s14], [sflag:$0xA] =	stream.indirect.gather [hbm4b:s3+s24], $0x20, s8, s24, $0xb8;
	[tilespmem:$0xD400] =	vst v63  }
0x96: {  	_ =	swait.ge [sflag:s22], $0x640  }
0x97: {  	[sflag:s22] =	ssyncset.done $0x0  }
0x98: {  	s9 =	sadd.s32 $0x7D0, s4;
	[sflag:s22] =	ssyncadd.s32 $0xFFFFF9C0  }
0x99: {  	[hbm4b:s9+s2] =	stream.linear.scatter [tilespmem:s15], [sflag:$0x11], $0x640, $0x38;
	[tilespmem:$0xD400] =	vst v63  }
0x9a: {  	_ =	swait.ge [sflag:s23], $0x640  }
0x9b: {  	[sflag:s23] =	ssyncset.done $0x0  }
0x9c: {  	s10 =	simm.s32 $0x5B0;
	[sflag:s23] =	ssyncadd.s32 $0xFFFFF9C0  }
0x9d: {  	[tilespmem:s15], [sflag:$0xB] =	stream.indirect.gather [hbm4b:s3+s24], $0x20, s10, s24, $0xb8;
	[tilespmem:$0xD400] =	vst v63  }
0x9e: {  	_ =	swait.ge [sflag:s25], $0x640  }
0x9f: {  	[sflag:s25] =	ssyncset.done $0x0  }
0xa0: {  	s11 =	sadd.s32 $0x898, s4;
	[sflag:s25] =	ssyncadd.s32 $0xFFFFF9C0  }
0xa1: {  	[hbm4b:s11+s2] =	stream.linear.scatter [tilespmem:s16], [sflag:$0x11], $0x640, $0x38;
	[tilespmem:$0xD400] =	vst v63  }
0xa2: {  	_ =	swait.ge [sflag:s23], $0x640  }
0xa3: {  	[sflag:s23] =	ssyncset.done $0x0  }
0xa4: {  	s12 =	simm.s32 $0x5E8;
	[sflag:s23] =	ssyncadd.s32 $0xFFFFF9C0  }
0xa5: {  	[tilespmem:s16], [sflag:$0xC] =	stream.indirect.gather [hbm4b:s3+s24], $0x20, s12, s24, $0xb8;
	[tilespmem:$0xD400] =	vst v63  }
0xa6: {  	_ =	swait.ge [sflag:s28], $0x640  }
0xa7: {  	[sflag:s28] =	ssyncset.done $0x0  }
0xa8: {  	s13 =	sadd.s32 $0x960, s4;
	[sflag:s28] =	ssyncadd.s32 $0xFFFFF9C0  }
0xa9: {  	[hbm4b:s13+s2] =	stream.linear.scatter [tilespmem:s17], [sflag:$0x11], $0x640, $0x38;
	[tilespmem:$0xD400] =	vst v63  }
0xaa: {  	_ =	swait.ge [sflag:s23], $0x640  }
0xab: {  	[sflag:s23] =	ssyncset.done $0x0  }
0xac: {  	s14 =	simm.s32 $0x620;
	[sflag:s23] =	ssyncadd.s32 $0xFFFFF9C0  }
0xad: {  	[tilespmem:s17], [sflag:$0xD] =	stream.indirect.gather [hbm4b:s3+s24], $0x20, s14, s24, $0xb8;
	[tilespmem:$0xD400] =	vst v63  }
0xae: {  	_ =	swait.ge [sflag:s30], $0x640  }
0xaf: {  	[sflag:s30] =	ssyncset.done $0x0  }
0xb0: {  	s15 =	sadd.s32 $0xA28, s4;
	[sflag:s30] =	ssyncadd.s32 $0xFFFFF9C0  }
0xb1: {  	[hbm4b:s15+s2] =	stream.linear.scatter [tilespmem:s18], [sflag:$0x11], $0x640, $0x38;
	[tilespmem:$0xD400] =	vst v63  }
0xb2: {  	_ =	swait.ge [sflag:s23], $0x640  }
0xb3: {  	[sflag:s23] =	ssyncset.done $0x0  }
0xb4: {  	s16 =	simm.s32 $0x658;
	[sflag:s23] =	ssyncadd.s32 $0xFFFFF9C0  }
0xb5: {  	[tilespmem:s18], [sflag:$0xE] =	stream.indirect.gather [hbm4b:s3+s24], $0x20, s16, s24, $0xb8;
	[tilespmem:$0xD400] =	vst v63  }
0xb6: {  	_ =	swait.ge [sflag:s1], $0x640  }
0xb7: {  	[sflag:s1] =	ssyncset.done $0x0  }
0xb8: {  	s17 =	sadd.s32 $0xAF0, s4;
	[sflag:s1] =	ssyncadd.s32 $0xFFFFF9C0  }
0xb9: {  	[hbm4b:s17+s2] =	stream.linear.scatter [tilespmem:s19], [sflag:$0x11], $0x640, $0x38;
	[tilespmem:$0xD400] =	vst v63  }
0xba: {  	_ =	swait.ge [sflag:s23], $0x640  }
0xbb: {  	[sflag:s23] =	ssyncset.done $0x0  }
0xbc: {  	s18 =	simm.s32 $0x690;
	[sflag:s23] =	ssyncadd.s32 $0xFFFFF9C0  }
0xbd: {  	[tilespmem:s19], [sflag:$0xF] =	stream.indirect.gather [hbm4b:s3+s24], $0x20, s18, s24, $0xb8;
	[tilespmem:$0xD400] =	vst v63  }
0xbe: {  	_ =	swait.ge [sflag:s26], $0x640  }
0xbf: {  	[sflag:s26] =	ssyncset.done $0x0  }
0xc0: {  	s19 =	sadd.s32 $0xBB8, s4;
	[sflag:s26] =	ssyncadd.s32 $0xFFFFF9C0  }
0xc1: {  	[hbm4b:s19+s2] =	stream.linear.scatter [tilespmem:s20], [sflag:$0x11], $0x640, $0x38;
	[tilespmem:$0xD400] =	vst v63  }
0xc2: {  	_ =	swait.ge [sflag:s23], $0x640  }
0xc3: {  	s31 =	simm.s32 $0xE00;
	[sflag:s23] =	ssyncset.done $0x0  }
0xc4: {  	s29 =	sadd.s32 $0xC80, s4;
	s0 =	simm.s32 $0x6C8;
	[sflag:s23] =	ssyncadd.s32 $0xFFFFF9C0  }
.LBB2_2:
0xc5: {  	[tilespmem:s21], [sflag:$0x10] =	stream.indirect.gather [hbm4b:s3+s24], $0x20, s0, s24, $0xb8;
	[tilespmem:$0xD400] =	vst v63  }
0xc6: {  	s0 =	smov.u32 s31;
	s4 =	simm.s32 $0x1  }
0xc7: {  	p0 =	sne.s32 s31, $0x1A400;
	s31 =	sadd.s32 $0xE00, s31;
	_ =	swait.ge [sflag:s4], $0x640  }
0xc8: {  	[sflag:s4] =	ssyncset.done $0x0  }
0xc9: {  	s6 =	simm.s32 $0x7000;
	[sflag:s4] =	ssyncadd.s32 $0xFFFFF9C0  }
0xca: {  	[hbm4b:s29+s2] =	stream.linear.scatter [tilespmem:s6], [sflag:$0x11], $0x640, $0x38;
	[tilespmem:$0xD400] =	vst v63  }
0xcb: {  	_ =	swait.ge [sflag:s23], $0x640  }
0xcc: {  	s0 =	sshra.s32 s0, $0x2;
	[sflag:s23] =	ssyncset.done $0x0  }
0xcd: {  	s4 =	sadd.s32 $0x380, s0;
	[sflag:s23] =	ssyncadd.s32 $0xFFFFF9C0  }
0xce: {  	[tilespmem:s6], [sflag:$0x1] =	stream.indirect.gather [hbm4b:s3+s24], $0x20, s4, s24, $0xb8;
	[tilespmem:$0xD400] =	vst v63  }
0xcf: {  	s5 =	simm.s32 $0x7000;
	s4 =	simm.s32 $0x2  }
0xd0: {  	_ =	swait.ge [sflag:s4], $0x640  }
0xd1: {  	[sflag:s4] =	ssyncset.done $0x0  }
0xd2: {  	s7 =	simm.s32 $0x7640;
	[sflag:s4] =	ssyncadd.s32 $0xFFFFF9C0;
	s4 =	sadd.s32 $0xC8, s29  }
0xd3: {  	[hbm4b:s4+s2] =	stream.linear.scatter [tilespmem:s7], [sflag:$0x11], $0x640, $0x38;
	[tilespmem:$0xD400] =	vst v63  }
0xd4: {  	_ =	swait.ge [sflag:s23], $0x640  }
0xd5: {  	[sflag:s23] =	ssyncset.done $0x0  }
0xd6: {  	s4 =	sadd.s32 $0x3B8, s0;
	[sflag:s23] =	ssyncadd.s32 $0xFFFFF9C0  }
0xd7: {  	[tilespmem:s7], [sflag:$0x2] =	stream.indirect.gather [hbm4b:s3+s24], $0x20, s4, s24, $0xb8;
	[tilespmem:$0xD400] =	vst v63  }
0xd8: {  	s6 =	simm.s32 $0x7640;
	s4 =	simm.s32 $0x3  }
0xd9: {  	_ =	swait.ge [sflag:s4], $0x640  }
0xda: {  	[sflag:s4] =	ssyncset.done $0x0  }
0xdb: {  	s8 =	simm.s32 $0x7C80;
	[sflag:s4] =	ssyncadd.s32 $0xFFFFF9C0;
	s4 =	sadd.s32 $0x190, s29  }
0xdc: {  	[hbm4b:s4+s2] =	stream.linear.scatter [tilespmem:s8], [sflag:$0x11], $0x640, $0x38;
	[tilespmem:$0xD400] =	vst v63  }
0xdd: {  	_ =	swait.ge [sflag:s23], $0x640  }
0xde: {  	[sflag:s23] =	ssyncset.done $0x0  }
0xdf: {  	s4 =	sadd.s32 $0x3F0, s0;
	[sflag:s23] =	ssyncadd.s32 $0xFFFFF9C0  }
0xe0: {  	[tilespmem:s8], [sflag:$0x3] =	stream.indirect.gather [hbm4b:s3+s24], $0x20, s4, s24, $0xb8;
	[tilespmem:$0xD400] =	vst v63  }
0xe1: {  	s7 =	simm.s32 $0x7C80;
	s4 =	simm.s32 $0x4  }
0xe2: {  	_ =	swait.ge [sflag:s4], $0x640  }
0xe3: {  	[sflag:s4] =	ssyncset.done $0x0  }
0xe4: {  	s9 =	simm.s32 $0x82C0;
	[sflag:s4] =	ssyncadd.s32 $0xFFFFF9C0;
	s4 =	sadd.s32 $0x258, s29  }
0xe5: {  	[hbm4b:s4+s2] =	stream.linear.scatter [tilespmem:s9], [sflag:$0x11], $0x640, $0x38;
	[tilespmem:$0xD400] =	vst v63  }
0xe6: {  	_ =	swait.ge [sflag:s23], $0x640  }
0xe7: {  	[sflag:s23] =	ssyncset.done $0x0  }
0xe8: {  	s4 =	sadd.s32 $0x428, s0;
	[sflag:s23] =	ssyncadd.s32 $0xFFFFF9C0  }
0xe9: {  	[tilespmem:s9], [sflag:$0x4] =	stream.indirect.gather [hbm4b:s3+s24], $0x20, s4, s24, $0xb8;
	[tilespmem:$0xD400] =	vst v63  }
0xea: {  	s8 =	simm.s32 $0x82C0;
	s4 =	simm.s32 $0x5  }
0xeb: {  	_ =	swait.ge [sflag:s4], $0x640  }
0xec: {  	[sflag:s4] =	ssyncset.done $0x0  }
0xed: {  	s10 =	simm.s32 $0x8900;
	[sflag:s4] =	ssyncadd.s32 $0xFFFFF9C0;
	s4 =	sadd.s32 $0x320, s29  }
0xee: {  	[hbm4b:s4+s2] =	stream.linear.scatter [tilespmem:s10], [sflag:$0x11], $0x640, $0x38;
	[tilespmem:$0xD400] =	vst v63  }
0xef: {  	_ =	swait.ge [sflag:s23], $0x640  }
0xf0: {  	[sflag:s23] =	ssyncset.done $0x0  }
0xf1: {  	s4 =	sadd.s32 $0x460, s0;
	[sflag:s23] =	ssyncadd.s32 $0xFFFFF9C0  }
0xf2: {  	[tilespmem:s10], [sflag:$0x5] =	stream.indirect.gather [hbm4b:s3+s24], $0x20, s4, s24, $0xb8;
	[tilespmem:$0xD400] =	vst v63  }
0xf3: {  	s9 =	simm.s32 $0x8900;
	s4 =	simm.s32 $0x6  }
0xf4: {  	_ =	swait.ge [sflag:s4], $0x640  }
0xf5: {  	[sflag:s4] =	ssyncset.done $0x0  }
0xf6: {  	s11 =	simm.s32 $0x8F40;
	[sflag:s4] =	ssyncadd.s32 $0xFFFFF9C0;
	s4 =	sadd.s32 $0x3E8, s29  }
0xf7: {  	[hbm4b:s4+s2] =	stream.linear.scatter [tilespmem:s11], [sflag:$0x11], $0x640, $0x38;
	[tilespmem:$0xD400] =	vst v63  }
0xf8: {  	_ =	swait.ge [sflag:s23], $0x640  }
0xf9: {  	[sflag:s23] =	ssyncset.done $0x0  }
0xfa: {  	s4 =	sadd.s32 $0x498, s0;
	[sflag:s23] =	ssyncadd.s32 $0xFFFFF9C0  }
0xfb: {  	[tilespmem:s11], [sflag:$0x6] =	stream.indirect.gather [hbm4b:s3+s24], $0x20, s4, s24, $0xb8;
	[tilespmem:$0xD400] =	vst v63  }
0xfc: {  	s10 =	simm.s32 $0x8F40;
	s4 =	simm.s32 $0x7  }
0xfd: {  	_ =	swait.ge [sflag:s4], $0x640  }
0xfe: {  	[sflag:s4] =	ssyncset.done $0x0  }
0xff: {  	s12 =	simm.s32 $0x9580;
	[sflag:s4] =	ssyncadd.s32 $0xFFFFF9C0;
	s4 =	sadd.s32 $0x4B0, s29  }
0x100: {  	[hbm4b:s4+s2] =	stream.linear.scatter [tilespmem:s12], [sflag:$0x11], $0x640, $0x38;
	[tilespmem:$0xD400] =	vst v63  }
0x101: {  	_ =	swait.ge [sflag:s23], $0x640  }
0x102: {  	[sflag:s23] =	ssyncset.done $0x0  }
0x103: {  	s4 =	sadd.s32 $0x4D0, s0;
	[sflag:s23] =	ssyncadd.s32 $0xFFFFF9C0  }
0x104: {  	[tilespmem:s12], [sflag:$0x7] =	stream.indirect.gather [hbm4b:s3+s24], $0x20, s4, s24, $0xb8;
	[tilespmem:$0xD400] =	vst v63  }
0x105: {  	s11 =	simm.s32 $0x9580;
	s4 =	simm.s32 $0x8  }
0x106: {  	_ =	swait.ge [sflag:s4], $0x640  }
0x107: {  	[sflag:s4] =	ssyncset.done $0x0  }
0x108: {  	s13 =	simm.s32 $0x9BC0;
	[sflag:s4] =	ssyncadd.s32 $0xFFFFF9C0;
	s4 =	sadd.s32 $0x578, s29  }
0x109: {  	[hbm4b:s4+s2] =	stream.linear.scatter [tilespmem:s13], [sflag:$0x11], $0x640, $0x38;
	[tilespmem:$0xD400] =	vst v63  }
0x10a: {  	_ =	swait.ge [sflag:s23], $0x640  }
0x10b: {  	[sflag:s23] =	ssyncset.done $0x0  }
0x10c: {  	s4 =	sadd.s32 $0x508, s0;
	[sflag:s23] =	ssyncadd.s32 $0xFFFFF9C0  }
0x10d: {  	[tilespmem:s13], [sflag:$0x8] =	stream.indirect.gather [hbm4b:s3+s24], $0x20, s4, s24, $0xb8;
	[tilespmem:$0xD400] =	vst v63  }
0x10e: {  	s12 =	simm.s32 $0x9BC0;
	s4 =	simm.s32 $0x9  }
0x10f: {  	_ =	swait.ge [sflag:s4], $0x640  }
0x110: {  	[sflag:s4] =	ssyncset.done $0x0  }
0x111: {  	s14 =	simm.s32 $0xA200;
	[sflag:s4] =	ssyncadd.s32 $0xFFFFF9C0;
	s4 =	sadd.s32 $0x640, s29  }
0x112: {  	[hbm4b:s4+s2] =	stream.linear.scatter [tilespmem:s14], [sflag:$0x11], $0x640, $0x38;
	[tilespmem:$0xD400] =	vst v63  }
0x113: {  	_ =	swait.ge [sflag:s23], $0x640  }
0x114: {  	[sflag:s23] =	ssyncset.done $0x0  }
0x115: {  	s4 =	sadd.s32 $0x540, s0;
	[sflag:s23] =	ssyncadd.s32 $0xFFFFF9C0  }
0x116: {  	[tilespmem:s14], [sflag:$0x9] =	stream.indirect.gather [hbm4b:s3+s24], $0x20, s4, s24, $0xb8;
	[tilespmem:$0xD400] =	vst v63  }
0x117: {  	s13 =	simm.s32 $0xA200;
	s4 =	simm.s32 $0xA  }
0x118: {  	_ =	swait.ge [sflag:s4], $0x640  }
0x119: {  	[sflag:s4] =	ssyncset.done $0x0  }
0x11a: {  	s15 =	simm.s32 $0xA840;
	[sflag:s4] =	ssyncadd.s32 $0xFFFFF9C0;
	s4 =	sadd.s32 $0x708, s29  }
0x11b: {  	[hbm4b:s4+s2] =	stream.linear.scatter [tilespmem:s15], [sflag:$0x11], $0x640, $0x38;
	[tilespmem:$0xD400] =	vst v63  }
0x11c: {  	_ =	swait.ge [sflag:s23], $0x640  }
0x11d: {  	[sflag:s23] =	ssyncset.done $0x0  }
0x11e: {  	s14 =	simm.s32 $0xA840;
	s4 =	sadd.s32 $0x578, s0;
	[sflag:s23] =	ssyncadd.s32 $0xFFFFF9C0  }
0x11f: {  	[tilespmem:s15], [sflag:$0xA] =	stream.indirect.gather [hbm4b:s3+s24], $0x20, s4, s24, $0xb8;
	[tilespmem:$0xD400] =	vst v63  }
0x120: {  	_ =	swait.ge [sflag:s22], $0x640  }
0x121: {  	[sflag:s22] =	ssyncset.done $0x0  }
0x122: {  	s16 =	simm.s32 $0xAE80;
	s4 =	sadd.s32 $0x7D0, s29;
	[sflag:s22] =	ssyncadd.s32 $0xFFFFF9C0  }
0x123: {  	[hbm4b:s4+s2] =	stream.linear.scatter [tilespmem:s16], [sflag:$0x11], $0x640, $0x38;
	[tilespmem:$0xD400] =	vst v63  }
0x124: {  	_ =	swait.ge [sflag:s23], $0x640  }
0x125: {  	[sflag:s23] =	ssyncset.done $0x0  }
0x126: {  	s15 =	simm.s32 $0xAE80;
	s4 =	sadd.s32 $0x5B0, s0;
	[sflag:s23] =	ssyncadd.s32 $0xFFFFF9C0  }
0x127: {  	[tilespmem:s16], [sflag:$0xB] =	stream.indirect.gather [hbm4b:s3+s24], $0x20, s4, s24, $0xb8;
	[tilespmem:$0xD400] =	vst v63  }
0x128: {  	_ =	swait.ge [sflag:s25], $0x640  }
0x129: {  	[sflag:s25] =	ssyncset.done $0x0  }
0x12a: {  	s17 =	simm.s32 $0xB4C0;
	s4 =	sadd.s32 $0x898, s29;
	[sflag:s25] =	ssyncadd.s32 $0xFFFFF9C0  }
0x12b: {  	[hbm4b:s4+s2] =	stream.linear.scatter [tilespmem:s17], [sflag:$0x11], $0x640, $0x38;
	[tilespmem:$0xD400] =	vst v63  }
0x12c: {  	_ =	swait.ge [sflag:s23], $0x640  }
0x12d: {  	[sflag:s23] =	ssyncset.done $0x0  }
0x12e: {  	s16 =	simm.s32 $0xB4C0;
	s4 =	sadd.s32 $0x5E8, s0;
	[sflag:s23] =	ssyncadd.s32 $0xFFFFF9C0  }
0x12f: {  	[tilespmem:s17], [sflag:$0xC] =	stream.indirect.gather [hbm4b:s3+s24], $0x20, s4, s24, $0xb8;
	[tilespmem:$0xD400] =	vst v63  }
0x130: {  	_ =	swait.ge [sflag:s28], $0x640  }
0x131: {  	[sflag:s28] =	ssyncset.done $0x0  }
0x132: {  	s18 =	simm.s32 $0xBB00;
	s4 =	sadd.s32 $0x960, s29;
	[sflag:s28] =	ssyncadd.s32 $0xFFFFF9C0  }
0x133: {  	[hbm4b:s4+s2] =	stream.linear.scatter [tilespmem:s18], [sflag:$0x11], $0x640, $0x38;
	[tilespmem:$0xD400] =	vst v63  }
0x134: {  	_ =	swait.ge [sflag:s23], $0x640  }
0x135: {  	[sflag:s23] =	ssyncset.done $0x0  }
0x136: {  	s17 =	simm.s32 $0xBB00;
	s4 =	sadd.s32 $0x620, s0;
	[sflag:s23] =	ssyncadd.s32 $0xFFFFF9C0  }
0x137: {  	[tilespmem:s18], [sflag:$0xD] =	stream.indirect.gather [hbm4b:s3+s24], $0x20, s4, s24, $0xb8;
	[tilespmem:$0xD400] =	vst v63  }
0x138: {  	_ =	swait.ge [sflag:s30], $0x640  }
0x139: {  	[sflag:s30] =	ssyncset.done $0x0  }
0x13a: {  	s19 =	simm.s32 $0xC140;
	s4 =	sadd.s32 $0xA28, s29;
	[sflag:s30] =	ssyncadd.s32 $0xFFFFF9C0  }
0x13b: {  	[hbm4b:s4+s2] =	stream.linear.scatter [tilespmem:s19], [sflag:$0x11], $0x640, $0x38;
	[tilespmem:$0xD400] =	vst v63  }
0x13c: {  	_ =	swait.ge [sflag:s23], $0x640  }
0x13d: {  	[sflag:s23] =	ssyncset.done $0x0  }
0x13e: {  	s18 =	simm.s32 $0xC140;
	s4 =	sadd.s32 $0x658, s0;
	[sflag:s23] =	ssyncadd.s32 $0xFFFFF9C0  }
0x13f: {  	[tilespmem:s19], [sflag:$0xE] =	stream.indirect.gather [hbm4b:s3+s24], $0x20, s4, s24, $0xb8;
	[tilespmem:$0xD400] =	vst v63  }
0x140: {  	_ =	swait.ge [sflag:s1], $0x640  }
0x141: {  	[sflag:s1] =	ssyncset.done $0x0  }
0x142: {  	s20 =	simm.s32 $0xC780;
	s4 =	sadd.s32 $0xAF0, s29;
	[sflag:s1] =	ssyncadd.s32 $0xFFFFF9C0  }
0x143: {  	[hbm4b:s4+s2] =	stream.linear.scatter [tilespmem:s20], [sflag:$0x11], $0x640, $0x38;
	[tilespmem:$0xD400] =	vst v63  }
0x144: {  	_ =	swait.ge [sflag:s23], $0x640  }
0x145: {  	[sflag:s23] =	ssyncset.done $0x0  }
0x146: {  	s19 =	simm.s32 $0xC780;
	s4 =	sadd.s32 $0x690, s0;
	[sflag:s23] =	ssyncadd.s32 $0xFFFFF9C0  }
0x147: {  	[tilespmem:s20], [sflag:$0xF] =	stream.indirect.gather [hbm4b:s3+s24], $0x20, s4, s24, $0xb8;
	[tilespmem:$0xD400] =	vst v63  }
0x148: {  	_ =	swait.ge [sflag:s26], $0x640  }
0x149: {  	[sflag:s26] =	ssyncset.done $0x0  }
.Ltmp0:
0x14a: {  	s4 =	sadd.s32 $0xBB8, s29;
	[sflag:s26] =	ssyncadd.s32 $0xFFFFF9C0;
	(pc) =	sbr.rel @p0 .LBB2_2-.Ltmp0, $4  }
0x14b: {  	[hbm4b:s4+s2] =	stream.linear.scatter [tilespmem:s21], [sflag:$0x11], $0x640, $0x38;
	[tilespmem:$0xD400] =	vst v63  }
0x14c: {  	_ =	swait.ge [sflag:s23], $0x640  }
0x14d: {  	[sflag:s23] =	ssyncset.done $0x0  }
0x14e: {  	s0 =	sadd.s32 $0x6C8, s0;
	s29 =	sadd.s32 $0xC80, s29;
	[sflag:s23] =	ssyncadd.s32 $0xFFFFF9C0  }
0x14f: {  	s4 =	simm.s32 $0xCDC0;
	s29 =	simm.s32 $0x1  }
0x150: {  	[tilespmem:s4], [sflag:$0x10] =	stream.indirect.gather [hbm4b:s3+s24], $0x20, s0, s24, $0xb8;
	[tilespmem:$0xD400] =	vst v63  }
0x151: {  	_ =	swait.ge [sflag:s29], $0x640  }
0x152: {  	[sflag:s29] =	ssyncset.done $0x0  }
0x153: {  	s31 =	rddreg [dreg:$0x4];
	[sflag:s29] =	ssyncadd.s32 $0xFFFFF9C0  }
0x154: {  	[hbm4b:s31+s2] =	stream.linear.scatter [tilespmem:s5], [sflag:$0x11], $0x640, $0x38;
	[tilespmem:$0xD400] =	vst v63  }
0x155: {  	_ =	swait.ge [sflag:s23], $0x640  }
0x156: {  	[sflag:s23] =	ssyncset.done $0x0  }
0x157: {  	s20 =	simm.s32 $0x2;
	[sflag:s23] =	ssyncadd.s32 $0xFFFFF9C0  }
0x158: {  	_ =	swait.ge [sflag:s20], $0x640  }
0x159: {  	[sflag:s20] =	ssyncset.done $0x0  }
0x15a: {  	s29 =	rddreg [dreg:$0x5];
	[sflag:s20] =	ssyncadd.s32 $0xFFFFF9C0  }
0x15b: {  	[hbm4b:s29+s2] =	stream.linear.scatter [tilespmem:s6], [sflag:$0x11], $0x640, $0x38;
	[tilespmem:$0xD400] =	vst v63  }
0x15c: {  	_ =	swait.ge [sflag:s23], $0x640  }
0x15d: {  	[sflag:s23] =	ssyncset.done $0x0  }
0x15e: {  	s31 =	simm.s32 $0x3;
	[sflag:s23] =	ssyncadd.s32 $0xFFFFF9C0  }
0x15f: {  	_ =	swait.ge [sflag:s31], $0x640  }
0x160: {  	[sflag:s31] =	ssyncset.done $0x0  }
0x161: {  	s5 =	rddreg [dreg:$0x6];
	[sflag:s31] =	ssyncadd.s32 $0xFFFFF9C0  }
0x162: {  	[hbm4b:s5+s2] =	stream.linear.scatter [tilespmem:s7], [sflag:$0x11], $0x640, $0x38;
	[tilespmem:$0xD400] =	vst v63  }
0x163: {  	_ =	swait.ge [sflag:s23], $0x640  }
0x164: {  	[sflag:s23] =	ssyncset.done $0x0  }
0x165: {  	s6 =	simm.s32 $0x4;
	[sflag:s23] =	ssyncadd.s32 $0xFFFFF9C0  }
0x166: {  	_ =	swait.ge [sflag:s6], $0x640  }
0x167: {  	[sflag:s6] =	ssyncset.done $0x0  }
0x168: {  	s7 =	rddreg [dreg:$0x7];
	[sflag:s6] =	ssyncadd.s32 $0xFFFFF9C0  }
0x169: {  	[hbm4b:s7+s2] =	stream.linear.scatter [tilespmem:s8], [sflag:$0x11], $0x640, $0x38;
	[tilespmem:$0xD400] =	vst v63  }
0x16a: {  	_ =	swait.ge [sflag:s23], $0x640  }
0x16b: {  	[sflag:s23] =	ssyncset.done $0x0  }
0x16c: {  	s20 =	simm.s32 $0x5;
	[sflag:s23] =	ssyncadd.s32 $0xFFFFF9C0  }
0x16d: {  	_ =	swait.ge [sflag:s20], $0x640  }
0x16e: {  	[sflag:s20] =	ssyncset.done $0x0  }
0x16f: {  	s29 =	rddreg [dreg:$0x8];
	[sflag:s20] =	ssyncadd.s32 $0xFFFFF9C0  }
0x170: {  	[hbm4b:s29+s2] =	stream.linear.scatter [tilespmem:s9], [sflag:$0x11], $0x640, $0x38;
	[tilespmem:$0xD400] =	vst v63  }
0x171: {  	_ =	swait.ge [sflag:s23], $0x640  }
0x172: {  	[sflag:s23] =	ssyncset.done $0x0  }
0x173: {  	s31 =	simm.s32 $0x6;
	[sflag:s23] =	ssyncadd.s32 $0xFFFFF9C0  }
0x174: {  	_ =	swait.ge [sflag:s31], $0x640  }
0x175: {  	[sflag:s31] =	ssyncset.done $0x0  }
0x176: {  	s5 =	rddreg [dreg:$0x9];
	[sflag:s31] =	ssyncadd.s32 $0xFFFFF9C0  }
0x177: {  	[hbm4b:s5+s2] =	stream.linear.scatter [tilespmem:s10], [sflag:$0x11], $0x640, $0x38;
	[tilespmem:$0xD400] =	vst v63  }
0x178: {  	_ =	swait.ge [sflag:s23], $0x640  }
0x179: {  	[sflag:s23] =	ssyncset.done $0x0  }
0x17a: {  	s6 =	simm.s32 $0x7;
	[sflag:s23] =	ssyncadd.s32 $0xFFFFF9C0  }
0x17b: {  	_ =	swait.ge [sflag:s6], $0x640  }
0x17c: {  	[sflag:s6] =	ssyncset.done $0x0  }
0x17d: {  	s7 =	rddreg [dreg:$0xa];
	[sflag:s6] =	ssyncadd.s32 $0xFFFFF9C0  }
0x17e: {  	[hbm4b:s7+s2] =	stream.linear.scatter [tilespmem:s11], [sflag:$0x11], $0x640, $0x38;
	[tilespmem:$0xD400] =	vst v63  }
0x17f: {  	_ =	swait.ge [sflag:s23], $0x640  }
0x180: {  	[sflag:s23] =	ssyncset.done $0x0  }
0x181: {  	s8 =	simm.s32 $0x8;
	[sflag:s23] =	ssyncadd.s32 $0xFFFFF9C0  }
0x182: {  	_ =	swait.ge [sflag:s8], $0x640  }
0x183: {  	[sflag:s8] =	ssyncset.done $0x0  }
0x184: {  	s9 =	rddreg [dreg:$0xb];
	[sflag:s8] =	ssyncadd.s32 $0xFFFFF9C0  }
0x185: {  	[hbm4b:s9+s2] =	stream.linear.scatter [tilespmem:s12], [sflag:$0x11], $0x640, $0x38;
	[tilespmem:$0xD400] =	vst v63  }
0x186: {  	_ =	swait.ge [sflag:s23], $0x640  }
0x187: {  	[sflag:s23] =	ssyncset.done $0x0  }
0x188: {  	s10 =	simm.s32 $0x9;
	[sflag:s23] =	ssyncadd.s32 $0xFFFFF9C0  }
0x189: {  	_ =	swait.ge [sflag:s10], $0x640  }
0x18a: {  	[sflag:s10] =	ssyncset.done $0x0  }
0x18b: {  	s11 =	rddreg [dreg:$0xc];
	[sflag:s10] =	ssyncadd.s32 $0xFFFFF9C0  }
0x18c: {  	[hbm4b:s11+s2] =	stream.linear.scatter [tilespmem:s13], [sflag:$0x11], $0x640, $0x38;
	[tilespmem:$0xD400] =	vst v63  }
0x18d: {  	_ =	swait.ge [sflag:s23], $0x640  }
0x18e: {  	[sflag:s23] =	ssyncset.done $0x0  }
0x18f: {  	s12 =	simm.s32 $0xA;
	[sflag:s23] =	ssyncadd.s32 $0xFFFFF9C0  }
0x190: {  	_ =	swait.ge [sflag:s12], $0x640  }
0x191: {  	[sflag:s12] =	ssyncset.done $0x0  }
0x192: {  	s13 =	rddreg [dreg:$0xd];
	[sflag:s12] =	ssyncadd.s32 $0xFFFFF9C0  }
0x193: {  	[hbm4b:s13+s2] =	stream.linear.scatter [tilespmem:s14], [sflag:$0x11], $0x640, $0x38;
	[tilespmem:$0xD400] =	vst v63  }
0x194: {  	_ =	swait.ge [sflag:s23], $0x640  }
0x195: {  	[sflag:s23] =	ssyncset.done $0x0  }
0x196: {  	[sflag:s23] =	ssyncadd.s32 $0xFFFFF9C0  }
0x197: {  	_ =	swait.ge [sflag:s22], $0x640  }
0x198: {  	[sflag:s22] =	ssyncset.done $0x0  }
0x199: {  	s14 =	rddreg [dreg:$0xe];
	[sflag:s22] =	ssyncadd.s32 $0xFFFFF9C0  }
0x19a: {  	[hbm4b:s14+s2] =	stream.linear.scatter [tilespmem:s15], [sflag:$0x11], $0x640, $0x38;
	[tilespmem:$0xD400] =	vst v63  }
0x19b: {  	_ =	swait.ge [sflag:s23], $0x640  }
0x19c: {  	[sflag:s23] =	ssyncset.done $0x0  }
0x19d: {  	[sflag:s23] =	ssyncadd.s32 $0xFFFFF9C0  }
0x19e: {  	_ =	swait.ge [sflag:s25], $0x640  }
0x19f: {  	[sflag:s25] =	ssyncset.done $0x0  }
0x1a0: {  	s15 =	rddreg [dreg:$0xf];
	[sflag:s25] =	ssyncadd.s32 $0xFFFFF9C0  }
0x1a1: {  	[hbm4b:s15+s2] =	stream.linear.scatter [tilespmem:s16], [sflag:$0x11], $0x640, $0x38;
	[tilespmem:$0xD400] =	vst v63  }
0x1a2: {  	_ =	swait.ge [sflag:s23], $0x640  }
0x1a3: {  	[sflag:s23] =	ssyncset.done $0x0  }
0x1a4: {  	[sflag:s23] =	ssyncadd.s32 $0xFFFFF9C0  }
0x1a5: {  	_ =	swait.ge [sflag:s28], $0x640  }
0x1a6: {  	[sflag:s28] =	ssyncset.done $0x0  }
0x1a7: {  	s16 =	rddreg [dreg:$0x10];
	[sflag:s28] =	ssyncadd.s32 $0xFFFFF9C0  }
0x1a8: {  	[hbm4b:s16+s2] =	stream.linear.scatter [tilespmem:s17], [sflag:$0x11], $0x640, $0x38;
	[tilespmem:$0xD400] =	vst v63  }
0x1a9: {  	_ =	swait.ge [sflag:s23], $0x640  }
0x1aa: {  	[sflag:s23] =	ssyncset.done $0x0  }
0x1ab: {  	[sflag:s23] =	ssyncadd.s32 $0xFFFFF9C0  }
0x1ac: {  	_ =	swait.ge [sflag:s30], $0x640  }
0x1ad: {  	[sflag:s30] =	ssyncset.done $0x0  }
0x1ae: {  	s17 =	rddreg [dreg:$0x11];
	[sflag:s30] =	ssyncadd.s32 $0xFFFFF9C0  }
0x1af: {  	[hbm4b:s17+s2] =	stream.linear.scatter [tilespmem:s18], [sflag:$0x11], $0x640, $0x38;
	[tilespmem:$0xD400] =	vst v63  }
0x1b0: {  	_ =	swait.ge [sflag:s23], $0x640  }
0x1b1: {  	[sflag:s23] =	ssyncset.done $0x0  }
0x1b2: {  	[sflag:s23] =	ssyncadd.s32 $0xFFFFF9C0  }
0x1b3: {  	_ =	swait.ge [sflag:s1], $0x640  }
0x1b4: {  	[sflag:s1] =	ssyncset.done $0x0  }
0x1b5: {  	s18 =	rddreg [dreg:$0x12];
	[sflag:s1] =	ssyncadd.s32 $0xFFFFF9C0  }
0x1b6: {  	[hbm4b:s18+s2] =	stream.linear.scatter [tilespmem:s19], [sflag:$0x11], $0x640, $0x38;
	[tilespmem:$0xD400] =	vst v63  }
0x1b7: {  	_ =	swait.ge [sflag:s23], $0x640  }
0x1b8: {  	[sflag:s23] =	ssyncset.done $0x0  }
0x1b9: {  	[sflag:s23] =	ssyncadd.s32 $0xFFFFF9C0  }
0x1ba: {  	_ =	swait.ge [sflag:s26], $0x640  }
0x1bb: {  	[sflag:s26] =	ssyncset.done $0x0  }
0x1bc: {  	s20 =	rddreg [dreg:$0x13];
	[sflag:s26] =	ssyncadd.s32 $0xFFFFF9C0  }
0x1bd: {  	[hbm4b:s20+s2] =	stream.linear.scatter [tilespmem:s4], [sflag:$0x11], $0x640, $0x38;
	[tilespmem:$0xD400] =	vst v63  }
0x1be: {  	_ =	swait.ge [sflag:s23], $0x640  }
0x1bf: {  	s29 =	rddreg [dreg:$0x16]  }
0x1c0: {  	s31 =	rddreg [dreg:$0x14];
	s4 =	sadd.s32 $0x1, s29  }
0x1c1: {  	p0 =	sne.s32 s4, s31  }
.Ltmp1:
0x1c2: {  	_ = 	snop;
	(pc) =	sbr.rel @p0 .LBB2_1-.Ltmp1, $3  }
0x1c3: {  	_ =	sdelay $0x1  }
0x1c4: {  	[sflag:s23] =	ssyncset.done $0x0  }
0x1c5: {  	[sflag:s23] =	ssyncadd.s32 $0xFFFFF9C0  }
0x1c6: {  	_ =	sfence.sel $0x180000  }
0x1c7: {  	[bflag:$0x0] =	sbarrier.arrive $0xFFFF  }
0x1c8: {  	_ =	strace $0x90000047  }
0x1c9: {  	s0 =	stileid.u32;
	[bflag:$0x2] =	sbarrier.arrive $0xFFFF  }
0x1ca: {  	p0 =	sne.s32 s0, $0x0;
	s0 =	rddreg [dreg:$0x2]  }
0x1cb: {  	s0 =	sadd.s32 @!p0 $0x100000, s0  }
0x1cc: {  	[sflag:s0] =	ssyncadd.tile.s32 @!p0 $0x1;
	_ =	shalt  }
.Lfunc_end2:
_tile_overlayer_lowered:
.L_overlay_start_2:
0x1cd: {  	(tag) =	ssettag $0x2  }
0x1ce: {  	s0 =	rddreg [dreg:$0x0];
	s2 =	stileid.u32  }
0x1cf: {  	s1 =	rddreg [dreg:$0x1];
	p0 =	sne.s32 s2, $0x0  }
0x1d0: {  	s3 =	rddreg [dreg:$0x2];
	[bflag:$0x3] =	sbarrier.arrive $0xFFFF;
	s2 =	simm.s32 @!p0 $0x1C11  }
0x1d1: {  	[timem:s3], [sflag:s2] =	dma.local @!p0 [hbm:s0], s1  }
0x1d2: {  	s0 =	simm.s32 @!p0 $0x11  }
0x1d3: {  	_ =	swait.ge @!p0 [sflag:s0], s1  }
0x1d4: {  	s1 =	ssub.s32 @!p0 $0x0, s1;
	[sflag:s0] =	ssyncset.done @!p0 $0x0  }
0x1d5: {  	[sflag:s0] =	ssyncadd.s32 @!p0 s1  }
0x1d6: {  	[bflag:$0x3] =	sbarrier.arrive $0xFFFF  }
0x1d7: {  	_ =	shalt  }

// kernel: sparse-core-data-format-call.cloned.1.call-start
scs
called_computation_lowered:
.L_overlay_start_0:
0x0: {  	s2 =	sld [smem:$0x3FD9]  }
0x1: {  	s3 =	sld [smem:$0x3FFE];
	_ =	sdelay $0x1  }
0x2: {  	s1 =	srdreg.scid  }
0x3: {  	s0 =	sand.u32 $0x1, s1  }
0x4: {  	s18 =	sshll.u32 s0, $0xA;
	s2 =	sadd.s32 s3, s2  }
0x5: {  	s2 =	sadd.s32 s2, s18  }
0x6: {  	[smem:$0x3FC6] =	sst s2  }
0x7: {  	_ = 	snop  }
0x8: {  	s2 =	sld [smem:$0x3FD0];
	(tm) =	ssettm $0x1  }
0x9: {  	s19 =	sld [smem:$0x3FFB];
	_ =	sdelay $0x3  }
0xa: {  	_ =	strace s19  }
0xb: {  	s3 =	sld [smem:$0x3FFC];
	_ =	sdelay $0x3  }
0xc: {  	_ =	strace s3  }
0xd: {  	s3 =	sld [smem:$0x3FFD];
	_ =	sdelay $0x3  }
0xe: {  	_ =	strace s3  }
0xf: {  	_ =	strace $0x8FFFFFFF  }
0x10: {  	s20 =	sld [smem:$0x3FDB];
	_ =	sdelay $0x1  }
0x11: {  	s4 =	simm.s32 $_scs_section_size  }
0x12: {  	s5 =	simm.s32 $_size__tile_overlayer_lowered;
	s6 =	simm.s32 $_tile_overlayer_lowered  }
0x13: {  	s23 =	simm.s32 $0x1BFF;
	s22 =	sshll.u32 s6, $0x1;
	s3 =	sadd.s32 s4, s20  }
0x14: {  	s7 =	simm.s32 $0x0;
	s21 =	sshll.u32 s5, $0x1;
	s5 =	sadd.s32 s22, s3  }
0x15: {  	[timem:s7], [sflag:s23] =	dma.local [hbm:s5], s21  }
0x16: {  	_ =	swait.ge [sflag:s23], s21  }
0x17: {  	s4 =	ssub.s32 $0x0, s21;
	[sflag:s23] =	ssyncset.done $0x0  }
0x18: {  	[sflag:s23] =	ssyncadd.s32 s4;
	_ =	sdelay $0x1  }
0x19: {  	s24 =	simm.s32 $0x1B8B  }
0x1a: {  	_ =	swait.ge [sflag:s24], $0x1  }
0x1b: {  	[sflag:s24] =	ssyncset.done $0x0  }
0x1c: {  	s26 =	simm.s32 $0x1B8E;
	s25 =	sld [smem:$0x3FFE];
	[sflag:s24] =	ssyncadd.s32 $0xFFFFFFFF  }
0x1d: {  	s27 =	simm.s32 $execute0_lowered;
	[smem:$0x3FD2] =	sst s26  }
0x1e: {  	s5 =	sshll.u32 s27, $0x1;
	_ =	strace $0x80000049;
	[dreg:$0x1] =	wrdreg $0xFFFFFFFF  }
0x1f: {  	s28 =	simm.s32 $_size_execute0_lowered;
	s3 =	sadd.s32 s3, s5;
	[dreg:$0x0] =	wrdreg $0x0  }
0x20: {  	s5 =	sshll.u32 s28, $0x1;
	[dreg:$0x2] =	wrdreg s3  }
0x21: {  	[dreg:$0x3] =	wrdreg s5  }
0x22: {  	[dreg:$0x4] =	wrdreg $0xC0  }
0x23: {  	_ =	task [dreg:s7], $0x5FFFF  }
0x24: {  	[dreg:$0x1] =	wrdreg $0xFFFFFFFF  }
0x25: {  	[dreg:$0x0] =	wrdreg $0x60  }
0x26: {  	[dreg:$0x2] =	wrdreg s25  }
0x27: {  	[dreg:$0x3] =	wrdreg s2  }
0x28: {  	[dreg:$0x4] =	wrdreg $0x9  }
0x29: {  	_ =	task.clear_ibuf [dreg:s7], $0x5FFFF;
	_ =	strace $0x90000049  }
0x2a: {  	s29 =	simm.s32 $0x9;
	_ =	strace $0x8000004B  }
0x2b: {  	_ =	swait.ge [sflag:s29], $0x1  }
0x2c: {  	[sflag:s29] =	ssyncadd.s32 $0xFFFFFFFF  }
0x2d: {  	_ =	strace $0x9000004B  }
0x2e: {  	_ =	sfence  }
0x2f: {  	s30 =	sld [smem:$0x0];
	_ =	sdelay $0x2  }
0x30: {  	s31 =	sshll.u32 s1, $0xD;
	s1 =	sshrl.u32 s1, $0x2  }
0x31: {  	s3 =	sand.u32 $0x4000, s31;
	s1 =	sadd.s32 s1, s30  }
0x32: {  	s0 =	sor.u32 s3, s0;
	s1 =	sshll.u32 s1, $0x11  }
0x33: {  	s0 =	sor.u32 s1, s0  }
0x34: {  	s0 =	sadd.s32 $0x8F2B, s0  }
0x35: {  	[sflag:s0] =	ssyncadd.remote.s32 $0x1  }
0x36: {  	_ =	sfence.sel $0xFFFF  }
0x37: {  	[dreg:$0x0] =	wrdreg $0xFFFFFFFF;
	(pc) =	sbr.abs _section_cstart, $3  }
0x38: {  	[dreg:$0x1] =	wrdreg $0xFFFFFFFF  }
0x39: {  	_ =	task.clear_ibuf [dreg:s7], $0x2FFFF;
	_ =	strace $0x9FFFFFFF  }
0x3a: {  	(tm) =	ssettm $0x7FFFFFFF  }
0x3b: {  	_ =	shalt  }
tec
execute0_lowered:
.L_overlay_start_1:
0x0: {  	(tag) =	ssettag $0x1  }
0x1: {  	s0 =	srdreg.scid  }
0x2: {  	s1 =	sshll.u32 s0, $0x4  }
0x3: {  	s0 =	stileid.u32;
	s1 =	sand.u32 $0x10, s1  }
0x4: {  	s1 =	sor.u32 s0, s1  }
0x5: {  	s6 =	rddreg [dreg:$0x0];
	s4 =	simm.s32 $0x1;
	s2 =	sshll.u32 s1, $0x7  }
0x6: {  	s7 =	simm.s32 $0x2;
	s12 =	simm.s32 $0x0;
	s1 =	ssub.s32 $0x4000, s2  }
0x7: {  	s8 =	simm.s32 $0x20000;
	s13 =	simm.s32 $0x0;
	s3 =	sand.u32 $0xF80, s1  }
0x8: {  	s9 =	simm.s32 $0x0;
	s5 =	sshrl.u32 s1, $0xC;
	p0 =	sne.s32 s3, $0x0  }
.Ltmp0:
0x9: {  	s1 =	rddreg [dreg:$0x2];
	s4 =	simm.s32 @!p0 $0x0;
	(pc) =	sbr.rel .LBB1_1-.Ltmp0, $4  }
0xa: {  	s11 =	simm.s32 $0x0;
	s3 =	rddreg [dreg:$0x1];
	s5 =	sadd.s32 s4, s5  }
0xb: {  	_ =	strace $0x8000004A;
	s4 =	simm.s32 $0x1;
	s5 =	smul.u32 $0x32, s5  }
0xc: {  	s6 =	sadd.s32 $0xA00, s6;
	s10 =	smov.u32 s2;
	[sflag:s4] =	ssyncpa.u1 $0x0  }
0xd: {  	p0 =	por $0x0, $0x0;
	[sflag:s7] =	ssyncpa.u1 $0x0;
	s7 =	sor.u32 $0x1, s5  }
.LBB1_4:
0xe: {  	s16 =	sshll.u32 s13, $0x3;
	s17 =	sand.u32 $0x78, s13  }
0xf: {  	s30 =	sand.u32 $0xF800, s13;
	s12 =	sshll.u32 s12, $0x10;
	s16 =	sand.u32 $0x3C00, s16  }
0x10: {  	s31 =	sand.u32 $0x7, s13;
	s16 =	sor.u32 s17, s16;
	s17 =	sadd.s32 s3, s30  }
0x11: {  	s13 =	sshll.u32 s31, $0x12;
	s16 =	sshrl.u32 s16, $0x3;
	s12 =	sadd.s32 s12, s17  }
0x12: {  	[tilespmem:s15+$0x0 ss:$0x81] =	vst.msk $0xffff, v0;
	s13 =	sor.u32 $0x400, s13;
	s12 =	sadd.s32 s16, s12  }
0x13: {  	[hbm4b:s12+s13] =	stream.strided.scatter [tilespmem:s14], [sflag:$0x2], $0x1000, s8, s13, $0x20;
	[tilespmem:$0x4040] =	vst v63  }
.LBB1_5:
0x14: {  	s14 =	sadd.s32 $0x1, s9  }
0x15: {  	s12 =	sadd.s32 $0x1000, s10;
	s16 =	smov.u32 s10;
	p2 =	sgt.s32 s14, $0x31  }
0x16: {  	s16 =	smov.u32 @p2 s12  }
0x17: {  	s14 =	simm.s32 @p2 $0x0;
	p2 =	sgt.s32 s16, $0x3FFF  }
0x18: {  	s16 =	smov.u32 @p2 s2;
	p2 =	sne.s32 s11, s7  }
.Ltmp1:
0x19: {  	p1 =	slt.u32 s11, $0x2;
	(pc) =	sbr.rel @!p2 .LBB1_6-.Ltmp1, $4  }
0x1a: {  	s15 =	simm.s32 @!p1 $0x2  }
0x1b: {  	s13 =	smov.u32 s10;
	p0 =	por !p0, !p0;
	_ =	swait.ge @!p1 [sflag:s15], $0x1000  }
0x1c: {  	s12 =	smov.u32 s9;
	[sflag:s15] =	ssyncset.done @!p1 $0x0;
	s9 =	smov.u32 s14  }
0x1d: {  	s11 =	sadd.s32 $0x1, s11;
	[sflag:s15] =	ssyncadd.s32 @!p1 $0xFFFFF000;
	s10 =	smov.u32 s16  }
.LBB1_1:
0x1e: {  	p1 =	sge.u32 s11, s5  }
0x1f: {  	s14 =	sand.u32 @!p1 $0x1FFFFFF, s9  }
0x20: {  	s15 =	smulhi.u32 @!p1 $0x4924925, s14;
	_ =	sdelay $0x1  }
0x21: {  	s15 =	smul.u32 @!p1 $0x38, s15  }
0x22: {  	s16 =	sxor.u32 @!p1 $0xFFFFFFFF, s11;
	s17 =	smul.u32 @!p1 $0x380, s10  }
0x23: {  	s31 =	sadd.s32 $0xFFFFFFFF, s11;
	s16 =	sshll.u32 @!p1 s16, $0xC;
	s14 =	ssub.s32 @!p1 s14, s15  }
0x24: {  	s15 =	sand.u32 @!p1 $0x1000, s16;
	s16 =	sadd.s32 @!p1 s6, s17;
	s14 =	sshll.u32 @!p1 s14, $0x4  }
0x25: {  	s17 =	simm.s32 @!p1 $0x1C00;
	s14 =	sadd.s32 @!p1 s14, s16;
	s16 =	simm.s32 @!p1 $0x20  }
0x26: {  	[tilespmem:s15], [sflag:$0x1] =	stream.strided.gather @!p1 [hbm4b:s14+s16], $0x1000, s17, s16, $0x38;
	[tilespmem:$0x4040] =	vst v63  }
0x27: {  	p1 =	sge.u32 s31, s5  }
.Ltmp2:
0x28: {  	_ = 	snop;
	(pc) =	sbr.rel @p1 .LBB1_5-.Ltmp2, $1  }
0x29: {  	_ =	sdelay $0x3  }
0x2a: {  	s14 =	simm.s32 $0x1  }
0x2b: {  	_ =	swait.ge [sflag:s4], $0x1000;
	s14 =	simm.s32 @!p0 $0x0  }
0x2c: {  	[sflag:s4] =	ssyncset.done $0x0;
	s15 =	sshll.u32 s14, $0xC  }
0x2d: {  	[sflag:s4] =	ssyncadd.s32 $0xFFFFF000;
	s18 =	sor.u32 $0x10, s15  }
0x2e: {  	s14 =	smul.u32 $0x4080, s14;
	v1 =	vld [tilespmem:s18+$0x0]  }
0x2f: {  	s30 =	sand.u32 $0x1, s11;
	v0 =	vld [tilespmem:s18+$0xFFFFFFF0]  }
0x30: {  	s15 =	smul.u32 $0x4080, s30;
	s14 =	sshrl.u32 s14, $0x2  }
0x31: {  	s16 =	sor.u32 $0x2000, s14  }
0x32: {  	s31 =	sshrl.u32 s15, $0x2;
	s15 =	sadd.s32 $0x0, s16  }
0x33: {  	s17 =	simm.s32 $0x4;
	s18 =	sadd.s32 $0x20, s18;
	s14 =	sor.u32 $0x2000, s31;
	[tilespmem:s15+$0x810 ss:$0x81] =	vst.msk $0xffff, v1  }
.LBB1_3:
0x34: {  	v1 =	vld [tilespmem:s18+$0x0];
	p1 =	sne.s32 s17, $0x1FC;
	[tilespmem:s15+$0x0 ss:$0x81] =	vst.msk $0xffff, v0;
	s15 =	smov.u32 s17;
	s17 =	sadd.s32 $0x4, s17  }
.Ltmp3:
0x35: {  	v0 =	vld [tilespmem:s18+$0xFFFFFFF0];
	(pc) =	sbr.rel @p1 .LBB1_3-.Ltmp3, $4  }
0x36: {  	_ = 	snop  }
0x37: {  	s15 =	sshra.s32 s15, $0x2  }
0x38: {  	s15 =	sadd.s32 s15, s16  }
0x39: {  	s18 =	sadd.s32 $0x20, s18;
	[tilespmem:s15+$0x810 ss:$0x81] =	vst.msk $0xffff, v1  }
.Ltmp4:
0x3a: {  	_ = 	snop;
	(pc) =	sbr.rel .LBB1_4-.Ltmp4, $1  }
0x3b: {  	_ =	sdelay $0x3  }
.LBB1_6:
0x3c: {  	_ =	sfence.sel $0x180000  }
0x3d: {  	s2 =	simm.s32 $0x1;
	[bflag:$0x0] =	sbarrier.arrive $0xFFFF  }
0x3e: {  	s31 =	simm.s32 $0x2;
	[sflag:s2] =	ssyncpa.u1 $0x1  }
0x3f: {  	[sflag:s31] =	ssyncpa.u1 $0x1  }
0x40: {  	p0 =	sne.s32 s0, $0x0;
	_ =	strace $0x9000004A  }
0x41: {  	s0 =	sadd.s32 @!p0 $0x100000, s1;
	[bflag:$0x2] =	sbarrier.arrive $0xFFFF  }
0x42: {  	[sflag:s0] =	ssyncadd.tile.s32 @!p0 $0x1;
	_ =	shalt  }
.Lfunc_end1:
_tile_overlayer_lowered:
.L_overlay_start_2:
0x43: {  	(tag) =	ssettag $0x2  }
0x44: {  	s0 =	rddreg [dreg:$0x0];
	s2 =	stileid.u32  }
0x45: {  	s1 =	rddreg [dreg:$0x1];
	p0 =	sne.s32 s2, $0x0  }
0x46: {  	s3 =	rddreg [dreg:$0x2];
	[bflag:$0x3] =	sbarrier.arrive $0xFFFF;
	s2 =	simm.s32 @!p0 $0x1C01  }
0x47: {  	[timem:s3], [sflag:s2] =	dma.local @!p0 [hbm:s0], s1  }
0x48: {  	s0 =	simm.s32 @!p0 $0x1  }
0x49: {  	_ =	swait.ge @!p0 [sflag:s0], s1  }
0x4a: {  	s1 =	ssub.s32 @!p0 $0x0, s1;
	[sflag:s0] =	ssyncset.done @!p0 $0x0  }
0x4b: {  	[sflag:s0] =	ssyncadd.s32 @!p0 s1  }
0x4c: {  	[bflag:$0x3] =	sbarrier.arrive $0xFFFF  }
0x4d: {  	_ =	shalt  }

</sc_bundles>
